<compile_context>
chip_gen: v7x
topology: tpu7x:2x2x1
jax: 0.10.2.dev20260603
libtpu: 0.0.44.dev20260713+nightly
codegen_flags: <defaults>
</compile_context>

<pallas_src>
import functools

import jax
import jax.numpy as jnp
from jax import lax
from jax.experimental import pallas as pl
from jax.experimental.pallas import tpu as pltpu
from jax.experimental.pallas import tpu_sc as plsc

N, C, H, W = 16, 1, 512, 512
TOT = N * C * H * W
ROWS, COLS = 4096, 1024
GRID = 16
BLK = ROWS // GRID

NB = 1024
NC_SC, NS_SC, LANES = 2, 16, 16
NW = NC_SC * NS_SC
PER_W = TOT // NW
CHUNK = 8192
NCHUNK = PER_W // CHUNK
CH_ROWS = CHUNK // W
ROWS_W = PER_W // W
HIST_WORDS = 2 * NB * LANES
SL = (2 * NB) // NS_SC

_EPS = 1e-06
_NEG_RATIO = 3.0
_ALPHA = 5.0
_BETA = 10.0



def _pack_scalars(vals, scal_ref):
    col = jnp.stack(vals).reshape(len(vals), 1)
    lane = lax.broadcasted_iota(jnp.int32, (len(vals), 128), 1)
    scal_ref[...] = jnp.where(lane == 0, col, 0.0).reshape(1, len(vals), 128)


def _bce_body(x_ref, g_ref, m_ref, negloss_ref, scal_ref):
    x = x_ref[...]
    g = g_ref[...]
    m = m_ref[...]
    loss = jnp.maximum(x, 0.0) - x * g + jnp.log1p(jnp.exp(-jnp.abs(x)))
    pos = g * m
    negm = (1.0 - g) * m
    negloss = loss * negm
    negloss_ref[...] = negloss
    _pack_scalars([
        jnp.sum(pos),
        jnp.sum(negm),
        jnp.sum(loss * pos),
        jnp.sum(negloss),
    ], scal_ref)


def _l1dice_body(pt_ref, ptb_ref, g_ref, m_ref, tm_ref, tmk_ref, scal_ref):
    pt = pt_ref[...]
    tm = tm_ref[...]
    tmk = tmk_ref[...]
    p = ptb_ref[...]
    g = g_ref[...]
    m = m_ref[...]
    _pack_scalars([
        jnp.sum(jnp.abs(pt - tm) * tmk),
        jnp.sum(tmk),
        jnp.sum(p * g * m),
        jnp.sum(p * m),
    ], scal_ref)


def _bce_pass(bin_logits, gt, mask):
    negloss, scal = pl.pallas_call(
        _bce_body,
        grid=(GRID,),
        in_specs=[pl.BlockSpec((1, C, H, W), lambda i: (i, 0, 0, 0))] * 3,
        out_specs=[pl.BlockSpec((1, C, H, W), lambda i: (i, 0, 0, 0)),
                   pl.BlockSpec((1, 4, 128), lambda i: (i, 0, 0))],
        out_shape=[jax.ShapeDtypeStruct((N, C, H, W), jnp.float32),
                   jax.ShapeDtypeStruct((GRID, 4, 128), jnp.float32)],
    )(bin_logits, gt, mask)
    return negloss.reshape(N * H, W), scal.sum(axis=0)[:, 0]


def _l1dice_pass(pred_thresh, pred_thresh_binary, gt, mask, thresh_map,
                 thresh_mask):
    scal = pl.pallas_call(
        _l1dice_body,
        grid=(GRID,),
        in_specs=[pl.BlockSpec((1, C, H, W), lambda i: (i, 0, 0, 0))] * 6,
        out_specs=pl.BlockSpec((1, 4, 128), lambda i: (i, 0, 0)),
        out_shape=jax.ShapeDtypeStruct((GRID, 4, 128), jnp.float32),
    )(pred_thresh, pred_thresh_binary, gt, mask, thresh_map, thresh_mask)
    return scal.sum(axis=0)[:, 0]



def _zero_vmem(ref, words):
    z = jnp.zeros((LANES,), jnp.float32)

    def body(i, carry):
        ref[pl.ds(i * LANES, LANES)] = z
        return carry

    lax.fori_loop(0, words // LANES, body, 0, unroll=8)


_VB = 4


def _hist_common(data_hbm, out_hbm, hist_v, stage_a, stage_b, sem_a, sem_b,
                 red_v, row_v, acc_v, shared, level2_t_v):
    c = lax.axis_index("c")
    s = lax.axis_index("s")
    wid = s * NC_SC + c
    base = wid * ROWS_W

    _zero_vmem(hist_v, HIST_WORDS)

    lanes = lax.iota(jnp.int32, 16)
    ones = jnp.ones((LANES,), jnp.float32)
    if level2_t_v is not None:
        tvec = level2_t_v[...]

    def process(buf):
        def scatter_vecs(vs):
            us = [lax.bitcast_convert_type(v, jnp.uint32) for v in vs]
            if level2_t_v is None:
                idxs = [((u >> 17) & 0x3FF0).astype(jnp.int32) | lanes
                        for u in us]
                for idx in idxs:
                    plsc.addupdate_scatter(hist_v, [idx], ones)
                for idx, v in zip(idxs, vs):
                    plsc.addupdate_scatter(hist_v, [idx + NB * LANES], v)
            else:
                sels = [((u >> 21).astype(jnp.int32)) == tvec for u in us]
                idxs = [((u >> 7) & 0x3FF0).astype(jnp.int32) | lanes
                        for u in us]
                for idx, sel in zip(idxs, sels):
                    plsc.addupdate_scatter(hist_v, [idx], ones, mask=sel)
                for idx, v, sel in zip(idxs, vs, sels):
                    plsc.addupdate_scatter(hist_v, [idx + NB * LANES], v,
                                           mask=sel)

        def row_body(r, carry):
            def grp_body(g, carry2):
                scatter_vecs([
                    buf[r, pl.ds(g * (_VB * LANES) + t * LANES, LANES)]
                    for t in range(_VB)])
                return carry2

            lax.fori_loop(0, W // (_VB * LANES), grp_body, 0, unroll=2)
            return carry

        lax.fori_loop(0, CH_ROWS, row_body, 0)

    def dma(ci, buf, sem):
        return pltpu.make_async_copy(
            data_hbm.at[pl.ds(base + ci * CH_ROWS, CH_ROWS), :], buf, sem)

    dma(0, stage_a, sem_a).start()
    dma(1, stage_b, sem_b).start()

    def round_body(r, carry):
        ci = r * 2
        dma(ci, stage_a, sem_a).wait()
        process(stage_a)

        @pl.when(r < NCHUNK // 2 - 1)
        def _():
            dma(ci + 2, stage_a, sem_a).start()

        dma(ci + 1, stage_b, sem_b).wait()
        process(stage_b)

        @pl.when(r < NCHUNK // 2 - 1)
        def _():
            dma(ci + 3, stage_b, sem_b).start()

        return carry

    lax.fori_loop(0, NCHUNK // 2, round_body, 0)

    def red_body(gq, carry):
        acc = jnp.zeros((LANES,), jnp.float32)
        for r in range(LANES):
            v = hist_v[pl.ds((gq * LANES + r) * LANES, LANES)]
            acc = jnp.where(lanes == r, jnp.sum(v), acc)
        red_v[pl.ds(gq * LANES, LANES)] = acc
        return carry

    lax.fori_loop(0, (2 * NB) // LANES, red_body, 0)

    pltpu.sync_copy(red_v, shared.at[pl.ds(s * 2 * NB, 2 * NB)])
    plsc.subcore_barrier()

    _zero_vmem(acc_v, SL)

    def row_body(r, carry):
        pltpu.sync_copy(shared.at[pl.ds(r * 2 * NB + s * SL, SL)], row_v)

        def addv(i, carry2):
            d = pl.ds(i * LANES, LANES)
            acc_v[d] = acc_v[d] + row_v[d]
            return carry2

        lax.fori_loop(0, SL // LANES, addv, 0)
        return carry

    lax.fori_loop(0, NS_SC, row_body, 0)
    pltpu.sync_copy(acc_v, out_hbm.at[pl.ds(c * 2 * NB + s * SL, SL)])


def _make_hist_kernel(level2):
    mesh = plsc.VectorSubcoreMesh(core_axis_name="c", subcore_axis_name="s")
    scratch = [
        pltpu.VMEM((HIST_WORDS,), jnp.float32),
        pltpu.VMEM((CH_ROWS, W), jnp.float32),
        pltpu.VMEM((CH_ROWS, W), jnp.float32),
        pltpu.SemaphoreType.DMA,
        pltpu.SemaphoreType.DMA,
        pltpu.VMEM((2 * NB,), jnp.float32),
        pltpu.VMEM((SL,), jnp.float32),
        pltpu.VMEM((SL,), jnp.float32),
        pltpu.VMEM_SHARED((NS_SC * 2 * NB,), jnp.float32),
    ]
    if level2:
        scratch.append(pltpu.VMEM((LANES,), jnp.int32))

        @functools.partial(
            pl.kernel, mesh=mesh,
            out_type=jax.ShapeDtypeStruct((NC_SC * 2 * NB,), jnp.float32),
            scratch_types=scratch,
            compiler_params=pltpu.CompilerParams(needs_layout_passes=False))
        def hist2(data_hbm, t_hbm, out_hbm, hist_v, stage_a, stage_b, sem_a,
                  sem_b, red_v, row_v, acc_v, shared, t_v):
            pltpu.sync_copy(t_hbm, t_v)
            _hist_common(data_hbm, out_hbm, hist_v, stage_a, stage_b, sem_a,
                         sem_b, red_v, row_v, acc_v, shared, t_v)

        return hist2

    @functools.partial(
        pl.kernel, mesh=mesh,
        out_type=jax.ShapeDtypeStruct((NC_SC * 2 * NB,), jnp.float32),
        scratch_types=scratch,
        compiler_params=pltpu.CompilerParams(needs_layout_passes=False))
    def hist1(data_hbm, out_hbm, hist_v, stage_a, stage_b, sem_a, sem_b,
              red_v, row_v, acc_v, shared):
        _hist_common(data_hbm, out_hbm, hist_v, stage_a, stage_b, sem_a,
                     sem_b, red_v, row_v, acc_v, shared, None)

    return hist1


_hist1_call = _make_hist_kernel(level2=False)
_hist2_call = _make_hist_kernel(level2=True)


def _pick_bucket(counts, sums, k):
    csum = jnp.cumsum(counts)
    total = csum[NB - 1]
    r_cnt = total - csum + counts
    f_cnt = total - csum
    above_mask = r_cnt < k
    above_c = jnp.sum(jnp.where(above_mask, counts, 0.0))
    above_s = jnp.sum(jnp.where(above_mask, sums, 0.0))
    t = NB - jnp.sum((f_cnt < k).astype(jnp.int32))
    return t, above_c, above_s



def kernel(pred_binary, pred_thresh, pred_thresh_binary, bin_logits, gt,
           mask, thresh_map, thresh_mask):
    del pred_binary
    negloss, scal_a = _bce_pass(bin_logits, gt, mask)
    pos_cnt, neg_cnt, pos_loss, neg_total = (
        scal_a[0], scal_a[1], scal_a[2], scal_a[3])
    scal_b = _l1dice_pass(pred_thresh, pred_thresh_binary, gt, mask,
                          thresh_map, thresh_mask)
    l1_num, l1_den, dice_i, dice_pm = (
        scal_b[0], scal_b[1], scal_b[2], scal_b[3])

    k = jnp.minimum(neg_cnt,
                    (pos_cnt * _NEG_RATIO).astype(jnp.int32)
                    .astype(jnp.float32))

    h1 = _hist1_call(negloss).reshape(NC_SC, 2, NB).sum(axis=0)
    t1, above1_c, above1_s = _pick_bucket(h1[0], h1[1], k)

    t_arr = jnp.full((LANES,), 1, dtype=jnp.int32) * t1
    h2 = _hist2_call(negloss, t_arr).reshape(NC_SC, 2, NB).sum(axis=0)
    k2 = k - above1_c
    t2, above2_c, above2_s = _pick_bucket(h2[0], h2[1], k2)

    taken2 = k2 - above2_c
    edge = lax.bitcast_convert_type(
        ((t1.astype(jnp.uint32) << 21) | (t2.astype(jnp.uint32) << 11)),
        jnp.float32)
    neg_top = above1_s + above2_s + taken2 * edge
    neg_top = jnp.where(k >= neg_cnt, neg_total, neg_top)
    neg_top = jnp.where(k > 0, neg_top, 0.0)

    l_probability = (pos_loss + neg_top) / (pos_cnt + k + _EPS)
    l_thresh = l1_num / (l1_den + _EPS)
    l_binary = 1.0 - 2.0 * dice_i / (dice_pm + pos_cnt + _EPS)
    loss = l_probability + _ALPHA * l_binary + _BETA * l_thresh
    return (loss, l_probability, l_binary, l_thresh)

# --- scband reference (transcript-rebuilt; emitter-appended) ---
"""Pipeline reference for scband-dbloss-395136991438 (READ-ONLY COPY).

The authoritative reference and input builder live on the scoring server;
editing this copy changes nothing except your own understanding.
"""

import jax, jax.numpy as jnp
import numpy as np

N, C, H, W = 16, 1, 512, 512


def setup_inputs(seed: int = 0) -> dict:
    key = jax.random.key(seed)
    ks = jax.random.split(key, 8)
    pred_binary = jax.random.uniform(ks[0], (N, C, H, W), dtype=jnp.float32)
    pred_thresh = jax.random.uniform(ks[1], (N, C, H, W), dtype=jnp.float32)
    pred_thresh_binary = jax.random.uniform(ks[2], (N, C, H, W), dtype=jnp.float32)
    bin_logits = jax.random.normal(ks[3], (N, C, H, W), dtype=jnp.float32)
    gt = jax.random.randint(ks[4], (N, C, H, W), 0, 2).astype(jnp.float32)
    mask = jax.random.randint(ks[5], (N, C, H, W), 0, 2).astype(jnp.float32)
    thresh_map = jax.random.uniform(ks[6], (N, C, H, W), dtype=jnp.float32)
    thresh_mask = jax.random.randint(ks[7], (N, C, H, W), 0, 2).astype(jnp.float32)
    return {
        'pred_binary': pred_binary,
        'pred_thresh': pred_thresh,
        'pred_thresh_binary': pred_thresh_binary,
        'bin_logits': bin_logits,
        'gt': gt,
        'mask': mask,
        'thresh_map': thresh_map,
        'thresh_mask': thresh_mask,
    }


def _bce_with_logits(x, z):
    # numerically-stable BCE-with-logits, reduction='none'
    return jnp.maximum(x, 0.0) - x * z + jnp.log1p(jnp.exp(-jnp.abs(x)))


def reference(pred_binary, pred_thresh, pred_thresh_binary, bin_logits, gt, mask, thresh_map, thresh_mask):
    eps = 1e-06
    negative_ratio = 3.0
    alpha = 5.0
    beta = 10.0

    # --- BalanceCrossEntropyLoss (OHEM) ---
    positive = (gt * mask).astype(jnp.uint8).astype(jnp.float32)
    negative = ((1.0 - gt) * mask).astype(jnp.uint8).astype(jnp.float32)
    positive_count = positive.sum().astype(jnp.int32)
    negative_count = jnp.minimum(
        negative.sum().astype(jnp.int32),
        (positive_count.astype(jnp.float32) * negative_ratio).astype(jnp.int32),
    )
    loss_map = _bce_with_logits(bin_logits, gt)
    positive_loss = loss_map * positive
    negative_loss = loss_map * negative
    neg_flat = negative_loss.reshape(-1)
    total = neg_flat.shape[0]
    neg_sorted, _ = jax.lax.top_k(neg_flat, total)
    neg_top = jnp.where(jnp.arange(total) < negative_count, neg_sorted, 0.0)
    l_probability = (positive_loss.sum() + neg_top.sum()) / (
        (positive_count + negative_count).astype(jnp.float32) + eps)

    # --- MaskL1Loss ---
    l_thresh = (jnp.abs(pred_thresh - thresh_map) * thresh_mask).sum() / (thresh_mask.sum() + eps)

    # --- DiceLoss ---
    p = jnp.squeeze(pred_thresh_binary, axis=1)
    g = jnp.squeeze(gt, axis=1)
    m = jnp.squeeze(mask, axis=1)
    intersection = (p * g * m).sum()
    union = (p * m).sum() + (g * m).sum() + eps
    l_binary = 1.0 - 2.0 * intersection / union

    loss = l_probability + alpha * l_binary + beta * l_thresh
    return (loss, l_probability, l_binary, l_thresh)

if __name__ == "__main__":
    import jax
    _d = setup_inputs()
    print(jax.jit(kernel)(*tuple(_d.values())))

</pallas_src>

<mosaic_0001>
#map = affine_map<(d0, d1) -> (0, 0)>
#map1 = affine_map<(d0, d1) -> (0)>
module attributes {stable_mosaic.version = 14 : i64} {
  func.func @hist2(%arg0: i32, %arg1: i32, %arg2: memref<8192x512xf32, #tpu.memory_space<hbm>>, %arg3: memref<16xi32, #tpu.memory_space<hbm>>, %arg4: memref<4096xf32, #tpu.memory_space<hbm>>, %arg5: memref<32768xf32, #tpu.memory_space<vmem>>, %arg6: memref<16x512xf32, #tpu.memory_space<vmem>>, %arg7: memref<16x512xf32, #tpu.memory_space<vmem>>, %arg8: memref<!tpu.dma_semaphore, #tpu.memory_space<semaphore_mem>>, %arg9: memref<!tpu.dma_semaphore, #tpu.memory_space<semaphore_mem>>, %arg10: memref<2048xf32, #tpu.memory_space<vmem>>, %arg11: memref<128xf32, #tpu.memory_space<vmem>>, %arg12: memref<128xf32, #tpu.memory_space<vmem>>, %arg13: memref<32768xf32, #tpu.memory_space<vmem_shared>>, %arg14: memref<16xi32, #tpu.memory_space<vmem>>) attributes {dimension_semantics = [#tpu.dimension_semantics<core_parallel>, #tpu.dimension_semantics<subcore_parallel>], iteration_bounds = array<i64: 2, 16>, scalar_prefetch = 0 : i64, scratch_operands = 10 : i64, tpu.core_type = #tpu.core_type<sc_vector_subcore>, window_params = [{transform_indices = #map}, {transform_indices = #map1}, {transform_indices = #map1}]} {
    "tpu.region"() ({
      %run_scoped3A = tpu.sem_alloc : memref<!tpu.dma_semaphore, #tpu.memory_space<semaphore_mem>>
      tpu.enqueue_dma source(%arg3 : memref<16xi32, #tpu.memory_space<hbm>>) target(%arg14 : memref<16xi32, #tpu.memory_space<vmem>>) target_semaphore(%run_scoped3A : memref<!tpu.dma_semaphore, #tpu.memory_space<semaphore_mem>>)
      tpu.wait_dma2 semaphore(%run_scoped3A : memref<!tpu.dma_semaphore, #tpu.memory_space<semaphore_mem>>) src(%arg3 : memref<16xi32, #tpu.memory_space<hbm>>) dst(%arg14 : memref<16xi32, #tpu.memory_space<vmem>>)
      tpu.yield
    }) : () -> ()
    %mul3A = arith.constant 2 : i32
    %mul3A_0 = arith.muli %arg1, %mul3A : i32
    %add3A = arith.addi %mul3A_0, %arg0 : i32
    %mul3A_1 = arith.constant 256 : i32
    %mul3A_2 = arith.muli %add3A, %mul3A_1 : i32
    %broadcast_in_dim3A = arith.constant 0.000000e+00 : f32
    %broadcast_in_dim3A_3 = vector.broadcast %broadcast_in_dim3A : f32 to vector<16xf32>
    %scan3A = arith.constant 0 : i32
    %scan3A_4 = arith.constant 0 : i32
    %scan3A_5 = arith.constant 2048 : i32
    %scan3A_6 = arith.addi %scan3A_4, %scan3A_5 : i32
    %scan3A_7 = arith.constant 8 : i32
    scf.for %scan3A_95 = %scan3A_4 to %scan3A_6 step %scan3A_7  : i32 {
      %mul3A_96 = arith.constant 16 : i32
      %mul3A_97 = arith.muli %scan3A_95, %mul3A_96 : i32
      %swap3A_98 = arith.index_cast %mul3A_97 : i32 to index
      %swap3A_99 = tpu.vector_load %arg5[%swap3A_98] {strides = array<i32>} : memref<32768xf32, #tpu.memory_space<vmem>>, vector<16xf32>,
      tpu.vector_store %arg5[%swap3A_98], %broadcast_in_dim3A_3 {strides = array<i32>} : memref<32768xf32, #tpu.memory_space<vmem>>, vector<16xf32>,
      %scan3A_100 = arith.constant 1 : i32
      %scan3A_101 = arith.addi %scan3A_95, %scan3A_100 : i32
      %mul3A_102 = arith.constant 16 : i32
      %mul3A_103 = arith.muli %scan3A_101, %mul3A_102 : i32
      %swap3A_104 = arith.index_cast %mul3A_103 : i32 to index
      %swap3A_105 = tpu.vector_load %arg5[%swap3A_104] {strides = array<i32>} : memref<32768xf32, #tpu.memory_space<vmem>>, vector<16xf32>,
      tpu.vector_store %arg5[%swap3A_104], %broadcast_in_dim3A_3 {strides = array<i32>} : memref<32768xf32, #tpu.memory_space<vmem>>, vector<16xf32>,
      %scan3A_106 = arith.constant 2 : i32
      %scan3A_107 = arith.addi %scan3A_95, %scan3A_106 : i32
      %mul3A_108 = arith.constant 16 : i32
      %mul3A_109 = arith.muli %scan3A_107, %mul3A_108 : i32
      %swap3A_110 = arith.index_cast %mul3A_109 : i32 to index
      %swap3A_111 = tpu.vector_load %arg5[%swap3A_110] {strides = array<i32>} : memref<32768xf32, #tpu.memory_space<vmem>>, vector<16xf32>,
      tpu.vector_store %arg5[%swap3A_110], %broadcast_in_dim3A_3 {strides = array<i32>} : memref<32768xf32, #tpu.memory_space<vmem>>, vector<16xf32>,
      %scan3A_112 = arith.constant 3 : i32
      %scan3A_113 = arith.addi %scan3A_95, %scan3A_112 : i32
      %mul3A_114 = arith.constant 16 : i32
      %mul3A_115 = arith.muli %scan3A_113, %mul3A_114 : i32
      %swap3A_116 = arith.index_cast %mul3A_115 : i32 to index
      %swap3A_117 = tpu.vector_load %arg5[%swap3A_116] {strides = array<i32>} : memref<32768xf32, #tpu.memory_space<vmem>>, vector<16xf32>,
      tpu.vector_store %arg5[%swap3A_116], %broadcast_in_dim3A_3 {strides = array<i32>} : memref<32768xf32, #tpu.memory_space<vmem>>, vector<16xf32>,
      %scan3A_118 = arith.constant 4 : i32
      %scan3A_119 = arith.addi %scan3A_95, %scan3A_118 : i32
      %mul3A_120 = arith.constant 16 : i32
      %mul3A_121 = arith.muli %scan3A_119, %mul3A_120 : i32
      %swap3A_122 = arith.index_cast %mul3A_121 : i32 to index
      %swap3A_123 = tpu.vector_load %arg5[%swap3A_122] {strides = array<i32>} : memref<32768xf32, #tpu.memory_space<vmem>>, vector<16xf32>,
      tpu.vector_store %arg5[%swap3A_122], %broadcast_in_dim3A_3 {strides = array<i32>} : memref<32768xf32, #tpu.memory_space<vmem>>, vector<16xf32>,
      %scan3A_124 = arith.constant 5 : i32
      %scan3A_125 = arith.addi %scan3A_95, %scan3A_124 : i32
      %mul3A_126 = arith.constant 16 : i32
      %mul3A_127 = arith.muli %scan3A_125, %mul3A_126 : i32
      %swap3A_128 = arith.index_cast %mul3A_127 : i32 to index
      %swap3A_129 = tpu.vector_load %arg5[%swap3A_128] {strides = array<i32>} : memref<32768xf32, #tpu.memory_space<vmem>>, vector<16xf32>,
      tpu.vector_store %arg5[%swap3A_128], %broadcast_in_dim3A_3 {strides = array<i32>} : memref<32768xf32, #tpu.memory_space<vmem>>, vector<16xf32>,
      %scan3A_130 = arith.constant 6 : i32
      %scan3A_131 = arith.addi %scan3A_95, %scan3A_130 : i32
      %mul3A_132 = arith.constant 16 : i32
      %mul3A_133 = arith.muli %scan3A_131, %mul3A_132 : i32
      %swap3A_134 = arith.index_cast %mul3A_133 : i32 to index
      %swap3A_135 = tpu.vector_load %arg5[%swap3A_134] {strides = array<i32>} : memref<32768xf32, #tpu.memory_space<vmem>>, vector<16xf32>,
      tpu.vector_store %arg5[%swap3A_134], %broadcast_in_dim3A_3 {strides = array<i32>} : memref<32768xf32, #tpu.memory_space<vmem>>, vector<16xf32>,
      %scan3A_136 = arith.constant 7 : i32
      %scan3A_137 = arith.addi %scan3A_95, %scan3A_136 : i32
      %mul3A_138 = arith.constant 16 : i32
      %mul3A_139 = arith.muli %scan3A_137, %mul3A_138 : i32
      %swap3A_140 = arith.index_cast %mul3A_139 : i32 to index
      %swap3A_141 = tpu.vector_load %arg5[%swap3A_140] {strides = array<i32>} : memref<32768xf32, #tpu.memory_space<vmem>>, vector<16xf32>,
      tpu.vector_store %arg5[%swap3A_140], %broadcast_in_dim3A_3 {strides = array<i32>} : memref<32768xf32, #tpu.memory_space<vmem>>, vector<16xf32>,
    }
    %scan3A_8 = arith.constant 2048 : i32
    %iota3A = tpu.iota {dimensions = array<i32: 0>} : vector<16xi32>
    %broadcast_in_dim3A_9 = arith.constant 1.000000e+00 : f32
    %broadcast_in_dim3A_10 = vector.broadcast %broadcast_in_dim3A_9 : f32 to vector<16xf32>
    %get3A = arith.constant 0 : index
    %get3A_11 = tpu.vector_load %arg14[%get3A] {strides = array<i32>} : memref<16xi32, #tpu.memory_space<vmem>>, vector<16xi32>,
    %add3A_12 = arith.constant 0 : i32
    %add3A_13 = arith.addi %mul3A_2, %add3A_12 : i32
    %dma_start3A = arith.constant 0 : i32
    %dma_start3A_14 = tpu.memref_slice %arg2[%add3A_13, %dma_start3A] : memref<8192x512xf32, #tpu.memory_space<hbm>> -> memref<16x512xf32, #tpu.memory_space<hbm>>
    %dma_start3A_15 = arith.constant 0 : i32
    %dma_start3A_16 = tpu.memref_slice %arg2[%add3A_13, %dma_start3A_15] : memref<8192x512xf32, #tpu.memory_space<hbm>> -> memref<16x512xf32, #tpu.memory_space<hbm>>
    tpu.enqueue_dma source(%dma_start3A_16 : memref<16x512xf32, #tpu.memory_space<hbm>>) target(%arg6 : memref<16x512xf32, #tpu.memory_space<vmem>>) target_semaphore(%arg8 : memref<!tpu.dma_semaphore, #tpu.memory_space<semaphore_mem>>)
    %add3A_17 = arith.constant 16 : i32
    %add3A_18 = arith.addi %mul3A_2, %add3A_17 : i32
    %dma_start3A_19 = arith.constant 0 : i32
    %dma_start3A_20 = tpu.memref_slice %arg2[%add3A_18, %dma_start3A_19] : memref<8192x512xf32, #tpu.memory_space<hbm>> -> memref<16x512xf32, #tpu.memory_space<hbm>>
    %dma_start3A_21 = arith.constant 0 : i32
    %dma_start3A_22 = tpu.memref_slice %arg2[%add3A_18, %dma_start3A_21] : memref<8192x512xf32, #tpu.memory_space<hbm>> -> memref<16x512xf32, #tpu.memory_space<hbm>>
    tpu.enqueue_dma source(%dma_start3A_22 : memref<16x512xf32, #tpu.memory_space<hbm>>) target(%arg7 : memref<16x512xf32, #tpu.memory_space<vmem>>) target_semaphore(%arg9 : memref<!tpu.dma_semaphore, #tpu.memory_space<semaphore_mem>>)
    %scan3A_23 = arith.constant 0 : i32
    %scan3A_24 = arith.constant 0 : i32
    %scan3A_25 = arith.constant 8 : i32
    %scan3A_26 = arith.addi %scan3A_24, %scan3A_25 : i32
    %scan3A_27 = arith.constant 1 : i32
    scf.for %scan3A_95 = %scan3A_24 to %scan3A_26 step %scan3A_27  : i32 {
      %mul3A_96 = arith.constant 2 : i32
      %mul3A_97 = arith.muli %scan3A_95, %mul3A_96 : i32
      %mul3A_98 = arith.constant 16 : i32
      %mul3A_99 = arith.muli %mul3A_97, %mul3A_98 : i32
      %add3A_100 = arith.addi %mul3A_2, %mul3A_99 : i32
      %dma_wait3A = arith.constant 0 : i32
      %dma_wait3A_101 = tpu.memref_slice %arg2[%add3A_100, %dma_wait3A] : memref<8192x512xf32, #tpu.memory_space<hbm>> -> memref<16x512xf32, #tpu.memory_space<hbm>>
      %dma_wait3A_102 = arith.constant 0 : i32
      %dma_wait3A_103 = tpu.memref_slice %arg2[%add3A_100, %dma_wait3A_102] : memref<8192x512xf32, #tpu.memory_space<hbm>> -> memref<16x512xf32, #tpu.memory_space<hbm>>
      tpu.wait_dma2 semaphore(%arg8 : memref<!tpu.dma_semaphore, #tpu.memory_space<semaphore_mem>>) src(%dma_wait3A_103 : memref<16x512xf32, #tpu.memory_space<hbm>>) dst(%arg6 : memref<16x512xf32, #tpu.memory_space<vmem>>)
      %scan3A_104 = arith.constant 0 : i32
      %scan3A_105 = arith.constant 0 : i32
      %scan3A_106 = arith.constant 16 : i32
      %scan3A_107 = arith.addi %scan3A_105, %scan3A_106 : i32
      %scan3A_108 = arith.constant 1 : i32
      scf.for %scan3A_132 = %scan3A_105 to %scan3A_107 step %scan3A_108  : i32 {
        %scan3A_133 = arith.constant 0 : i32
        %scan3A_134 = arith.constant 0 : i32
        %scan3A_135 = arith.constant 8 : i32
        %scan3A_136 = arith.addi %scan3A_134, %scan3A_135 : i32
        %scan3A_137 = arith.constant 2 : i32
        scf.for %scan3A_139 = %scan3A_134 to %scan3A_136 step %scan3A_137  : i32 {
          %mul3A_140 = arith.constant 64 : i32
          %mul3A_141 = arith.muli %scan3A_139, %mul3A_140 : i32
          %add3A_142 = arith.constant 0 : i32
          %add3A_143 = arith.addi %mul3A_141, %add3A_142 : i32
          %get3A_144 = arith.index_cast %scan3A_132 : i32 to index
          %get3A_145 = arith.index_cast %add3A_143 : i32 to index
          %get3A_146 = tpu.vector_load %arg6[%get3A_144, %get3A_145] {strides = array<i32>} : memref<16x512xf32, #tpu.memory_space<vmem>>, vector<16xf32>,
          %mul3A_147 = arith.constant 64 : i32
          %mul3A_148 = arith.muli %scan3A_139, %mul3A_147 : i32
          %add3A_149 = arith.constant 16 : i32
          %add3A_150 = arith.addi %mul3A_148, %add3A_149 : i32
          %get3A_151 = arith.index_cast %scan3A_132 : i32 to index
          %get3A_152 = arith.index_cast %add3A_150 : i32 to index
          %get3A_153 = tpu.vector_load %arg6[%get3A_151, %get3A_152] {strides = array<i32>} : memref<16x512xf32, #tpu.memory_space<vmem>>, vector<16xf32>,
          %mul3A_154 = arith.constant 64 : i32
          %mul3A_155 = arith.muli %scan3A_139, %mul3A_154 : i32
          %add3A_156 = arith.constant 32 : i32
          %add3A_157 = arith.addi %mul3A_155, %add3A_156 : i32
          %get3A_158 = arith.index_cast %scan3A_132 : i32 to index
          %get3A_159 = arith.index_cast %add3A_157 : i32 to index
          %get3A_160 = tpu.vector_load %arg6[%get3A_158, %get3A_159] {strides = array<i32>} : memref<16x512xf32, #tpu.memory_space<vmem>>, vector<16xf32>,
          %mul3A_161 = arith.constant 64 : i32
          %mul3A_162 = arith.muli %scan3A_139, %mul3A_161 : i32
          %add3A_163 = arith.constant 48 : i32
          %add3A_164 = arith.addi %mul3A_162, %add3A_163 : i32
          %get3A_165 = arith.index_cast %scan3A_132 : i32 to index
          %get3A_166 = arith.index_cast %add3A_164 : i32 to index
          %get3A_167 = tpu.vector_load %arg6[%get3A_165, %get3A_166] {strides = array<i32>} : memref<16x512xf32, #tpu.memory_space<vmem>>, vector<16xf32>,
          %bitcast_convert_type3A = tpu.bitcast %get3A_146 : vector<16xf32> -> vector<16xi32>
          %bitcast_convert_type3A_168 = tpu.bitcast %get3A_153 : vector<16xf32> -> vector<16xi32>
          %bitcast_convert_type3A_169 = tpu.bitcast %get3A_160 : vector<16xf32> -> vector<16xi32>
          %bitcast_convert_type3A_170 = tpu.bitcast %get3A_167 : vector<16xf32> -> vector<16xi32>
          %shift_right_logical3A = arith.constant 21 : i32
          %shift_right_logical3A_171 = vector.broadcast %shift_right_logical3A : i32 to vector<16xi32>
          %shift_right_logical3A_172 = arith.shrui %bitcast_convert_type3A, %shift_right_logical3A_171 : vector<16xi32>
          %eq3A = arith.cmpi eq, %shift_right_logical3A_172, %get3A_11 : vector<16xi32>
          %shift_right_logical3A_173 = arith.constant 21 : i32
          %shift_right_logical3A_174 = vector.broadcast %shift_right_logical3A_173 : i32 to vector<16xi32>
          %shift_right_logical3A_175 = arith.shrui %bitcast_convert_type3A_168, %shift_right_logical3A_174 : vector<16xi32>
          %eq3A_176 = arith.cmpi eq, %shift_right_logical3A_175, %get3A_11 : vector<16xi32>
          %shift_right_logical3A_177 = arith.constant 21 : i32
          %shift_right_logical3A_178 = vector.broadcast %shift_right_logical3A_177 : i32 to vector<16xi32>
          %shift_right_logical3A_179 = arith.shrui %bitcast_convert_type3A_169, %shift_right_logical3A_178 : vector<16xi32>
          %eq3A_180 = arith.cmpi eq, %shift_right_logical3A_179, %get3A_11 : vector<16xi32>
          %shift_right_logical3A_181 = arith.constant 21 : i32
          %shift_right_logical3A_182 = vector.broadcast %shift_right_logical3A_181 : i32 to vector<16xi32>
          %shift_right_logical3A_183 = arith.shrui %bitcast_convert_type3A_170, %shift_right_logical3A_182 : vector<16xi32>
          %eq3A_184 = arith.cmpi eq, %shift_right_logical3A_183, %get3A_11 : vector<16xi32>
          %shift_right_logical3A_185 = arith.constant 7 : i32
          %shift_right_logical3A_186 = vector.broadcast %shift_right_logical3A_185 : i32 to vector<16xi32>
          %shift_right_logical3A_187 = arith.shrui %bitcast_convert_type3A, %shift_right_logical3A_186 : vector<16xi32>
          %and3A = arith.constant 16368 : i32
          %and3A_188 = vector.broadcast %and3A : i32 to vector<16xi32>
          %and3A_189 = arith.andi %shift_right_logical3A_187, %and3A_188 : vector<16xi32>
          %or3A = arith.ori %and3A_189, %iota3A : vector<16xi32>
          %shift_right_logical3A_190 = arith.constant 7 : i32
          %shift_right_logical3A_191 = vector.broadcast %shift_right_logical3A_190 : i32 to vector<16xi32>
          %shift_right_logical3A_192 = arith.shrui %bitcast_convert_type3A_168, %shift_right_logical3A_191 : vector<16xi32>
          %and3A_193 = arith.constant 16368 : i32
          %and3A_194 = vector.broadcast %and3A_193 : i32 to vector<16xi32>
          %and3A_195 = arith.andi %shift_right_logical3A_192, %and3A_194 : vector<16xi32>
          %or3A_196 = arith.ori %and3A_195, %iota3A : vector<16xi32>
          %shift_right_logical3A_197 = arith.constant 7 : i32
          %shift_right_logical3A_198 = vector.broadcast %shift_right_logical3A_197 : i32 to vector<16xi32>
          %shift_right_logical3A_199 = arith.shrui %bitcast_convert_type3A_169, %shift_right_logical3A_198 : vector<16xi32>
          %and3A_200 = arith.constant 16368 : i32
          %and3A_201 = vector.broadcast %and3A_200 : i32 to vector<16xi32>
          %and3A_202 = arith.andi %shift_right_logical3A_199, %and3A_201 : vector<16xi32>
          %or3A_203 = arith.ori %and3A_202, %iota3A : vector<16xi32>
          %shift_right_logical3A_204 = arith.constant 7 : i32
          %shift_right_logical3A_205 = vector.broadcast %shift_right_logical3A_204 : i32 to vector<16xi32>
          %shift_right_logical3A_206 = arith.shrui %bitcast_convert_type3A_170, %shift_right_logical3A_205 : vector<16xi32>
          %and3A_207 = arith.constant 16368 : i32
          %and3A_208 = vector.broadcast %and3A_207 : i32 to vector<16xi32>
          %and3A_209 = arith.andi %shift_right_logical3A_206, %and3A_208 : vector<16xi32>
          %or3A_210 = arith.ori %and3A_209, %iota3A : vector<16xi32>
          tpu.vector_store_idx %arg5[%or3A], %broadcast_in_dim3A_10 masked %eq3A {add = true} : memref<32768xf32, #tpu.memory_space<vmem>>[vector<16xi32>], vector<16xf32>, vector<16xi1>
          tpu.vector_store_idx %arg5[%or3A_196], %broadcast_in_dim3A_10 masked %eq3A_176 {add = true} : memref<32768xf32, #tpu.memory_space<vmem>>[vector<16xi32>], vector<16xf32>, vector<16xi1>
          tpu.vector_store_idx %arg5[%or3A_203], %broadcast_in_dim3A_10 masked %eq3A_180 {add = true} : memref<32768xf32, #tpu.memory_space<vmem>>[vector<16xi32>], vector<16xf32>, vector<16xi1>
          tpu.vector_store_idx %arg5[%or3A_210], %broadcast_in_dim3A_10 masked %eq3A_184 {add = true} : memref<32768xf32, #tpu.memory_space<vmem>>[vector<16xi32>], vector<16xf32>, vector<16xi1>
          %add3A_211 = arith.constant 16384 : i32
          %add3A_212 = vector.broadcast %add3A_211 : i32 to vector<16xi32>
          %add3A_213 = arith.addi %or3A, %add3A_212 : vector<16xi32>
          tpu.vector_store_idx %arg5[%add3A_213], %get3A_146 masked %eq3A {add = true} : memref<32768xf32, #tpu.memory_space<vmem>>[vector<16xi32>], vector<16xf32>, vector<16xi1>
          %add3A_214 = arith.constant 16384 : i32
          %add3A_215 = vector.broadcast %add3A_214 : i32 to vector<16xi32>
          %add3A_216 = arith.addi %or3A_196, %add3A_215 : vector<16xi32>
          tpu.vector_store_idx %arg5[%add3A_216], %get3A_153 masked %eq3A_176 {add = true} : memref<32768xf32, #tpu.memory_space<vmem>>[vector<16xi32>], vector<16xf32>, vector<16xi1>
          %add3A_217 = arith.constant 16384 : i32
          %add3A_218 = vector.broadcast %add3A_217 : i32 to vector<16xi32>
          %add3A_219 = arith.addi %or3A_203, %add3A_218 : vector<16xi32>
          tpu.vector_store_idx %arg5[%add3A_219], %get3A_160 masked %eq3A_180 {add = true} : memref<32768xf32, #tpu.memory_space<vmem>>[vector<16xi32>], vector<16xf32>, vector<16xi1>
          %add3A_220 = arith.constant 16384 : i32
          %add3A_221 = vector.broadcast %add3A_220 : i32 to vector<16xi32>
          %add3A_222 = arith.addi %or3A_210, %add3A_221 : vector<16xi32>
          tpu.vector_store_idx %arg5[%add3A_222], %get3A_167 masked %eq3A_184 {add = true} : memref<32768xf32, #tpu.memory_space<vmem>>[vector<16xi32>], vector<16xf32>, vector<16xi1>
          %scan3A_223 = arith.constant 1 : i32
          %scan3A_224 = arith.addi %scan3A_139, %scan3A_223 : i32
          %mul3A_225 = arith.constant 64 : i32
          %mul3A_226 = arith.muli %scan3A_224, %mul3A_225 : i32
          %add3A_227 = arith.constant 0 : i32
          %add3A_228 = arith.addi %mul3A_226, %add3A_227 : i32
          %get3A_229 = arith.index_cast %scan3A_132 : i32 to index
          %get3A_230 = arith.index_cast %add3A_228 : i32 to index
          %get3A_231 = tpu.vector_load %arg6[%get3A_229, %get3A_230] {strides = array<i32>} : memref<16x512xf32, #tpu.memory_space<vmem>>, vector<16xf32>,
          %mul3A_232 = arith.constant 64 : i32
          %mul3A_233 = arith.muli %scan3A_224, %mul3A_232 : i32
          %add3A_234 = arith.constant 16 : i32
          %add3A_235 = arith.addi %mul3A_233, %add3A_234 : i32
          %get3A_236 = arith.index_cast %scan3A_132 : i32 to index
          %get3A_237 = arith.index_cast %add3A_235 : i32 to index
          %get3A_238 = tpu.vector_load %arg6[%get3A_236, %get3A_237] {strides = array<i32>} : memref<16x512xf32, #tpu.memory_space<vmem>>, vector<16xf32>,
          %mul3A_239 = arith.constant 64 : i32
          %mul3A_240 = arith.muli %scan3A_224, %mul3A_239 : i32
          %add3A_241 = arith.constant 32 : i32
          %add3A_242 = arith.addi %mul3A_240, %add3A_241 : i32
          %get3A_243 = arith.index_cast %scan3A_132 : i32 to index
          %get3A_244 = arith.index_cast %add3A_242 : i32 to index
          %get3A_245 = tpu.vector_load %arg6[%get3A_243, %get3A_244] {strides = array<i32>} : memref<16x512xf32, #tpu.memory_space<vmem>>, vector<16xf32>,
          %mul3A_246 = arith.constant 64 : i32
          %mul3A_247 = arith.muli %scan3A_224, %mul3A_246 : i32
          %add3A_248 = arith.constant 48 : i32
          %add3A_249 = arith.addi %mul3A_247, %add3A_248 : i32
          %get3A_250 = arith.index_cast %scan3A_132 : i32 to index
          %get3A_251 = arith.index_cast %add3A_249 : i32 to index
          %get3A_252 = tpu.vector_load %arg6[%get3A_250, %get3A_251] {strides = array<i32>} : memref<16x512xf32, #tpu.memory_space<vmem>>, vector<16xf32>,
          %bitcast_convert_type3A_253 = tpu.bitcast %get3A_231 : vector<16xf32> -> vector<16xi32>
          %bitcast_convert_type3A_254 = tpu.bitcast %get3A_238 : vector<16xf32> -> vector<16xi32>
          %bitcast_convert_type3A_255 = tpu.bitcast %get3A_245 : vector<16xf32> -> vector<16xi32>
          %bitcast_convert_type3A_256 = tpu.bitcast %get3A_252 : vector<16xf32> -> vector<16xi32>
          %shift_right_logical3A_257 = arith.constant 21 : i32
          %shift_right_logical3A_258 = vector.broadcast %shift_right_logical3A_257 : i32 to vector<16xi32>
          %shift_right_logical3A_259 = arith.shrui %bitcast_convert_type3A_253, %shift_right_logical3A_258 : vector<16xi32>
          %eq3A_260 = arith.cmpi eq, %shift_right_logical3A_259, %get3A_11 : vector<16xi32>
          %shift_right_logical3A_261 = arith.constant 21 : i32
          %shift_right_logical3A_262 = vector.broadcast %shift_right_logical3A_261 : i32 to vector<16xi32>
          %shift_right_logical3A_263 = arith.shrui %bitcast_convert_type3A_254, %shift_right_logical3A_262 : vector<16xi32>
          %eq3A_264 = arith.cmpi eq, %shift_right_logical3A_263, %get3A_11 : vector<16xi32>
          %shift_right_logical3A_265 = arith.constant 21 : i32
          %shift_right_logical3A_266 = vector.broadcast %shift_right_logical3A_265 : i32 to vector<16xi32>
          %shift_right_logical3A_267 = arith.shrui %bitcast_convert_type3A_255, %shift_right_logical3A_266 : vector<16xi32>
          %eq3A_268 = arith.cmpi eq, %shift_right_logical3A_267, %get3A_11 : vector<16xi32>
          %shift_right_logical3A_269 = arith.constant 21 : i32
          %shift_right_logical3A_270 = vector.broadcast %shift_right_logical3A_269 : i32 to vector<16xi32>
          %shift_right_logical3A_271 = arith.shrui %bitcast_convert_type3A_256, %shift_right_logical3A_270 : vector<16xi32>
          %eq3A_272 = arith.cmpi eq, %shift_right_logical3A_271, %get3A_11 : vector<16xi32>
          %shift_right_logical3A_273 = arith.constant 7 : i32
          %shift_right_logical3A_274 = vector.broadcast %shift_right_logical3A_273 : i32 to vector<16xi32>
          %shift_right_logical3A_275 = arith.shrui %bitcast_convert_type3A_253, %shift_right_logical3A_274 : vector<16xi32>
          %and3A_276 = arith.constant 16368 : i32
          %and3A_277 = vector.broadcast %and3A_276 : i32 to vector<16xi32>
          %and3A_278 = arith.andi %shift_right_logical3A_275, %and3A_277 : vector<16xi32>
          %or3A_279 = arith.ori %and3A_278, %iota3A : vector<16xi32>
          %shift_right_logical3A_280 = arith.constant 7 : i32
          %shift_right_logical3A_281 = vector.broadcast %shift_right_logical3A_280 : i32 to vector<16xi32>
          %shift_right_logical3A_282 = arith.shrui %bitcast_convert_type3A_254, %shift_right_logical3A_281 : vector<16xi32>
          %and3A_283 = arith.constant 16368 : i32
          %and3A_284 = vector.broadcast %and3A_283 : i32 to vector<16xi32>
          %and3A_285 = arith.andi %shift_right_logical3A_282, %and3A_284 : vector<16xi32>
          %or3A_286 = arith.ori %and3A_285, %iota3A : vector<16xi32>
          %shift_right_logical3A_287 = arith.constant 7 : i32
          %shift_right_logical3A_288 = vector.broadcast %shift_right_logical3A_287 : i32 to vector<16xi32>
          %shift_right_logical3A_289 = arith.shrui %bitcast_convert_type3A_255, %shift_right_logical3A_288 : vector<16xi32>
          %and3A_290 = arith.constant 16368 : i32
          %and3A_291 = vector.broadcast %and3A_290 : i32 to vector<16xi32>
          %and3A_292 = arith.andi %shift_right_logical3A_289, %and3A_291 : vector<16xi32>
          %or3A_293 = arith.ori %and3A_292, %iota3A : vector<16xi32>
          %shift_right_logical3A_294 = arith.constant 7 : i32
          %shift_right_logical3A_295 = vector.broadcast %shift_right_logical3A_294 : i32 to vector<16xi32>
          %shift_right_logical3A_296 = arith.shrui %bitcast_convert_type3A_256, %shift_right_logical3A_295 : vector<16xi32>
          %and3A_297 = arith.constant 16368 : i32
          %and3A_298 = vector.broadcast %and3A_297 : i32 to vector<16xi32>
          %and3A_299 = arith.andi %shift_right_logical3A_296, %and3A_298 : vector<16xi32>
          %or3A_300 = arith.ori %and3A_299, %iota3A : vector<16xi32>
          tpu.vector_store_idx %arg5[%or3A_279], %broadcast_in_dim3A_10 masked %eq3A_260 {add = true} : memref<32768xf32, #tpu.memory_space<vmem>>[vector<16xi32>], vector<16xf32>, vector<16xi1>
          tpu.vector_store_idx %arg5[%or3A_286], %broadcast_in_dim3A_10 masked %eq3A_264 {add = true} : memref<32768xf32, #tpu.memory_space<vmem>>[vector<16xi32>], vector<16xf32>, vector<16xi1>
          tpu.vector_store_idx %arg5[%or3A_293], %broadcast_in_dim3A_10 masked %eq3A_268 {add = true} : memref<32768xf32, #tpu.memory_space<vmem>>[vector<16xi32>], vector<16xf32>, vector<16xi1>
          tpu.vector_store_idx %arg5[%or3A_300], %broadcast_in_dim3A_10 masked %eq3A_272 {add = true} : memref<32768xf32, #tpu.memory_space<vmem>>[vector<16xi32>], vector<16xf32>, vector<16xi1>
          %add3A_301 = arith.constant 16384 : i32
          %add3A_302 = vector.broadcast %add3A_301 : i32 to vector<16xi32>
          %add3A_303 = arith.addi %or3A_279, %add3A_302 : vector<16xi32>
          tpu.vector_store_idx %arg5[%add3A_303], %get3A_231 masked %eq3A_260 {add = true} : memref<32768xf32, #tpu.memory_space<vmem>>[vector<16xi32>], vector<16xf32>, vector<16xi1>
          %add3A_304 = arith.constant 16384 : i32
          %add3A_305 = vector.broadcast %add3A_304 : i32 to vector<16xi32>
          %add3A_306 = arith.addi %or3A_286, %add3A_305 : vector<16xi32>
          tpu.vector_store_idx %arg5[%add3A_306], %get3A_238 masked %eq3A_264 {add = true} : memref<32768xf32, #tpu.memory_space<vmem>>[vector<16xi32>], vector<16xf32>, vector<16xi1>
          %add3A_307 = arith.constant 16384 : i32
          %add3A_308 = vector.broadcast %add3A_307 : i32 to vector<16xi32>
          %add3A_309 = arith.addi %or3A_293, %add3A_308 : vector<16xi32>
          tpu.vector_store_idx %arg5[%add3A_309], %get3A_245 masked %eq3A_268 {add = true} : memref<32768xf32, #tpu.memory_space<vmem>>[vector<16xi32>], vector<16xf32>, vector<16xi1>
          %add3A_310 = arith.constant 16384 : i32
          %add3A_311 = vector.broadcast %add3A_310 : i32 to vector<16xi32>
          %add3A_312 = arith.addi %or3A_300, %add3A_311 : vector<16xi32>
          tpu.vector_store_idx %arg5[%add3A_312], %get3A_252 masked %eq3A_272 {add = true} : memref<32768xf32, #tpu.memory_space<vmem>>[vector<16xi32>], vector<16xf32>, vector<16xi1>
        }
        %scan3A_138 = arith.constant 8 : i32
      }
      %scan3A_109 = arith.constant 16 : i32
      %lt3A = arith.constant 7 : i32
      %lt3A_110 = arith.cmpi slt, %scan3A_95, %lt3A : i32
      %convert_element_type3A = arith.extui %lt3A_110 : i1 to i32
      %cond3A = arith.constant 0 : i32
      %cond3A_111 = arith.cmpi ne, %convert_element_type3A, %cond3A : i32
      scf.if %cond3A_111 {
        %add3A_132 = arith.constant 2 : i32
        %add3A_133 = arith.addi %mul3A_97, %add3A_132 : i32
        %mul3A_134 = arith.constant 16 : i32
        %mul3A_135 = arith.muli %add3A_133, %mul3A_134 : i32
        %add3A_136 = arith.addi %mul3A_2, %mul3A_135 : i32
        %dma_start3A_137 = arith.constant 0 : i32
        %dma_start3A_138 = tpu.memref_slice %arg2[%add3A_136, %dma_start3A_137] : memref<8192x512xf32, #tpu.memory_space<hbm>> -> memref<16x512xf32, #tpu.memory_space<hbm>>
        %dma_start3A_139 = arith.constant 0 : i32
        %dma_start3A_140 = tpu.memref_slice %arg2[%add3A_136, %dma_start3A_139] : memref<8192x512xf32, #tpu.memory_space<hbm>> -> memref<16x512xf32, #tpu.memory_space<hbm>>
        tpu.enqueue_dma source(%dma_start3A_140 : memref<16x512xf32, #tpu.memory_space<hbm>>) target(%arg6 : memref<16x512xf32, #tpu.memory_space<vmem>>) target_semaphore(%arg8 : memref<!tpu.dma_semaphore, #tpu.memory_space<semaphore_mem>>)
      } else {
      }
      %add3A_112 = arith.constant 1 : i32
      %add3A_113 = arith.addi %mul3A_97, %add3A_112 : i32
      %mul3A_114 = arith.constant 16 : i32
      %mul3A_115 = arith.muli %add3A_113, %mul3A_114 : i32
      %add3A_116 = arith.addi %mul3A_2, %mul3A_115 : i32
      %dma_wait3A_117 = arith.constant 0 : i32
      %dma_wait3A_118 = tpu.memref_slice %arg2[%add3A_116, %dma_wait3A_117] : memref<8192x512xf32, #tpu.memory_space<hbm>> -> memref<16x512xf32, #tpu.memory_space<hbm>>
      %dma_wait3A_119 = arith.constant 0 : i32
      %dma_wait3A_120 = tpu.memref_slice %arg2[%add3A_116, %dma_wait3A_119] : memref<8192x512xf32, #tpu.memory_space<hbm>> -> memref<16x512xf32, #tpu.memory_space<hbm>>
      tpu.wait_dma2 semaphore(%arg9 : memref<!tpu.dma_semaphore, #tpu.memory_space<semaphore_mem>>) src(%dma_wait3A_120 : memref<16x512xf32, #tpu.memory_space<hbm>>) dst(%arg7 : memref<16x512xf32, #tpu.memory_space<vmem>>)
      %scan3A_121 = arith.constant 0 : i32
      %scan3A_122 = arith.constant 0 : i32
      %scan3A_123 = arith.constant 16 : i32
      %scan3A_124 = arith.addi %scan3A_122, %scan3A_123 : i32
      %scan3A_125 = arith.constant 1 : i32
      scf.for %scan3A_132 = %scan3A_122 to %scan3A_124 step %scan3A_125  : i32 {
        %scan3A_133 = arith.constant 0 : i32
        %scan3A_134 = arith.constant 0 : i32
        %scan3A_135 = arith.constant 8 : i32
        %scan3A_136 = arith.addi %scan3A_134, %scan3A_135 : i32
        %scan3A_137 = arith.constant 2 : i32
        scf.for %scan3A_139 = %scan3A_134 to %scan3A_136 step %scan3A_137  : i32 {
          %mul3A_140 = arith.constant 64 : i32
          %mul3A_141 = arith.muli %scan3A_139, %mul3A_140 : i32
          %add3A_142 = arith.constant 0 : i32
          %add3A_143 = arith.addi %mul3A_141, %add3A_142 : i32
          %get3A_144 = arith.index_cast %scan3A_132 : i32 to index
          %get3A_145 = arith.index_cast %add3A_143 : i32 to index
          %get3A_146 = tpu.vector_load %arg7[%get3A_144, %get3A_145] {strides = array<i32>} : memref<16x512xf32, #tpu.memory_space<vmem>>, vector<16xf32>,
          %mul3A_147 = arith.constant 64 : i32
          %mul3A_148 = arith.muli %scan3A_139, %mul3A_147 : i32
          %add3A_149 = arith.constant 16 : i32
          %add3A_150 = arith.addi %mul3A_148, %add3A_149 : i32
          %get3A_151 = arith.index_cast %scan3A_132 : i32 to index
          %get3A_152 = arith.index_cast %add3A_150 : i32 to index
          %get3A_153 = tpu.vector_load %arg7[%get3A_151, %get3A_152] {strides = array<i32>} : memref<16x512xf32, #tpu.memory_space<vmem>>, vector<16xf32>,
          %mul3A_154 = arith.constant 64 : i32
          %mul3A_155 = arith.muli %scan3A_139, %mul3A_154 : i32
          %add3A_156 = arith.constant 32 : i32
          %add3A_157 = arith.addi %mul3A_155, %add3A_156 : i32
          %get3A_158 = arith.index_cast %scan3A_132 : i32 to index
          %get3A_159 = arith.index_cast %add3A_157 : i32 to index
          %get3A_160 = tpu.vector_load %arg7[%get3A_158, %get3A_159] {strides = array<i32>} : memref<16x512xf32, #tpu.memory_space<vmem>>, vector<16xf32>,
          %mul3A_161 = arith.constant 64 : i32
          %mul3A_162 = arith.muli %scan3A_139, %mul3A_161 : i32
          %add3A_163 = arith.constant 48 : i32
          %add3A_164 = arith.addi %mul3A_162, %add3A_163 : i32
          %get3A_165 = arith.index_cast %scan3A_132 : i32 to index
          %get3A_166 = arith.index_cast %add3A_164 : i32 to index
          %get3A_167 = tpu.vector_load %arg7[%get3A_165, %get3A_166] {strides = array<i32>} : memref<16x512xf32, #tpu.memory_space<vmem>>, vector<16xf32>,
          %bitcast_convert_type3A = tpu.bitcast %get3A_146 : vector<16xf32> -> vector<16xi32>
          %bitcast_convert_type3A_168 = tpu.bitcast %get3A_153 : vector<16xf32> -> vector<16xi32>
          %bitcast_convert_type3A_169 = tpu.bitcast %get3A_160 : vector<16xf32> -> vector<16xi32>
          %bitcast_convert_type3A_170 = tpu.bitcast %get3A_167 : vector<16xf32> -> vector<16xi32>
          %shift_right_logical3A = arith.constant 21 : i32
          %shift_right_logical3A_171 = vector.broadcast %shift_right_logical3A : i32 to vector<16xi32>
          %shift_right_logical3A_172 = arith.shrui %bitcast_convert_type3A, %shift_right_logical3A_171 : vector<16xi32>
          %eq3A = arith.cmpi eq, %shift_right_logical3A_172, %get3A_11 : vector<16xi32>
          %shift_right_logical3A_173 = arith.constant 21 : i32
          %shift_right_logical3A_174 = vector.broadcast %shift_right_logical3A_173 : i32 to vector<16xi32>
          %shift_right_logical3A_175 = arith.shrui %bitcast_convert_type3A_168, %shift_right_logical3A_174 : vector<16xi32>
          %eq3A_176 = arith.cmpi eq, %shift_right_logical3A_175, %get3A_11 : vector<16xi32>
          %shift_right_logical3A_177 = arith.constant 21 : i32
          %shift_right_logical3A_178 = vector.broadcast %shift_right_logical3A_177 : i32 to vector<16xi32>
          %shift_right_logical3A_179 = arith.shrui %bitcast_convert_type3A_169, %shift_right_logical3A_178 : vector<16xi32>
          %eq3A_180 = arith.cmpi eq, %shift_right_logical3A_179, %get3A_11 : vector<16xi32>
          %shift_right_logical3A_181 = arith.constant 21 : i32
          %shift_right_logical3A_182 = vector.broadcast %shift_right_logical3A_181 : i32 to vector<16xi32>
          %shift_right_logical3A_183 = arith.shrui %bitcast_convert_type3A_170, %shift_right_logical3A_182 : vector<16xi32>
          %eq3A_184 = arith.cmpi eq, %shift_right_logical3A_183, %get3A_11 : vector<16xi32>
          %shift_right_logical3A_185 = arith.constant 7 : i32
          %shift_right_logical3A_186 = vector.broadcast %shift_right_logical3A_185 : i32 to vector<16xi32>
          %shift_right_logical3A_187 = arith.shrui %bitcast_convert_type3A, %shift_right_logical3A_186 : vector<16xi32>
          %and3A = arith.constant 16368 : i32
          %and3A_188 = vector.broadcast %and3A : i32 to vector<16xi32>
          %and3A_189 = arith.andi %shift_right_logical3A_187, %and3A_188 : vector<16xi32>
          %or3A = arith.ori %and3A_189, %iota3A : vector<16xi32>
          %shift_right_logical3A_190 = arith.constant 7 : i32
          %shift_right_logical3A_191 = vector.broadcast %shift_right_logical3A_190 : i32 to vector<16xi32>
          %shift_right_logical3A_192 = arith.shrui %bitcast_convert_type3A_168, %shift_right_logical3A_191 : vector<16xi32>
          %and3A_193 = arith.constant 16368 : i32
          %and3A_194 = vector.broadcast %and3A_193 : i32 to vector<16xi32>
          %and3A_195 = arith.andi %shift_right_logical3A_192, %and3A_194 : vector<16xi32>
          %or3A_196 = arith.ori %and3A_195, %iota3A : vector<16xi32>
          %shift_right_logical3A_197 = arith.constant 7 : i32
          %shift_right_logical3A_198 = vector.broadcast %shift_right_logical3A_197 : i32 to vector<16xi32>
          %shift_right_logical3A_199 = arith.shrui %bitcast_convert_type3A_169, %shift_right_logical3A_198 : vector<16xi32>
          %and3A_200 = arith.constant 16368 : i32
          %and3A_201 = vector.broadcast %and3A_200 : i32 to vector<16xi32>
          %and3A_202 = arith.andi %shift_right_logical3A_199, %and3A_201 : vector<16xi32>
          %or3A_203 = arith.ori %and3A_202, %iota3A : vector<16xi32>
          %shift_right_logical3A_204 = arith.constant 7 : i32
          %shift_right_logical3A_205 = vector.broadcast %shift_right_logical3A_204 : i32 to vector<16xi32>
          %shift_right_logical3A_206 = arith.shrui %bitcast_convert_type3A_170, %shift_right_logical3A_205 : vector<16xi32>
          %and3A_207 = arith.constant 16368 : i32
          %and3A_208 = vector.broadcast %and3A_207 : i32 to vector<16xi32>
          %and3A_209 = arith.andi %shift_right_logical3A_206, %and3A_208 : vector<16xi32>
          %or3A_210 = arith.ori %and3A_209, %iota3A : vector<16xi32>
          tpu.vector_store_idx %arg5[%or3A], %broadcast_in_dim3A_10 masked %eq3A {add = true} : memref<32768xf32, #tpu.memory_space<vmem>>[vector<16xi32>], vector<16xf32>, vector<16xi1>
          tpu.vector_store_idx %arg5[%or3A_196], %broadcast_in_dim3A_10 masked %eq3A_176 {add = true} : memref<32768xf32, #tpu.memory_space<vmem>>[vector<16xi32>], vector<16xf32>, vector<16xi1>
          tpu.vector_store_idx %arg5[%or3A_203], %broadcast_in_dim3A_10 masked %eq3A_180 {add = true} : memref<32768xf32, #tpu.memory_space<vmem>>[vector<16xi32>], vector<16xf32>, vector<16xi1>
          tpu.vector_store_idx %arg5[%or3A_210], %broadcast_in_dim3A_10 masked %eq3A_184 {add = true} : memref<32768xf32, #tpu.memory_space<vmem>>[vector<16xi32>], vector<16xf32>, vector<16xi1>
          %add3A_211 = arith.constant 16384 : i32
          %add3A_212 = vector.broadcast %add3A_211 : i32 to vector<16xi32>
          %add3A_213 = arith.addi %or3A, %add3A_212 : vector<16xi32>
          tpu.vector_store_idx %arg5[%add3A_213], %get3A_146 masked %eq3A {add = true} : memref<32768xf32, #tpu.memory_space<vmem>>[vector<16xi32>], vector<16xf32>, vector<16xi1>
          %add3A_214 = arith.constant 16384 : i32
          %add3A_215 = vector.broadcast %add3A_214 : i32 to vector<16xi32>
          %add3A_216 = arith.addi %or3A_196, %add3A_215 : vector<16xi32>
          tpu.vector_store_idx %arg5[%add3A_216], %get3A_153 masked %eq3A_176 {add = true} : memref<32768xf32, #tpu.memory_space<vmem>>[vector<16xi32>], vector<16xf32>, vector<16xi1>
          %add3A_217 = arith.constant 16384 : i32
          %add3A_218 = vector.broadcast %add3A_217 : i32 to vector<16xi32>
          %add3A_219 = arith.addi %or3A_203, %add3A_218 : vector<16xi32>
          tpu.vector_store_idx %arg5[%add3A_219], %get3A_160 masked %eq3A_180 {add = true} : memref<32768xf32, #tpu.memory_space<vmem>>[vector<16xi32>], vector<16xf32>, vector<16xi1>
          %add3A_220 = arith.constant 16384 : i32
          %add3A_221 = vector.broadcast %add3A_220 : i32 to vector<16xi32>
          %add3A_222 = arith.addi %or3A_210, %add3A_221 : vector<16xi32>
          tpu.vector_store_idx %arg5[%add3A_222], %get3A_167 masked %eq3A_184 {add = true} : memref<32768xf32, #tpu.memory_space<vmem>>[vector<16xi32>], vector<16xf32>, vector<16xi1>
          %scan3A_223 = arith.constant 1 : i32
          %scan3A_224 = arith.addi %scan3A_139, %scan3A_223 : i32
          %mul3A_225 = arith.constant 64 : i32
          %mul3A_226 = arith.muli %scan3A_224, %mul3A_225 : i32
          %add3A_227 = arith.constant 0 : i32
          %add3A_228 = arith.addi %mul3A_226, %add3A_227 : i32
          %get3A_229 = arith.index_cast %scan3A_132 : i32 to index
          %get3A_230 = arith.index_cast %add3A_228 : i32 to index
          %get3A_231 = tpu.vector_load %arg7[%get3A_229, %get3A_230] {strides = array<i32>} : memref<16x512xf32, #tpu.memory_space<vmem>>, vector<16xf32>,
          %mul3A_232 = arith.constant 64 : i32
          %mul3A_233 = arith.muli %scan3A_224, %mul3A_232 : i32
          %add3A_234 = arith.constant 16 : i32
          %add3A_235 = arith.addi %mul3A_233, %add3A_234 : i32
          %get3A_236 = arith.index_cast %scan3A_132 : i32 to index
          %get3A_237 = arith.index_cast %add3A_235 : i32 to index
          %get3A_238 = tpu.vector_load %arg7[%get3A_236, %get3A_237] {strides = array<i32>} : memref<16x512xf32, #tpu.memory_space<vmem>>, vector<16xf32>,
          %mul3A_239 = arith.constant 64 : i32
          %mul3A_240 = arith.muli %scan3A_224, %mul3A_239 : i32
          %add3A_241 = arith.constant 32 : i32
          %add3A_242 = arith.addi %mul3A_240, %add3A_241 : i32
          %get3A_243 = arith.index_cast %scan3A_132 : i32 to index
          %get3A_244 = arith.index_cast %add3A_242 : i32 to index
          %get3A_245 = tpu.vector_load %arg7[%get3A_243, %get3A_244] {strides = array<i32>} : memref<16x512xf32, #tpu.memory_space<vmem>>, vector<16xf32>,
          %mul3A_246 = arith.constant 64 : i32
          %mul3A_247 = arith.muli %scan3A_224, %mul3A_246 : i32
          %add3A_248 = arith.constant 48 : i32
          %add3A_249 = arith.addi %mul3A_247, %add3A_248 : i32
          %get3A_250 = arith.index_cast %scan3A_132 : i32 to index
          %get3A_251 = arith.index_cast %add3A_249 : i32 to index
          %get3A_252 = tpu.vector_load %arg7[%get3A_250, %get3A_251] {strides = array<i32>} : memref<16x512xf32, #tpu.memory_space<vmem>>, vector<16xf32>,
          %bitcast_convert_type3A_253 = tpu.bitcast %get3A_231 : vector<16xf32> -> vector<16xi32>
          %bitcast_convert_type3A_254 = tpu.bitcast %get3A_238 : vector<16xf32> -> vector<16xi32>
          %bitcast_convert_type3A_255 = tpu.bitcast %get3A_245 : vector<16xf32> -> vector<16xi32>
          %bitcast_convert_type3A_256 = tpu.bitcast %get3A_252 : vector<16xf32> -> vector<16xi32>
          %shift_right_logical3A_257 = arith.constant 21 : i32
          %shift_right_logical3A_258 = vector.broadcast %shift_right_logical3A_257 : i32 to vector<16xi32>
          %shift_right_logical3A_259 = arith.shrui %bitcast_convert_type3A_253, %shift_right_logical3A_258 : vector<16xi32>
          %eq3A_260 = arith.cmpi eq, %shift_right_logical3A_259, %get3A_11 : vector<16xi32>
          %shift_right_logical3A_261 = arith.constant 21 : i32
          %shift_right_logical3A_262 = vector.broadcast %shift_right_logical3A_261 : i32 to vector<16xi32>
          %shift_right_logical3A_263 = arith.shrui %bitcast_convert_type3A_254, %shift_right_logical3A_262 : vector<16xi32>
          %eq3A_264 = arith.cmpi eq, %shift_right_logical3A_263, %get3A_11 : vector<16xi32>
          %shift_right_logical3A_265 = arith.constant 21 : i32
          %shift_right_logical3A_266 = vector.broadcast %shift_right_logical3A_265 : i32 to vector<16xi32>
          %shift_right_logical3A_267 = arith.shrui %bitcast_convert_type3A_255, %shift_right_logical3A_266 : vector<16xi32>
          %eq3A_268 = arith.cmpi eq, %shift_right_logical3A_267, %get3A_11 : vector<16xi32>
          %shift_right_logical3A_269 = arith.constant 21 : i32
          %shift_right_logical3A_270 = vector.broadcast %shift_right_logical3A_269 : i32 to vector<16xi32>
          %shift_right_logical3A_271 = arith.shrui %bitcast_convert_type3A_256, %shift_right_logical3A_270 : vector<16xi32>
          %eq3A_272 = arith.cmpi eq, %shift_right_logical3A_271, %get3A_11 : vector<16xi32>
          %shift_right_logical3A_273 = arith.constant 7 : i32
          %shift_right_logical3A_274 = vector.broadcast %shift_right_logical3A_273 : i32 to vector<16xi32>
          %shift_right_logical3A_275 = arith.shrui %bitcast_convert_type3A_253, %shift_right_logical3A_274 : vector<16xi32>
          %and3A_276 = arith.constant 16368 : i32
          %and3A_277 = vector.broadcast %and3A_276 : i32 to vector<16xi32>
          %and3A_278 = arith.andi %shift_right_logical3A_275, %and3A_277 : vector<16xi32>
          %or3A_279 = arith.ori %and3A_278, %iota3A : vector<16xi32>
          %shift_right_logical3A_280 = arith.constant 7 : i32
          %shift_right_logical3A_281 = vector.broadcast %shift_right_logical3A_280 : i32 to vector<16xi32>
          %shift_right_logical3A_282 = arith.shrui %bitcast_convert_type3A_254, %shift_right_logical3A_281 : vector<16xi32>
          %and3A_283 = arith.constant 16368 : i32
          %and3A_284 = vector.broadcast %and3A_283 : i32 to vector<16xi32>
          %and3A_285 = arith.andi %shift_right_logical3A_282, %and3A_284 : vector<16xi32>
          %or3A_286 = arith.ori %and3A_285, %iota3A : vector<16xi32>
          %shift_right_logical3A_287 = arith.constant 7 : i32
          %shift_right_logical3A_288 = vector.broadcast %shift_right_logical3A_287 : i32 to vector<16xi32>
          %shift_right_logical3A_289 = arith.shrui %bitcast_convert_type3A_255, %shift_right_logical3A_288 : vector<16xi32>
          %and3A_290 = arith.constant 16368 : i32
          %and3A_291 = vector.broadcast %and3A_290 : i32 to vector<16xi32>
          %and3A_292 = arith.andi %shift_right_logical3A_289, %and3A_291 : vector<16xi32>
          %or3A_293 = arith.ori %and3A_292, %iota3A : vector<16xi32>
          %shift_right_logical3A_294 = arith.constant 7 : i32
          %shift_right_logical3A_295 = vector.broadcast %shift_right_logical3A_294 : i32 to vector<16xi32>
          %shift_right_logical3A_296 = arith.shrui %bitcast_convert_type3A_256, %shift_right_logical3A_295 : vector<16xi32>
          %and3A_297 = arith.constant 16368 : i32
          %and3A_298 = vector.broadcast %and3A_297 : i32 to vector<16xi32>
          %and3A_299 = arith.andi %shift_right_logical3A_296, %and3A_298 : vector<16xi32>
          %or3A_300 = arith.ori %and3A_299, %iota3A : vector<16xi32>
          tpu.vector_store_idx %arg5[%or3A_279], %broadcast_in_dim3A_10 masked %eq3A_260 {add = true} : memref<32768xf32, #tpu.memory_space<vmem>>[vector<16xi32>], vector<16xf32>, vector<16xi1>
          tpu.vector_store_idx %arg5[%or3A_286], %broadcast_in_dim3A_10 masked %eq3A_264 {add = true} : memref<32768xf32, #tpu.memory_space<vmem>>[vector<16xi32>], vector<16xf32>, vector<16xi1>
          tpu.vector_store_idx %arg5[%or3A_293], %broadcast_in_dim3A_10 masked %eq3A_268 {add = true} : memref<32768xf32, #tpu.memory_space<vmem>>[vector<16xi32>], vector<16xf32>, vector<16xi1>
          tpu.vector_store_idx %arg5[%or3A_300], %broadcast_in_dim3A_10 masked %eq3A_272 {add = true} : memref<32768xf32, #tpu.memory_space<vmem>>[vector<16xi32>], vector<16xf32>, vector<16xi1>
          %add3A_301 = arith.constant 16384 : i32
          %add3A_302 = vector.broadcast %add3A_301 : i32 to vector<16xi32>
          %add3A_303 = arith.addi %or3A_279, %add3A_302 : vector<16xi32>
          tpu.vector_store_idx %arg5[%add3A_303], %get3A_231 masked %eq3A_260 {add = true} : memref<32768xf32, #tpu.memory_space<vmem>>[vector<16xi32>], vector<16xf32>, vector<16xi1>
          %add3A_304 = arith.constant 16384 : i32
          %add3A_305 = vector.broadcast %add3A_304 : i32 to vector<16xi32>
          %add3A_306 = arith.addi %or3A_286, %add3A_305 : vector<16xi32>
          tpu.vector_store_idx %arg5[%add3A_306], %get3A_238 masked %eq3A_264 {add = true} : memref<32768xf32, #tpu.memory_space<vmem>>[vector<16xi32>], vector<16xf32>, vector<16xi1>
          %add3A_307 = arith.constant 16384 : i32
          %add3A_308 = vector.broadcast %add3A_307 : i32 to vector<16xi32>
          %add3A_309 = arith.addi %or3A_293, %add3A_308 : vector<16xi32>
          tpu.vector_store_idx %arg5[%add3A_309], %get3A_245 masked %eq3A_268 {add = true} : memref<32768xf32, #tpu.memory_space<vmem>>[vector<16xi32>], vector<16xf32>, vector<16xi1>
          %add3A_310 = arith.constant 16384 : i32
          %add3A_311 = vector.broadcast %add3A_310 : i32 to vector<16xi32>
          %add3A_312 = arith.addi %or3A_300, %add3A_311 : vector<16xi32>
          tpu.vector_store_idx %arg5[%add3A_312], %get3A_252 masked %eq3A_272 {add = true} : memref<32768xf32, #tpu.memory_space<vmem>>[vector<16xi32>], vector<16xf32>, vector<16xi1>
        }
        %scan3A_138 = arith.constant 8 : i32
      }
      %scan3A_126 = arith.constant 16 : i32
      %lt3A_127 = arith.constant 7 : i32
      %lt3A_128 = arith.cmpi slt, %scan3A_95, %lt3A_127 : i32
      %convert_element_type3A_129 = arith.extui %lt3A_128 : i1 to i32
      %cond3A_130 = arith.constant 0 : i32
      %cond3A_131 = arith.cmpi ne, %convert_element_type3A_129, %cond3A_130 : i32
      scf.if %cond3A_131 {
        %add3A_132 = arith.constant 3 : i32
        %add3A_133 = arith.addi %mul3A_97, %add3A_132 : i32
        %mul3A_134 = arith.constant 16 : i32
        %mul3A_135 = arith.muli %add3A_133, %mul3A_134 : i32
        %add3A_136 = arith.addi %mul3A_2, %mul3A_135 : i32
        %dma_start3A_137 = arith.constant 0 : i32
        %dma_start3A_138 = tpu.memref_slice %arg2[%add3A_136, %dma_start3A_137] : memref<8192x512xf32, #tpu.memory_space<hbm>> -> memref<16x512xf32, #tpu.memory_space<hbm>>
        %dma_start3A_139 = arith.constant 0 : i32
        %dma_start3A_140 = tpu.memref_slice %arg2[%add3A_136, %dma_start3A_139] : memref<8192x512xf32, #tpu.memory_space<hbm>> -> memref<16x512xf32, #tpu.memory_space<hbm>>
        tpu.enqueue_dma source(%dma_start3A_140 : memref<16x512xf32, #tpu.memory_space<hbm>>) target(%arg7 : memref<16x512xf32, #tpu.memory_space<vmem>>) target_semaphore(%arg9 : memref<!tpu.dma_semaphore, #tpu.memory_space<semaphore_mem>>)
      } else {
      }
    }
    %scan3A_28 = arith.constant 8 : i32
    %scan3A_29 = arith.constant 0 : i32
    %scan3A_30 = arith.constant 0 : i32
    %scan3A_31 = arith.constant 128 : i32
    %scan3A_32 = arith.addi %scan3A_30, %scan3A_31 : i32
    %scan3A_33 = arith.constant 1 : i32
    scf.for %scan3A_95 = %scan3A_30 to %scan3A_32 step %scan3A_33  : i32 {
      %broadcast_in_dim3A_96 = arith.constant 0.000000e+00 : f32
      %broadcast_in_dim3A_97 = vector.broadcast %broadcast_in_dim3A_96 : f32 to vector<16xf32>
      %mul3A_98 = arith.constant 16 : i32
      %mul3A_99 = arith.muli %scan3A_95, %mul3A_98 : i32
      %add3A_100 = arith.constant 0 : i32
      %add3A_101 = arith.addi %mul3A_99, %add3A_100 : i32
      %mul3A_102 = arith.constant 16 : i32
      %mul3A_103 = arith.muli %add3A_101, %mul3A_102 : i32
      %get3A_104 = arith.index_cast %mul3A_103 : i32 to index
      %get3A_105 = tpu.vector_load %arg5[%get3A_104] {strides = array<i32>} : memref<32768xf32, #tpu.memory_space<vmem>>, vector<16xf32>,
      %eq3A = arith.constant 0 : i32
      %eq3A_106 = vector.broadcast %eq3A : i32 to vector<16xi32>
      %eq3A_107 = arith.cmpi eq, %iota3A, %eq3A_106 : vector<16xi32>
      %reduce_sum3A = arith.constant true
      %reduce_sum3A_108 = vector.broadcast %reduce_sum3A : i1 to vector<16xi1>
      %reduce_sum3A_109 = tpu.scan <sum>, %get3A_105 masked %reduce_sum3A_108 : vector<16xf32>, vector<16xi1> -> vector<16xf32>
      %reduce_sum3A_110 = vector.extract %reduce_sum3A_109[15] : f32 from vector<16xf32>
      %broadcast_in_dim3A_111 = vector.broadcast %reduce_sum3A_110 : f32 to vector<16xf32>
      %select_n3A = arith.select %eq3A_107, %broadcast_in_dim3A_111, %broadcast_in_dim3A_97 : vector<16xi1>, vector<16xf32>
      %mul3A_112 = arith.constant 16 : i32
      %mul3A_113 = arith.muli %scan3A_95, %mul3A_112 : i32
      %add3A_114 = arith.constant 1 : i32
      %add3A_115 = arith.addi %mul3A_113, %add3A_114 : i32
      %mul3A_116 = arith.constant 16 : i32
      %mul3A_117 = arith.muli %add3A_115, %mul3A_116 : i32
      %get3A_118 = arith.index_cast %mul3A_117 : i32 to index
      %get3A_119 = tpu.vector_load %arg5[%get3A_118] {strides = array<i32>} : memref<32768xf32, #tpu.memory_space<vmem>>, vector<16xf32>,
      %eq3A_120 = arith.constant 1 : i32
      %eq3A_121 = vector.broadcast %eq3A_120 : i32 to vector<16xi32>
      %eq3A_122 = arith.cmpi eq, %iota3A, %eq3A_121 : vector<16xi32>
      %reduce_sum3A_123 = arith.constant true
      %reduce_sum3A_124 = vector.broadcast %reduce_sum3A_123 : i1 to vector<16xi1>
      %reduce_sum3A_125 = tpu.scan <sum>, %get3A_119 masked %reduce_sum3A_124 : vector<16xf32>, vector<16xi1> -> vector<16xf32>
      %reduce_sum3A_126 = vector.extract %reduce_sum3A_125[15] : f32 from vector<16xf32>
      %broadcast_in_dim3A_127 = vector.broadcast %reduce_sum3A_126 : f32 to vector<16xf32>
      %select_n3A_128 = arith.select %eq3A_122, %broadcast_in_dim3A_127, %select_n3A : vector<16xi1>, vector<16xf32>
      %mul3A_129 = arith.constant 16 : i32
      %mul3A_130 = arith.muli %scan3A_95, %mul3A_129 : i32
      %add3A_131 = arith.constant 2 : i32
      %add3A_132 = arith.addi %mul3A_130, %add3A_131 : i32
      %mul3A_133 = arith.constant 16 : i32
      %mul3A_134 = arith.muli %add3A_132, %mul3A_133 : i32
      %get3A_135 = arith.index_cast %mul3A_134 : i32 to index
      %get3A_136 = tpu.vector_load %arg5[%get3A_135] {strides = array<i32>} : memref<32768xf32, #tpu.memory_space<vmem>>, vector<16xf32>,
      %eq3A_137 = arith.constant 2 : i32
      %eq3A_138 = vector.broadcast %eq3A_137 : i32 to vector<16xi32>
      %eq3A_139 = arith.cmpi eq, %iota3A, %eq3A_138 : vector<16xi32>
      %reduce_sum3A_140 = arith.constant true
      %reduce_sum3A_141 = vector.broadcast %reduce_sum3A_140 : i1 to vector<16xi1>
      %reduce_sum3A_142 = tpu.scan <sum>, %get3A_136 masked %reduce_sum3A_141 : vector<16xf32>, vector<16xi1> -> vector<16xf32>
      %reduce_sum3A_143 = vector.extract %reduce_sum3A_142[15] : f32 from vector<16xf32>
      %broadcast_in_dim3A_144 = vector.broadcast %reduce_sum3A_143 : f32 to vector<16xf32>
      %select_n3A_145 = arith.select %eq3A_139, %broadcast_in_dim3A_144, %select_n3A_128 : vector<16xi1>, vector<16xf32>
      %mul3A_146 = arith.constant 16 : i32
      %mul3A_147 = arith.muli %scan3A_95, %mul3A_146 : i32
      %add3A_148 = arith.constant 3 : i32
      %add3A_149 = arith.addi %mul3A_147, %add3A_148 : i32
      %mul3A_150 = arith.constant 16 : i32
      %mul3A_151 = arith.muli %add3A_149, %mul3A_150 : i32
      %get3A_152 = arith.index_cast %mul3A_151 : i32 to index
      %get3A_153 = tpu.vector_load %arg5[%get3A_152] {strides = array<i32>} : memref<32768xf32, #tpu.memory_space<vmem>>, vector<16xf32>,
      %eq3A_154 = arith.constant 3 : i32
      %eq3A_155 = vector.broadcast %eq3A_154 : i32 to vector<16xi32>
      %eq3A_156 = arith.cmpi eq, %iota3A, %eq3A_155 : vector<16xi32>
      %reduce_sum3A_157 = arith.constant true
      %reduce_sum3A_158 = vector.broadcast %reduce_sum3A_157 : i1 to vector<16xi1>
      %reduce_sum3A_159 = tpu.scan <sum>, %get3A_153 masked %reduce_sum3A_158 : vector<16xf32>, vector<16xi1> -> vector<16xf32>
      %reduce_sum3A_160 = vector.extract %reduce_sum3A_159[15] : f32 from vector<16xf32>
      %broadcast_in_dim3A_161 = vector.broadcast %reduce_sum3A_160 : f32 to vector<16xf32>
      %select_n3A_162 = arith.select %eq3A_156, %broadcast_in_dim3A_161, %select_n3A_145 : vector<16xi1>, vector<16xf32>
      %mul3A_163 = arith.constant 16 : i32
      %mul3A_164 = arith.muli %scan3A_95, %mul3A_163 : i32
      %add3A_165 = arith.constant 4 : i32
      %add3A_166 = arith.addi %mul3A_164, %add3A_165 : i32
      %mul3A_167 = arith.constant 16 : i32
      %mul3A_168 = arith.muli %add3A_166, %mul3A_167 : i32
      %get3A_169 = arith.index_cast %mul3A_168 : i32 to index
      %get3A_170 = tpu.vector_load %arg5[%get3A_169] {strides = array<i32>} : memref<32768xf32, #tpu.memory_space<vmem>>, vector<16xf32>,
      %eq3A_171 = arith.constant 4 : i32
      %eq3A_172 = vector.broadcast %eq3A_171 : i32 to vector<16xi32>
      %eq3A_173 = arith.cmpi eq, %iota3A, %eq3A_172 : vector<16xi32>
      %reduce_sum3A_174 = arith.constant true
      %reduce_sum3A_175 = vector.broadcast %reduce_sum3A_174 : i1 to vector<16xi1>
      %reduce_sum3A_176 = tpu.scan <sum>, %get3A_170 masked %reduce_sum3A_175 : vector<16xf32>, vector<16xi1> -> vector<16xf32>
      %reduce_sum3A_177 = vector.extract %reduce_sum3A_176[15] : f32 from vector<16xf32>
      %broadcast_in_dim3A_178 = vector.broadcast %reduce_sum3A_177 : f32 to vector<16xf32>
      %select_n3A_179 = arith.select %eq3A_173, %broadcast_in_dim3A_178, %select_n3A_162 : vector<16xi1>, vector<16xf32>
      %mul3A_180 = arith.constant 16 : i32
      %mul3A_181 = arith.muli %scan3A_95, %mul3A_180 : i32
      %add3A_182 = arith.constant 5 : i32
      %add3A_183 = arith.addi %mul3A_181, %add3A_182 : i32
      %mul3A_184 = arith.constant 16 : i32
      %mul3A_185 = arith.muli %add3A_183, %mul3A_184 : i32
      %get3A_186 = arith.index_cast %mul3A_185 : i32 to index
      %get3A_187 = tpu.vector_load %arg5[%get3A_186] {strides = array<i32>} : memref<32768xf32, #tpu.memory_space<vmem>>, vector<16xf32>,
      %eq3A_188 = arith.constant 5 : i32
      %eq3A_189 = vector.broadcast %eq3A_188 : i32 to vector<16xi32>
      %eq3A_190 = arith.cmpi eq, %iota3A, %eq3A_189 : vector<16xi32>
      %reduce_sum3A_191 = arith.constant true
      %reduce_sum3A_192 = vector.broadcast %reduce_sum3A_191 : i1 to vector<16xi1>
      %reduce_sum3A_193 = tpu.scan <sum>, %get3A_187 masked %reduce_sum3A_192 : vector<16xf32>, vector<16xi1> -> vector<16xf32>
      %reduce_sum3A_194 = vector.extract %reduce_sum3A_193[15] : f32 from vector<16xf32>
      %broadcast_in_dim3A_195 = vector.broadcast %reduce_sum3A_194 : f32 to vector<16xf32>
      %select_n3A_196 = arith.select %eq3A_190, %broadcast_in_dim3A_195, %select_n3A_179 : vector<16xi1>, vector<16xf32>
      %mul3A_197 = arith.constant 16 : i32
      %mul3A_198 = arith.muli %scan3A_95, %mul3A_197 : i32
      %add3A_199 = arith.constant 6 : i32
      %add3A_200 = arith.addi %mul3A_198, %add3A_199 : i32
      %mul3A_201 = arith.constant 16 : i32
      %mul3A_202 = arith.muli %add3A_200, %mul3A_201 : i32
      %get3A_203 = arith.index_cast %mul3A_202 : i32 to index
      %get3A_204 = tpu.vector_load %arg5[%get3A_203] {strides = array<i32>} : memref<32768xf32, #tpu.memory_space<vmem>>, vector<16xf32>,
      %eq3A_205 = arith.constant 6 : i32
      %eq3A_206 = vector.broadcast %eq3A_205 : i32 to vector<16xi32>
      %eq3A_207 = arith.cmpi eq, %iota3A, %eq3A_206 : vector<16xi32>
      %reduce_sum3A_208 = arith.constant true
      %reduce_sum3A_209 = vector.broadcast %reduce_sum3A_208 : i1 to vector<16xi1>
      %reduce_sum3A_210 = tpu.scan <sum>, %get3A_204 masked %reduce_sum3A_209 : vector<16xf32>, vector<16xi1> -> vector<16xf32>
      %reduce_sum3A_211 = vector.extract %reduce_sum3A_210[15] : f32 from vector<16xf32>
      %broadcast_in_dim3A_212 = vector.broadcast %reduce_sum3A_211 : f32 to vector<16xf32>
      %select_n3A_213 = arith.select %eq3A_207, %broadcast_in_dim3A_212, %select_n3A_196 : vector<16xi1>, vector<16xf32>
      %mul3A_214 = arith.constant 16 : i32
      %mul3A_215 = arith.muli %scan3A_95, %mul3A_214 : i32
      %add3A_216 = arith.constant 7 : i32
      %add3A_217 = arith.addi %mul3A_215, %add3A_216 : i32
      %mul3A_218 = arith.constant 16 : i32
      %mul3A_219 = arith.muli %add3A_217, %mul3A_218 : i32
      %get3A_220 = arith.index_cast %mul3A_219 : i32 to index
      %get3A_221 = tpu.vector_load %arg5[%get3A_220] {strides = array<i32>} : memref<32768xf32, #tpu.memory_space<vmem>>, vector<16xf32>,
      %eq3A_222 = arith.constant 7 : i32
      %eq3A_223 = vector.broadcast %eq3A_222 : i32 to vector<16xi32>
      %eq3A_224 = arith.cmpi eq, %iota3A, %eq3A_223 : vector<16xi32>
      %reduce_sum3A_225 = arith.constant true
      %reduce_sum3A_226 = vector.broadcast %reduce_sum3A_225 : i1 to vector<16xi1>
      %reduce_sum3A_227 = tpu.scan <sum>, %get3A_221 masked %reduce_sum3A_226 : vector<16xf32>, vector<16xi1> -> vector<16xf32>
      %reduce_sum3A_228 = vector.extract %reduce_sum3A_227[15] : f32 from vector<16xf32>
      %broadcast_in_dim3A_229 = vector.broadcast %reduce_sum3A_228 : f32 to vector<16xf32>
      %select_n3A_230 = arith.select %eq3A_224, %broadcast_in_dim3A_229, %select_n3A_213 : vector<16xi1>, vector<16xf32>
      %mul3A_231 = arith.constant 16 : i32
      %mul3A_232 = arith.muli %scan3A_95, %mul3A_231 : i32
      %add3A_233 = arith.constant 8 : i32
      %add3A_234 = arith.addi %mul3A_232, %add3A_233 : i32
      %mul3A_235 = arith.constant 16 : i32
      %mul3A_236 = arith.muli %add3A_234, %mul3A_235 : i32
      %get3A_237 = arith.index_cast %mul3A_236 : i32 to index
      %get3A_238 = tpu.vector_load %arg5[%get3A_237] {strides = array<i32>} : memref<32768xf32, #tpu.memory_space<vmem>>, vector<16xf32>,
      %eq3A_239 = arith.constant 8 : i32
      %eq3A_240 = vector.broadcast %eq3A_239 : i32 to vector<16xi32>
      %eq3A_241 = arith.cmpi eq, %iota3A, %eq3A_240 : vector<16xi32>
      %reduce_sum3A_242 = arith.constant true
      %reduce_sum3A_243 = vector.broadcast %reduce_sum3A_242 : i1 to vector<16xi1>
      %reduce_sum3A_244 = tpu.scan <sum>, %get3A_238 masked %reduce_sum3A_243 : vector<16xf32>, vector<16xi1> -> vector<16xf32>
      %reduce_sum3A_245 = vector.extract %reduce_sum3A_244[15] : f32 from vector<16xf32>
      %broadcast_in_dim3A_246 = vector.broadcast %reduce_sum3A_245 : f32 to vector<16xf32>
      %select_n3A_247 = arith.select %eq3A_241, %broadcast_in_dim3A_246, %select_n3A_230 : vector<16xi1>, vector<16xf32>
      %mul3A_248 = arith.constant 16 : i32
      %mul3A_249 = arith.muli %scan3A_95, %mul3A_248 : i32
      %add3A_250 = arith.constant 9 : i32
      %add3A_251 = arith.addi %mul3A_249, %add3A_250 : i32
      %mul3A_252 = arith.constant 16 : i32
      %mul3A_253 = arith.muli %add3A_251, %mul3A_252 : i32
      %get3A_254 = arith.index_cast %mul3A_253 : i32 to index
      %get3A_255 = tpu.vector_load %arg5[%get3A_254] {strides = array<i32>} : memref<32768xf32, #tpu.memory_space<vmem>>, vector<16xf32>,
      %eq3A_256 = arith.constant 9 : i32
      %eq3A_257 = vector.broadcast %eq3A_256 : i32 to vector<16xi32>
      %eq3A_258 = arith.cmpi eq, %iota3A, %eq3A_257 : vector<16xi32>
      %reduce_sum3A_259 = arith.constant true
      %reduce_sum3A_260 = vector.broadcast %reduce_sum3A_259 : i1 to vector<16xi1>
      %reduce_sum3A_261 = tpu.scan <sum>, %get3A_255 masked %reduce_sum3A_260 : vector<16xf32>, vector<16xi1> -> vector<16xf32>
      %reduce_sum3A_262 = vector.extract %reduce_sum3A_261[15] : f32 from vector<16xf32>
      %broadcast_in_dim3A_263 = vector.broadcast %reduce_sum3A_262 : f32 to vector<16xf32>
      %select_n3A_264 = arith.select %eq3A_258, %broadcast_in_dim3A_263, %select_n3A_247 : vector<16xi1>, vector<16xf32>
      %mul3A_265 = arith.constant 16 : i32
      %mul3A_266 = arith.muli %scan3A_95, %mul3A_265 : i32
      %add3A_267 = arith.constant 10 : i32
      %add3A_268 = arith.addi %mul3A_266, %add3A_267 : i32
      %mul3A_269 = arith.constant 16 : i32
      %mul3A_270 = arith.muli %add3A_268, %mul3A_269 : i32
      %get3A_271 = arith.index_cast %mul3A_270 : i32 to index
      %get3A_272 = tpu.vector_load %arg5[%get3A_271] {strides = array<i32>} : memref<32768xf32, #tpu.memory_space<vmem>>, vector<16xf32>,
      %eq3A_273 = arith.constant 10 : i32
      %eq3A_274 = vector.broadcast %eq3A_273 : i32 to vector<16xi32>
      %eq3A_275 = arith.cmpi eq, %iota3A, %eq3A_274 : vector<16xi32>
      %reduce_sum3A_276 = arith.constant true
      %reduce_sum3A_277 = vector.broadcast %reduce_sum3A_276 : i1 to vector<16xi1>
      %reduce_sum3A_278 = tpu.scan <sum>, %get3A_272 masked %reduce_sum3A_277 : vector<16xf32>, vector<16xi1> -> vector<16xf32>
      %reduce_sum3A_279 = vector.extract %reduce_sum3A_278[15] : f32 from vector<16xf32>
      %broadcast_in_dim3A_280 = vector.broadcast %reduce_sum3A_279 : f32 to vector<16xf32>
      %select_n3A_281 = arith.select %eq3A_275, %broadcast_in_dim3A_280, %select_n3A_264 : vector<16xi1>, vector<16xf32>
      %mul3A_282 = arith.constant 16 : i32
      %mul3A_283 = arith.muli %scan3A_95, %mul3A_282 : i32
      %add3A_284 = arith.constant 11 : i32
      %add3A_285 = arith.addi %mul3A_283, %add3A_284 : i32
      %mul3A_286 = arith.constant 16 : i32
      %mul3A_287 = arith.muli %add3A_285, %mul3A_286 : i32
      %get3A_288 = arith.index_cast %mul3A_287 : i32 to index
      %get3A_289 = tpu.vector_load %arg5[%get3A_288] {strides = array<i32>} : memref<32768xf32, #tpu.memory_space<vmem>>, vector<16xf32>,
      %eq3A_290 = arith.constant 11 : i32
      %eq3A_291 = vector.broadcast %eq3A_290 : i32 to vector<16xi32>
      %eq3A_292 = arith.cmpi eq, %iota3A, %eq3A_291 : vector<16xi32>
      %reduce_sum3A_293 = arith.constant true
      %reduce_sum3A_294 = vector.broadcast %reduce_sum3A_293 : i1 to vector<16xi1>
      %reduce_sum3A_295 = tpu.scan <sum>, %get3A_289 masked %reduce_sum3A_294 : vector<16xf32>, vector<16xi1> -> vector<16xf32>
      %reduce_sum3A_296 = vector.extract %reduce_sum3A_295[15] : f32 from vector<16xf32>
      %broadcast_in_dim3A_297 = vector.broadcast %reduce_sum3A_296 : f32 to vector<16xf32>
      %select_n3A_298 = arith.select %eq3A_292, %broadcast_in_dim3A_297, %select_n3A_281 : vector<16xi1>, vector<16xf32>
      %mul3A_299 = arith.constant 16 : i32
      %mul3A_300 = arith.muli %scan3A_95, %mul3A_299 : i32
      %add3A_301 = arith.constant 12 : i32
      %add3A_302 = arith.addi %mul3A_300, %add3A_301 : i32
      %mul3A_303 = arith.constant 16 : i32
      %mul3A_304 = arith.muli %add3A_302, %mul3A_303 : i32
      %get3A_305 = arith.index_cast %mul3A_304 : i32 to index
      %get3A_306 = tpu.vector_load %arg5[%get3A_305] {strides = array<i32>} : memref<32768xf32, #tpu.memory_space<vmem>>, vector<16xf32>,
      %eq3A_307 = arith.constant 12 : i32
      %eq3A_308 = vector.broadcast %eq3A_307 : i32 to vector<16xi32>
      %eq3A_309 = arith.cmpi eq, %iota3A, %eq3A_308 : vector<16xi32>
      %reduce_sum3A_310 = arith.constant true
      %reduce_sum3A_311 = vector.broadcast %reduce_sum3A_310 : i1 to vector<16xi1>
      %reduce_sum3A_312 = tpu.scan <sum>, %get3A_306 masked %reduce_sum3A_311 : vector<16xf32>, vector<16xi1> -> vector<16xf32>
      %reduce_sum3A_313 = vector.extract %reduce_sum3A_312[15] : f32 from vector<16xf32>
      %broadcast_in_dim3A_314 = vector.broadcast %reduce_sum3A_313 : f32 to vector<16xf32>
      %select_n3A_315 = arith.select %eq3A_309, %broadcast_in_dim3A_314, %select_n3A_298 : vector<16xi1>, vector<16xf32>
      %mul3A_316 = arith.constant 16 : i32
      %mul3A_317 = arith.muli %scan3A_95, %mul3A_316 : i32
      %add3A_318 = arith.constant 13 : i32
      %add3A_319 = arith.addi %mul3A_317, %add3A_318 : i32
      %mul3A_320 = arith.constant 16 : i32
      %mul3A_321 = arith.muli %add3A_319, %mul3A_320 : i32
      %get3A_322 = arith.index_cast %mul3A_321 : i32 to index
      %get3A_323 = tpu.vector_load %arg5[%get3A_322] {strides = array<i32>} : memref<32768xf32, #tpu.memory_space<vmem>>, vector<16xf32>,
      %eq3A_324 = arith.constant 13 : i32
      %eq3A_325 = vector.broadcast %eq3A_324 : i32 to vector<16xi32>
      %eq3A_326 = arith.cmpi eq, %iota3A, %eq3A_325 : vector<16xi32>
      %reduce_sum3A_327 = arith.constant true
      %reduce_sum3A_328 = vector.broadcast %reduce_sum3A_327 : i1 to vector<16xi1>
      %reduce_sum3A_329 = tpu.scan <sum>, %get3A_323 masked %reduce_sum3A_328 : vector<16xf32>, vector<16xi1> -> vector<16xf32>
      %reduce_sum3A_330 = vector.extract %reduce_sum3A_329[15] : f32 from vector<16xf32>
      %broadcast_in_dim3A_331 = vector.broadcast %reduce_sum3A_330 : f32 to vector<16xf32>
      %select_n3A_332 = arith.select %eq3A_326, %broadcast_in_dim3A_331, %select_n3A_315 : vector<16xi1>, vector<16xf32>
      %mul3A_333 = arith.constant 16 : i32
      %mul3A_334 = arith.muli %scan3A_95, %mul3A_333 : i32
      %add3A_335 = arith.constant 14 : i32
      %add3A_336 = arith.addi %mul3A_334, %add3A_335 : i32
      %mul3A_337 = arith.constant 16 : i32
      %mul3A_338 = arith.muli %add3A_336, %mul3A_337 : i32
      %get3A_339 = arith.index_cast %mul3A_338 : i32 to index
      %get3A_340 = tpu.vector_load %arg5[%get3A_339] {strides = array<i32>} : memref<32768xf32, #tpu.memory_space<vmem>>, vector<16xf32>,
      %eq3A_341 = arith.constant 14 : i32
      %eq3A_342 = vector.broadcast %eq3A_341 : i32 to vector<16xi32>
      %eq3A_343 = arith.cmpi eq, %iota3A, %eq3A_342 : vector<16xi32>
      %reduce_sum3A_344 = arith.constant true
      %reduce_sum3A_345 = vector.broadcast %reduce_sum3A_344 : i1 to vector<16xi1>
      %reduce_sum3A_346 = tpu.scan <sum>, %get3A_340 masked %reduce_sum3A_345 : vector<16xf32>, vector<16xi1> -> vector<16xf32>
      %reduce_sum3A_347 = vector.extract %reduce_sum3A_346[15] : f32 from vector<16xf32>
      %broadcast_in_dim3A_348 = vector.broadcast %reduce_sum3A_347 : f32 to vector<16xf32>
      %select_n3A_349 = arith.select %eq3A_343, %broadcast_in_dim3A_348, %select_n3A_332 : vector<16xi1>, vector<16xf32>
      %mul3A_350 = arith.constant 16 : i32
      %mul3A_351 = arith.muli %scan3A_95, %mul3A_350 : i32
      %add3A_352 = arith.constant 15 : i32
      %add3A_353 = arith.addi %mul3A_351, %add3A_352 : i32
      %mul3A_354 = arith.constant 16 : i32
      %mul3A_355 = arith.muli %add3A_353, %mul3A_354 : i32
      %get3A_356 = arith.index_cast %mul3A_355 : i32 to index
      %get3A_357 = tpu.vector_load %arg5[%get3A_356] {strides = array<i32>} : memref<32768xf32, #tpu.memory_space<vmem>>, vector<16xf32>,
      %eq3A_358 = arith.constant 15 : i32
      %eq3A_359 = vector.broadcast %eq3A_358 : i32 to vector<16xi32>
      %eq3A_360 = arith.cmpi eq, %iota3A, %eq3A_359 : vector<16xi32>
      %reduce_sum3A_361 = arith.constant true
      %reduce_sum3A_362 = vector.broadcast %reduce_sum3A_361 : i1 to vector<16xi1>
      %reduce_sum3A_363 = tpu.scan <sum>, %get3A_357 masked %reduce_sum3A_362 : vector<16xf32>, vector<16xi1> -> vector<16xf32>
      %reduce_sum3A_364 = vector.extract %reduce_sum3A_363[15] : f32 from vector<16xf32>
      %broadcast_in_dim3A_365 = vector.broadcast %reduce_sum3A_364 : f32 to vector<16xf32>
      %select_n3A_366 = arith.select %eq3A_360, %broadcast_in_dim3A_365, %select_n3A_349 : vector<16xi1>, vector<16xf32>
      %mul3A_367 = arith.constant 16 : i32
      %mul3A_368 = arith.muli %scan3A_95, %mul3A_367 : i32
      %swap3A_369 = arith.index_cast %mul3A_368 : i32 to index
      %swap3A_370 = tpu.vector_load %arg10[%swap3A_369] {strides = array<i32>} : memref<2048xf32, #tpu.memory_space<vmem>>, vector<16xf32>,
      tpu.vector_store %arg10[%swap3A_369], %select_n3A_366 {strides = array<i32>} : memref<2048xf32, #tpu.memory_space<vmem>>, vector<16xf32>,
    }
    %scan3A_34 = arith.constant 128 : i32
    %mul3A_35 = arith.constant 2 : i32
    %mul3A_36 = arith.muli %arg1, %mul3A_35 : i32
    %mul3A_37 = arith.constant 1024 : i32
    %mul3A_38 = arith.muli %mul3A_36, %mul3A_37 : i32
    "tpu.region"() ({
      %run_scoped3A = tpu.sem_alloc : memref<!tpu.dma_semaphore, #tpu.memory_space<semaphore_mem>>
      %dma_start3A_95 = tpu.memref_slice %arg13[%mul3A_38] : memref<32768xf32, #tpu.memory_space<vmem_shared>> -> memref<2048xf32, #tpu.memory_space<vmem_shared>>
      %dma_start3A_96 = tpu.memref_slice %arg13[%mul3A_38] : memref<32768xf32, #tpu.memory_space<vmem_shared>> -> memref<2048xf32, #tpu.memory_space<vmem_shared>>
      tpu.enqueue_dma source(%arg10 : memref<2048xf32, #tpu.memory_space<vmem>>) target(%dma_start3A_96 : memref<2048xf32, #tpu.memory_space<vmem_shared>>) target_semaphore(%run_scoped3A : memref<!tpu.dma_semaphore, #tpu.memory_space<semaphore_mem>>)
      %dma_wait3A = tpu.memref_slice %arg13[%mul3A_38] : memref<32768xf32, #tpu.memory_space<vmem_shared>> -> memref<2048xf32, #tpu.memory_space<vmem_shared>>
      %dma_wait3A_97 = tpu.memref_slice %arg13[%mul3A_38] : memref<32768xf32, #tpu.memory_space<vmem_shared>> -> memref<2048xf32, #tpu.memory_space<vmem_shared>>
      tpu.wait_dma2 semaphore(%run_scoped3A : memref<!tpu.dma_semaphore, #tpu.memory_space<semaphore_mem>>) src(%arg10 : memref<2048xf32, #tpu.memory_space<vmem>>) dst(%dma_wait3A_97 : memref<2048xf32, #tpu.memory_space<vmem_shared>>)
      tpu.yield
    }) : () -> ()
    %barrier3A = arith.constant 0 : index
    tpu.barrier barrier_id(%barrier3A)
    %broadcast_in_dim3A_39 = arith.constant 0.000000e+00 : f32
    %broadcast_in_dim3A_40 = vector.broadcast %broadcast_in_dim3A_39 : f32 to vector<16xf32>
    %scan3A_41 = arith.constant 0 : i32
    %scan3A_42 = arith.constant 0 : i32
    %mul3A_43 = arith.constant 16 : i32
    %mul3A_44 = arith.muli %scan3A_42, %mul3A_43 : i32
    %swap3A = arith.index_cast %mul3A_44 : i32 to index
    %swap3A_45 = tpu.vector_load %arg12[%swap3A] {strides = array<i32>} : memref<128xf32, #tpu.memory_space<vmem>>, vector<16xf32>,
    tpu.vector_store %arg12[%swap3A], %broadcast_in_dim3A_40 {strides = array<i32>} : memref<128xf32, #tpu.memory_space<vmem>>, vector<16xf32>,
    %scan3A_46 = arith.constant 1 : i32
    %mul3A_47 = arith.constant 16 : i32
    %mul3A_48 = arith.muli %scan3A_46, %mul3A_47 : i32
    %swap3A_49 = arith.index_cast %mul3A_48 : i32 to index
    %swap3A_50 = tpu.vector_load %arg12[%swap3A_49] {strides = array<i32>} : memref<128xf32, #tpu.memory_space<vmem>>, vector<16xf32>,
    tpu.vector_store %arg12[%swap3A_49], %broadcast_in_dim3A_40 {strides = array<i32>} : memref<128xf32, #tpu.memory_space<vmem>>, vector<16xf32>,
    %scan3A_51 = arith.constant 2 : i32
    %mul3A_52 = arith.constant 16 : i32
    %mul3A_53 = arith.muli %scan3A_51, %mul3A_52 : i32
    %swap3A_54 = arith.index_cast %mul3A_53 : i32 to index
    %swap3A_55 = tpu.vector_load %arg12[%swap3A_54] {strides = array<i32>} : memref<128xf32, #tpu.memory_space<vmem>>, vector<16xf32>,
    tpu.vector_store %arg12[%swap3A_54], %broadcast_in_dim3A_40 {strides = array<i32>} : memref<128xf32, #tpu.memory_space<vmem>>, vector<16xf32>,
    %scan3A_56 = arith.constant 3 : i32
    %mul3A_57 = arith.constant 16 : i32
    %mul3A_58 = arith.muli %scan3A_56, %mul3A_57 : i32
    %swap3A_59 = arith.index_cast %mul3A_58 : i32 to index
    %swap3A_60 = tpu.vector_load %arg12[%swap3A_59] {strides = array<i32>} : memref<128xf32, #tpu.memory_space<vmem>>, vector<16xf32>,
    tpu.vector_store %arg12[%swap3A_59], %broadcast_in_dim3A_40 {strides = array<i32>} : memref<128xf32, #tpu.memory_space<vmem>>, vector<16xf32>,
    %scan3A_61 = arith.constant 4 : i32
    %mul3A_62 = arith.constant 16 : i32
    %mul3A_63 = arith.muli %scan3A_61, %mul3A_62 : i32
    %swap3A_64 = arith.index_cast %mul3A_63 : i32 to index
    %swap3A_65 = tpu.vector_load %arg12[%swap3A_64] {strides = array<i32>} : memref<128xf32, #tpu.memory_space<vmem>>, vector<16xf32>,
    tpu.vector_store %arg12[%swap3A_64], %broadcast_in_dim3A_40 {strides = array<i32>} : memref<128xf32, #tpu.memory_space<vmem>>, vector<16xf32>,
    %scan3A_66 = arith.constant 5 : i32
    %mul3A_67 = arith.constant 16 : i32
    %mul3A_68 = arith.muli %scan3A_66, %mul3A_67 : i32
    %swap3A_69 = arith.index_cast %mul3A_68 : i32 to index
    %swap3A_70 = tpu.vector_load %arg12[%swap3A_69] {strides = array<i32>} : memref<128xf32, #tpu.memory_space<vmem>>, vector<16xf32>,
    tpu.vector_store %arg12[%swap3A_69], %broadcast_in_dim3A_40 {strides = array<i32>} : memref<128xf32, #tpu.memory_space<vmem>>, vector<16xf32>,
    %scan3A_71 = arith.constant 6 : i32
    %mul3A_72 = arith.constant 16 : i32
    %mul3A_73 = arith.muli %scan3A_71, %mul3A_72 : i32
    %swap3A_74 = arith.index_cast %mul3A_73 : i32 to index
    %swap3A_75 = tpu.vector_load %arg12[%swap3A_74] {strides = array<i32>} : memref<128xf32, #tpu.memory_space<vmem>>, vector<16xf32>,
    tpu.vector_store %arg12[%swap3A_74], %broadcast_in_dim3A_40 {strides = array<i32>} : memref<128xf32, #tpu.memory_space<vmem>>, vector<16xf32>,
    %scan3A_76 = arith.constant 7 : i32
    %mul3A_77 = arith.constant 16 : i32
    %mul3A_78 = arith.muli %scan3A_76, %mul3A_77 : i32
    %swap3A_79 = arith.index_cast %mul3A_78 : i32 to index
    %swap3A_80 = tpu.vector_load %arg12[%swap3A_79] {strides = array<i32>} : memref<128xf32, #tpu.memory_space<vmem>>, vector<16xf32>,
    tpu.vector_store %arg12[%swap3A_79], %broadcast_in_dim3A_40 {strides = array<i32>} : memref<128xf32, #tpu.memory_space<vmem>>, vector<16xf32>,
    %scan3A_81 = arith.constant 8 : i32
    %scan3A_82 = arith.constant 0 : i32
    %scan3A_83 = arith.constant 0 : i32
    %scan3A_84 = arith.constant 16 : i32
    %scan3A_85 = arith.addi %scan3A_83, %scan3A_84 : i32
    %scan3A_86 = arith.constant 1 : i32
    scf.for %scan3A_95 = %scan3A_83 to %scan3A_85 step %scan3A_86  : i32 {
      %mul3A_96 = arith.constant 2 : i32
      %mul3A_97 = arith.muli %scan3A_95, %mul3A_96 : i32
      %mul3A_98 = arith.constant 1024 : i32
      %mul3A_99 = arith.muli %mul3A_97, %mul3A_98 : i32
      %mul3A_100 = arith.constant 128 : i32
      %mul3A_101 = arith.muli %arg1, %mul3A_100 : i32
      %add3A_102 = arith.addi %mul3A_99, %mul3A_101 : i32
      "tpu.region"() ({
        %run_scoped3A = tpu.sem_alloc : memref<!tpu.dma_semaphore, #tpu.memory_space<semaphore_mem>>
        %dma_start3A_109 = tpu.memref_slice %arg13[%add3A_102] : memref<32768xf32, #tpu.memory_space<vmem_shared>> -> memref<128xf32, #tpu.memory_space<vmem_shared>>
        %dma_start3A_110 = tpu.memref_slice %arg13[%add3A_102] : memref<32768xf32, #tpu.memory_space<vmem_shared>> -> memref<128xf32, #tpu.memory_space<vmem_shared>>
        tpu.enqueue_dma source(%dma_start3A_110 : memref<128xf32, #tpu.memory_space<vmem_shared>>) target(%arg11 : memref<128xf32, #tpu.memory_space<vmem>>) target_semaphore(%run_scoped3A : memref<!tpu.dma_semaphore, #tpu.memory_space<semaphore_mem>>)
        %dma_wait3A = tpu.memref_slice %arg13[%add3A_102] : memref<32768xf32, #tpu.memory_space<vmem_shared>> -> memref<128xf32, #tpu.memory_space<vmem_shared>>
        %dma_wait3A_111 = tpu.memref_slice %arg13[%add3A_102] : memref<32768xf32, #tpu.memory_space<vmem_shared>> -> memref<128xf32, #tpu.memory_space<vmem_shared>>
        tpu.wait_dma2 semaphore(%run_scoped3A : memref<!tpu.dma_semaphore, #tpu.memory_space<semaphore_mem>>) src(%dma_wait3A_111 : memref<128xf32, #tpu.memory_space<vmem_shared>>) dst(%arg11 : memref<128xf32, #tpu.memory_space<vmem>>)
        tpu.yield
      }) : () -> ()
      %scan3A_103 = arith.constant 0 : i32
      %scan3A_104 = arith.constant 0 : i32
      %scan3A_105 = arith.constant 8 : i32
      %scan3A_106 = arith.addi %scan3A_104, %scan3A_105 : i32
      %scan3A_107 = arith.constant 1 : i32
      scf.for %scan3A_109 = %scan3A_104 to %scan3A_106 step %scan3A_107  : i32 {
        %mul3A_110 = arith.constant 16 : i32
        %mul3A_111 = arith.muli %scan3A_109, %mul3A_110 : i32
        %get3A_112 = arith.index_cast %mul3A_111 : i32 to index
        %get3A_113 = tpu.vector_load %arg12[%get3A_112] {strides = array<i32>} : memref<128xf32, #tpu.memory_space<vmem>>, vector<16xf32>,
        %get3A_114 = arith.index_cast %mul3A_111 : i32 to index
        %get3A_115 = tpu.vector_load %arg11[%get3A_114] {strides = array<i32>} : memref<128xf32, #tpu.memory_space<vmem>>, vector<16xf32>,
        %add3A_116 = arith.addf %get3A_113, %get3A_115 : vector<16xf32>
        %swap3A_117 = arith.index_cast %mul3A_111 : i32 to index
        %swap3A_118 = tpu.vector_load %arg12[%swap3A_117] {strides = array<i32>} : memref<128xf32, #tpu.memory_space<vmem>>, vector<16xf32>,
        tpu.vector_store %arg12[%swap3A_117], %add3A_116 {strides = array<i32>} : memref<128xf32, #tpu.memory_space<vmem>>, vector<16xf32>,
      }
      %scan3A_108 = arith.constant 8 : i32
    }
    %scan3A_87 = arith.constant 16 : i32
    %mul3A_88 = arith.constant 2 : i32
    %mul3A_89 = arith.muli %arg0, %mul3A_88 : i32
    %mul3A_90 = arith.constant 1024 : i32
    %mul3A_91 = arith.muli %mul3A_89, %mul3A_90 : i32
    %mul3A_92 = arith.constant 128 : i32
    %mul3A_93 = arith.muli %arg1, %mul3A_92 : i32
    %add3A_94 = arith.addi %mul3A_91, %mul3A_93 : i32
    "tpu.region"() ({
      %run_scoped3A = tpu.sem_alloc : memref<!tpu.dma_semaphore, #tpu.memory_space<semaphore_mem>>
      %dma_start3A_95 = tpu.memref_slice %arg4[%add3A_94] : memref<4096xf32, #tpu.memory_space<hbm>> -> memref<128xf32, #tpu.memory_space<hbm>>
      %dma_start3A_96 = tpu.memref_slice %arg4[%add3A_94] : memref<4096xf32, #tpu.memory_space<hbm>> -> memref<128xf32, #tpu.memory_space<hbm>>
      tpu.enqueue_dma source(%arg12 : memref<128xf32, #tpu.memory_space<vmem>>) target(%dma_start3A_96 : memref<128xf32, #tpu.memory_space<hbm>>) target_semaphore(%run_scoped3A : memref<!tpu.dma_semaphore, #tpu.memory_space<semaphore_mem>>)
      %dma_wait3A = tpu.memref_slice %arg4[%add3A_94] : memref<4096xf32, #tpu.memory_space<hbm>> -> memref<128xf32, #tpu.memory_space<hbm>>
      %dma_wait3A_97 = tpu.memref_slice %arg4[%add3A_94] : memref<4096xf32, #tpu.memory_space<hbm>> -> memref<128xf32, #tpu.memory_space<hbm>>
      tpu.wait_dma2 semaphore(%run_scoped3A : memref<!tpu.dma_semaphore, #tpu.memory_space<semaphore_mem>>) src(%arg12 : memref<128xf32, #tpu.memory_space<vmem>>) dst(%dma_wait3A_97 : memref<128xf32, #tpu.memory_space<hbm>>)
      tpu.yield
    }) : () -> ()
    return
  }
}

#map = affine_map<(d0, d1) -> (0, 0)>
#map1 = affine_map<(d0, d1) -> (0)>
module attributes {stable_mosaic.version = 14 : i64} {
  func.func @hist1(%arg0: i32, %arg1: i32, %arg2: memref<8192x512xf32, #tpu.memory_space<hbm>>, %arg3: memref<4096xf32, #tpu.memory_space<hbm>>, %arg4: memref<32768xf32, #tpu.memory_space<vmem>>, %arg5: memref<16x512xf32, #tpu.memory_space<vmem>>, %arg6: memref<16x512xf32, #tpu.memory_space<vmem>>, %arg7: memref<!tpu.dma_semaphore, #tpu.memory_space<semaphore_mem>>, %arg8: memref<!tpu.dma_semaphore, #tpu.memory_space<semaphore_mem>>, %arg9: memref<2048xf32, #tpu.memory_space<vmem>>, %arg10: memref<128xf32, #tpu.memory_space<vmem>>, %arg11: memref<128xf32, #tpu.memory_space<vmem>>, %arg12: memref<32768xf32, #tpu.memory_space<vmem_shared>>) attributes {dimension_semantics = [#tpu.dimension_semantics<core_parallel>, #tpu.dimension_semantics<subcore_parallel>], iteration_bounds = array<i64: 2, 16>, scalar_prefetch = 0 : i64, scratch_operands = 9 : i64, tpu.core_type = #tpu.core_type<sc_vector_subcore>, window_params = [{transform_indices = #map}, {transform_indices = #map1}]} {
    %mul3A = arith.constant 2 : i32
    %mul3A_0 = arith.muli %arg1, %mul3A : i32
    %add3A = arith.addi %mul3A_0, %arg0 : i32
    %mul3A_1 = arith.constant 256 : i32
    %mul3A_2 = arith.muli %add3A, %mul3A_1 : i32
    %broadcast_in_dim3A = arith.constant 0.000000e+00 : f32
    %broadcast_in_dim3A_3 = vector.broadcast %broadcast_in_dim3A : f32 to vector<16xf32>
    %scan3A = arith.constant 0 : i32
    %scan3A_4 = arith.constant 0 : i32
    %scan3A_5 = arith.constant 2048 : i32
    %scan3A_6 = arith.addi %scan3A_4, %scan3A_5 : i32
    %scan3A_7 = arith.constant 8 : i32
    scf.for %scan3A_94 = %scan3A_4 to %scan3A_6 step %scan3A_7  : i32 {
      %mul3A_95 = arith.constant 16 : i32
      %mul3A_96 = arith.muli %scan3A_94, %mul3A_95 : i32
      %swap3A_97 = arith.index_cast %mul3A_96 : i32 to index
      %swap3A_98 = tpu.vector_load %arg4[%swap3A_97] {strides = array<i32>} : memref<32768xf32, #tpu.memory_space<vmem>>, vector<16xf32>,
      tpu.vector_store %arg4[%swap3A_97], %broadcast_in_dim3A_3 {strides = array<i32>} : memref<32768xf32, #tpu.memory_space<vmem>>, vector<16xf32>,
      %scan3A_99 = arith.constant 1 : i32
      %scan3A_100 = arith.addi %scan3A_94, %scan3A_99 : i32
      %mul3A_101 = arith.constant 16 : i32
      %mul3A_102 = arith.muli %scan3A_100, %mul3A_101 : i32
      %swap3A_103 = arith.index_cast %mul3A_102 : i32 to index
      %swap3A_104 = tpu.vector_load %arg4[%swap3A_103] {strides = array<i32>} : memref<32768xf32, #tpu.memory_space<vmem>>, vector<16xf32>,
      tpu.vector_store %arg4[%swap3A_103], %broadcast_in_dim3A_3 {strides = array<i32>} : memref<32768xf32, #tpu.memory_space<vmem>>, vector<16xf32>,
      %scan3A_105 = arith.constant 2 : i32
      %scan3A_106 = arith.addi %scan3A_94, %scan3A_105 : i32
      %mul3A_107 = arith.constant 16 : i32
      %mul3A_108 = arith.muli %scan3A_106, %mul3A_107 : i32
      %swap3A_109 = arith.index_cast %mul3A_108 : i32 to index
      %swap3A_110 = tpu.vector_load %arg4[%swap3A_109] {strides = array<i32>} : memref<32768xf32, #tpu.memory_space<vmem>>, vector<16xf32>,
      tpu.vector_store %arg4[%swap3A_109], %broadcast_in_dim3A_3 {strides = array<i32>} : memref<32768xf32, #tpu.memory_space<vmem>>, vector<16xf32>,
      %scan3A_111 = arith.constant 3 : i32
      %scan3A_112 = arith.addi %scan3A_94, %scan3A_111 : i32
      %mul3A_113 = arith.constant 16 : i32
      %mul3A_114 = arith.muli %scan3A_112, %mul3A_113 : i32
      %swap3A_115 = arith.index_cast %mul3A_114 : i32 to index
      %swap3A_116 = tpu.vector_load %arg4[%swap3A_115] {strides = array<i32>} : memref<32768xf32, #tpu.memory_space<vmem>>, vector<16xf32>,
      tpu.vector_store %arg4[%swap3A_115], %broadcast_in_dim3A_3 {strides = array<i32>} : memref<32768xf32, #tpu.memory_space<vmem>>, vector<16xf32>,
      %scan3A_117 = arith.constant 4 : i32
      %scan3A_118 = arith.addi %scan3A_94, %scan3A_117 : i32
      %mul3A_119 = arith.constant 16 : i32
      %mul3A_120 = arith.muli %scan3A_118, %mul3A_119 : i32
      %swap3A_121 = arith.index_cast %mul3A_120 : i32 to index
      %swap3A_122 = tpu.vector_load %arg4[%swap3A_121] {strides = array<i32>} : memref<32768xf32, #tpu.memory_space<vmem>>, vector<16xf32>,
      tpu.vector_store %arg4[%swap3A_121], %broadcast_in_dim3A_3 {strides = array<i32>} : memref<32768xf32, #tpu.memory_space<vmem>>, vector<16xf32>,
      %scan3A_123 = arith.constant 5 : i32
      %scan3A_124 = arith.addi %scan3A_94, %scan3A_123 : i32
      %mul3A_125 = arith.constant 16 : i32
      %mul3A_126 = arith.muli %scan3A_124, %mul3A_125 : i32
      %swap3A_127 = arith.index_cast %mul3A_126 : i32 to index
      %swap3A_128 = tpu.vector_load %arg4[%swap3A_127] {strides = array<i32>} : memref<32768xf32, #tpu.memory_space<vmem>>, vector<16xf32>,
      tpu.vector_store %arg4[%swap3A_127], %broadcast_in_dim3A_3 {strides = array<i32>} : memref<32768xf32, #tpu.memory_space<vmem>>, vector<16xf32>,
      %scan3A_129 = arith.constant 6 : i32
      %scan3A_130 = arith.addi %scan3A_94, %scan3A_129 : i32
      %mul3A_131 = arith.constant 16 : i32
      %mul3A_132 = arith.muli %scan3A_130, %mul3A_131 : i32
      %swap3A_133 = arith.index_cast %mul3A_132 : i32 to index
      %swap3A_134 = tpu.vector_load %arg4[%swap3A_133] {strides = array<i32>} : memref<32768xf32, #tpu.memory_space<vmem>>, vector<16xf32>,
      tpu.vector_store %arg4[%swap3A_133], %broadcast_in_dim3A_3 {strides = array<i32>} : memref<32768xf32, #tpu.memory_space<vmem>>, vector<16xf32>,
      %scan3A_135 = arith.constant 7 : i32
      %scan3A_136 = arith.addi %scan3A_94, %scan3A_135 : i32
      %mul3A_137 = arith.constant 16 : i32
      %mul3A_138 = arith.muli %scan3A_136, %mul3A_137 : i32
      %swap3A_139 = arith.index_cast %mul3A_138 : i32 to index
      %swap3A_140 = tpu.vector_load %arg4[%swap3A_139] {strides = array<i32>} : memref<32768xf32, #tpu.memory_space<vmem>>, vector<16xf32>,
      tpu.vector_store %arg4[%swap3A_139], %broadcast_in_dim3A_3 {strides = array<i32>} : memref<32768xf32, #tpu.memory_space<vmem>>, vector<16xf32>,
    }
    %scan3A_8 = arith.constant 2048 : i32
    %iota3A = tpu.iota {dimensions = array<i32: 0>} : vector<16xi32>
    %broadcast_in_dim3A_9 = arith.constant 1.000000e+00 : f32
    %broadcast_in_dim3A_10 = vector.broadcast %broadcast_in_dim3A_9 : f32 to vector<16xf32>
    %add3A_11 = arith.constant 0 : i32
    %add3A_12 = arith.addi %mul3A_2, %add3A_11 : i32
    %dma_start3A = arith.constant 0 : i32
    %dma_start3A_13 = tpu.memref_slice %arg2[%add3A_12, %dma_start3A] : memref<8192x512xf32, #tpu.memory_space<hbm>> -> memref<16x512xf32, #tpu.memory_space<hbm>>
    %dma_start3A_14 = arith.constant 0 : i32
    %dma_start3A_15 = tpu.memref_slice %arg2[%add3A_12, %dma_start3A_14] : memref<8192x512xf32, #tpu.memory_space<hbm>> -> memref<16x512xf32, #tpu.memory_space<hbm>>
    tpu.enqueue_dma source(%dma_start3A_15 : memref<16x512xf32, #tpu.memory_space<hbm>>) target(%arg5 : memref<16x512xf32, #tpu.memory_space<vmem>>) target_semaphore(%arg7 : memref<!tpu.dma_semaphore, #tpu.memory_space<semaphore_mem>>)
    %add3A_16 = arith.constant 16 : i32
    %add3A_17 = arith.addi %mul3A_2, %add3A_16 : i32
    %dma_start3A_18 = arith.constant 0 : i32
    %dma_start3A_19 = tpu.memref_slice %arg2[%add3A_17, %dma_start3A_18] : memref<8192x512xf32, #tpu.memory_space<hbm>> -> memref<16x512xf32, #tpu.memory_space<hbm>>
    %dma_start3A_20 = arith.constant 0 : i32
    %dma_start3A_21 = tpu.memref_slice %arg2[%add3A_17, %dma_start3A_20] : memref<8192x512xf32, #tpu.memory_space<hbm>> -> memref<16x512xf32, #tpu.memory_space<hbm>>
    tpu.enqueue_dma source(%dma_start3A_21 : memref<16x512xf32, #tpu.memory_space<hbm>>) target(%arg6 : memref<16x512xf32, #tpu.memory_space<vmem>>) target_semaphore(%arg8 : memref<!tpu.dma_semaphore, #tpu.memory_space<semaphore_mem>>)
    %scan3A_22 = arith.constant 0 : i32
    %scan3A_23 = arith.constant 0 : i32
    %scan3A_24 = arith.constant 8 : i32
    %scan3A_25 = arith.addi %scan3A_23, %scan3A_24 : i32
    %scan3A_26 = arith.constant 1 : i32
    scf.for %scan3A_94 = %scan3A_23 to %scan3A_25 step %scan3A_26  : i32 {
      %mul3A_95 = arith.constant 2 : i32
      %mul3A_96 = arith.muli %scan3A_94, %mul3A_95 : i32
      %mul3A_97 = arith.constant 16 : i32
      %mul3A_98 = arith.muli %mul3A_96, %mul3A_97 : i32
      %add3A_99 = arith.addi %mul3A_2, %mul3A_98 : i32
      %dma_wait3A = arith.constant 0 : i32
      %dma_wait3A_100 = tpu.memref_slice %arg2[%add3A_99, %dma_wait3A] : memref<8192x512xf32, #tpu.memory_space<hbm>> -> memref<16x512xf32, #tpu.memory_space<hbm>>
      %dma_wait3A_101 = arith.constant 0 : i32
      %dma_wait3A_102 = tpu.memref_slice %arg2[%add3A_99, %dma_wait3A_101] : memref<8192x512xf32, #tpu.memory_space<hbm>> -> memref<16x512xf32, #tpu.memory_space<hbm>>
      tpu.wait_dma2 semaphore(%arg7 : memref<!tpu.dma_semaphore, #tpu.memory_space<semaphore_mem>>) src(%dma_wait3A_102 : memref<16x512xf32, #tpu.memory_space<hbm>>) dst(%arg5 : memref<16x512xf32, #tpu.memory_space<vmem>>)
      %scan3A_103 = arith.constant 0 : i32
      %scan3A_104 = arith.constant 0 : i32
      %scan3A_105 = arith.constant 16 : i32
      %scan3A_106 = arith.addi %scan3A_104, %scan3A_105 : i32
      %scan3A_107 = arith.constant 1 : i32
      scf.for %scan3A_131 = %scan3A_104 to %scan3A_106 step %scan3A_107  : i32 {
        %scan3A_132 = arith.constant 0 : i32
        %scan3A_133 = arith.constant 0 : i32
        %scan3A_134 = arith.constant 8 : i32
        %scan3A_135 = arith.addi %scan3A_133, %scan3A_134 : i32
        %scan3A_136 = arith.constant 2 : i32
        scf.for %scan3A_138 = %scan3A_133 to %scan3A_135 step %scan3A_136  : i32 {
          %mul3A_139 = arith.constant 64 : i32
          %mul3A_140 = arith.muli %scan3A_138, %mul3A_139 : i32
          %add3A_141 = arith.constant 0 : i32
          %add3A_142 = arith.addi %mul3A_140, %add3A_141 : i32
          %get3A = arith.index_cast %scan3A_131 : i32 to index
          %get3A_143 = arith.index_cast %add3A_142 : i32 to index
          %get3A_144 = tpu.vector_load %arg5[%get3A, %get3A_143] {strides = array<i32>} : memref<16x512xf32, #tpu.memory_space<vmem>>, vector<16xf32>,
          %mul3A_145 = arith.constant 64 : i32
          %mul3A_146 = arith.muli %scan3A_138, %mul3A_145 : i32
          %add3A_147 = arith.constant 16 : i32
          %add3A_148 = arith.addi %mul3A_146, %add3A_147 : i32
          %get3A_149 = arith.index_cast %scan3A_131 : i32 to index
          %get3A_150 = arith.index_cast %add3A_148 : i32 to index
          %get3A_151 = tpu.vector_load %arg5[%get3A_149, %get3A_150] {strides = array<i32>} : memref<16x512xf32, #tpu.memory_space<vmem>>, vector<16xf32>,
          %mul3A_152 = arith.constant 64 : i32
          %mul3A_153 = arith.muli %scan3A_138, %mul3A_152 : i32
          %add3A_154 = arith.constant 32 : i32
          %add3A_155 = arith.addi %mul3A_153, %add3A_154 : i32
          %get3A_156 = arith.index_cast %scan3A_131 : i32 to index
          %get3A_157 = arith.index_cast %add3A_155 : i32 to index
          %get3A_158 = tpu.vector_load %arg5[%get3A_156, %get3A_157] {strides = array<i32>} : memref<16x512xf32, #tpu.memory_space<vmem>>, vector<16xf32>,
          %mul3A_159 = arith.constant 64 : i32
          %mul3A_160 = arith.muli %scan3A_138, %mul3A_159 : i32
          %add3A_161 = arith.constant 48 : i32
          %add3A_162 = arith.addi %mul3A_160, %add3A_161 : i32
          %get3A_163 = arith.index_cast %scan3A_131 : i32 to index
          %get3A_164 = arith.index_cast %add3A_162 : i32 to index
          %get3A_165 = tpu.vector_load %arg5[%get3A_163, %get3A_164] {strides = array<i32>} : memref<16x512xf32, #tpu.memory_space<vmem>>, vector<16xf32>,
          %bitcast_convert_type3A = tpu.bitcast %get3A_144 : vector<16xf32> -> vector<16xi32>
          %bitcast_convert_type3A_166 = tpu.bitcast %get3A_151 : vector<16xf32> -> vector<16xi32>
          %bitcast_convert_type3A_167 = tpu.bitcast %get3A_158 : vector<16xf32> -> vector<16xi32>
          %bitcast_convert_type3A_168 = tpu.bitcast %get3A_165 : vector<16xf32> -> vector<16xi32>
          %shift_right_logical3A = arith.constant 17 : i32
          %shift_right_logical3A_169 = vector.broadcast %shift_right_logical3A : i32 to vector<16xi32>
          %shift_right_logical3A_170 = arith.shrui %bitcast_convert_type3A, %shift_right_logical3A_169 : vector<16xi32>
          %and3A = arith.constant 16368 : i32
          %and3A_171 = vector.broadcast %and3A : i32 to vector<16xi32>
          %and3A_172 = arith.andi %shift_right_logical3A_170, %and3A_171 : vector<16xi32>
          %or3A = arith.ori %and3A_172, %iota3A : vector<16xi32>
          %shift_right_logical3A_173 = arith.constant 17 : i32
          %shift_right_logical3A_174 = vector.broadcast %shift_right_logical3A_173 : i32 to vector<16xi32>
          %shift_right_logical3A_175 = arith.shrui %bitcast_convert_type3A_166, %shift_right_logical3A_174 : vector<16xi32>
          %and3A_176 = arith.constant 16368 : i32
          %and3A_177 = vector.broadcast %and3A_176 : i32 to vector<16xi32>
          %and3A_178 = arith.andi %shift_right_logical3A_175, %and3A_177 : vector<16xi32>
          %or3A_179 = arith.ori %and3A_178, %iota3A : vector<16xi32>
          %shift_right_logical3A_180 = arith.constant 17 : i32
          %shift_right_logical3A_181 = vector.broadcast %shift_right_logical3A_180 : i32 to vector<16xi32>
          %shift_right_logical3A_182 = arith.shrui %bitcast_convert_type3A_167, %shift_right_logical3A_181 : vector<16xi32>
          %and3A_183 = arith.constant 16368 : i32
          %and3A_184 = vector.broadcast %and3A_183 : i32 to vector<16xi32>
          %and3A_185 = arith.andi %shift_right_logical3A_182, %and3A_184 : vector<16xi32>
          %or3A_186 = arith.ori %and3A_185, %iota3A : vector<16xi32>
          %shift_right_logical3A_187 = arith.constant 17 : i32
          %shift_right_logical3A_188 = vector.broadcast %shift_right_logical3A_187 : i32 to vector<16xi32>
          %shift_right_logical3A_189 = arith.shrui %bitcast_convert_type3A_168, %shift_right_logical3A_188 : vector<16xi32>
          %and3A_190 = arith.constant 16368 : i32
          %and3A_191 = vector.broadcast %and3A_190 : i32 to vector<16xi32>
          %and3A_192 = arith.andi %shift_right_logical3A_189, %and3A_191 : vector<16xi32>
          %or3A_193 = arith.ori %and3A_192, %iota3A : vector<16xi32>
          tpu.vector_store_idx %arg4[%or3A], %broadcast_in_dim3A_10 {add = true} : memref<32768xf32, #tpu.memory_space<vmem>>[vector<16xi32>], vector<16xf32>,
          tpu.vector_store_idx %arg4[%or3A_179], %broadcast_in_dim3A_10 {add = true} : memref<32768xf32, #tpu.memory_space<vmem>>[vector<16xi32>], vector<16xf32>,
          tpu.vector_store_idx %arg4[%or3A_186], %broadcast_in_dim3A_10 {add = true} : memref<32768xf32, #tpu.memory_space<vmem>>[vector<16xi32>], vector<16xf32>,
          tpu.vector_store_idx %arg4[%or3A_193], %broadcast_in_dim3A_10 {add = true} : memref<32768xf32, #tpu.memory_space<vmem>>[vector<16xi32>], vector<16xf32>,
          %add3A_194 = arith.constant 16384 : i32
          %add3A_195 = vector.broadcast %add3A_194 : i32 to vector<16xi32>
          %add3A_196 = arith.addi %or3A, %add3A_195 : vector<16xi32>
          tpu.vector_store_idx %arg4[%add3A_196], %get3A_144 {add = true} : memref<32768xf32, #tpu.memory_space<vmem>>[vector<16xi32>], vector<16xf32>,
          %add3A_197 = arith.constant 16384 : i32
          %add3A_198 = vector.broadcast %add3A_197 : i32 to vector<16xi32>
          %add3A_199 = arith.addi %or3A_179, %add3A_198 : vector<16xi32>
          tpu.vector_store_idx %arg4[%add3A_199], %get3A_151 {add = true} : memref<32768xf32, #tpu.memory_space<vmem>>[vector<16xi32>], vector<16xf32>,
          %add3A_200 = arith.constant 16384 : i32
          %add3A_201 = vector.broadcast %add3A_200 : i32 to vector<16xi32>
          %add3A_202 = arith.addi %or3A_186, %add3A_201 : vector<16xi32>
          tpu.vector_store_idx %arg4[%add3A_202], %get3A_158 {add = true} : memref<32768xf32, #tpu.memory_space<vmem>>[vector<16xi32>], vector<16xf32>,
          %add3A_203 = arith.constant 16384 : i32
          %add3A_204 = vector.broadcast %add3A_203 : i32 to vector<16xi32>
          %add3A_205 = arith.addi %or3A_193, %add3A_204 : vector<16xi32>
          tpu.vector_store_idx %arg4[%add3A_205], %get3A_165 {add = true} : memref<32768xf32, #tpu.memory_space<vmem>>[vector<16xi32>], vector<16xf32>,
          %scan3A_206 = arith.constant 1 : i32
          %scan3A_207 = arith.addi %scan3A_138, %scan3A_206 : i32
          %mul3A_208 = arith.constant 64 : i32
          %mul3A_209 = arith.muli %scan3A_207, %mul3A_208 : i32
          %add3A_210 = arith.constant 0 : i32
          %add3A_211 = arith.addi %mul3A_209, %add3A_210 : i32
          %get3A_212 = arith.index_cast %scan3A_131 : i32 to index
          %get3A_213 = arith.index_cast %add3A_211 : i32 to index
          %get3A_214 = tpu.vector_load %arg5[%get3A_212, %get3A_213] {strides = array<i32>} : memref<16x512xf32, #tpu.memory_space<vmem>>, vector<16xf32>,
          %mul3A_215 = arith.constant 64 : i32
          %mul3A_216 = arith.muli %scan3A_207, %mul3A_215 : i32
          %add3A_217 = arith.constant 16 : i32
          %add3A_218 = arith.addi %mul3A_216, %add3A_217 : i32
          %get3A_219 = arith.index_cast %scan3A_131 : i32 to index
          %get3A_220 = arith.index_cast %add3A_218 : i32 to index
          %get3A_221 = tpu.vector_load %arg5[%get3A_219, %get3A_220] {strides = array<i32>} : memref<16x512xf32, #tpu.memory_space<vmem>>, vector<16xf32>,
          %mul3A_222 = arith.constant 64 : i32
          %mul3A_223 = arith.muli %scan3A_207, %mul3A_222 : i32
          %add3A_224 = arith.constant 32 : i32
          %add3A_225 = arith.addi %mul3A_223, %add3A_224 : i32
          %get3A_226 = arith.index_cast %scan3A_131 : i32 to index
          %get3A_227 = arith.index_cast %add3A_225 : i32 to index
          %get3A_228 = tpu.vector_load %arg5[%get3A_226, %get3A_227] {strides = array<i32>} : memref<16x512xf32, #tpu.memory_space<vmem>>, vector<16xf32>,
          %mul3A_229 = arith.constant 64 : i32
          %mul3A_230 = arith.muli %scan3A_207, %mul3A_229 : i32
          %add3A_231 = arith.constant 48 : i32
          %add3A_232 = arith.addi %mul3A_230, %add3A_231 : i32
          %get3A_233 = arith.index_cast %scan3A_131 : i32 to index
          %get3A_234 = arith.index_cast %add3A_232 : i32 to index
          %get3A_235 = tpu.vector_load %arg5[%get3A_233, %get3A_234] {strides = array<i32>} : memref<16x512xf32, #tpu.memory_space<vmem>>, vector<16xf32>,
          %bitcast_convert_type3A_236 = tpu.bitcast %get3A_214 : vector<16xf32> -> vector<16xi32>
          %bitcast_convert_type3A_237 = tpu.bitcast %get3A_221 : vector<16xf32> -> vector<16xi32>
          %bitcast_convert_type3A_238 = tpu.bitcast %get3A_228 : vector<16xf32> -> vector<16xi32>
          %bitcast_convert_type3A_239 = tpu.bitcast %get3A_235 : vector<16xf32> -> vector<16xi32>
          %shift_right_logical3A_240 = arith.constant 17 : i32
          %shift_right_logical3A_241 = vector.broadcast %shift_right_logical3A_240 : i32 to vector<16xi32>
          %shift_right_logical3A_242 = arith.shrui %bitcast_convert_type3A_236, %shift_right_logical3A_241 : vector<16xi32>
          %and3A_243 = arith.constant 16368 : i32
          %and3A_244 = vector.broadcast %and3A_243 : i32 to vector<16xi32>
          %and3A_245 = arith.andi %shift_right_logical3A_242, %and3A_244 : vector<16xi32>
          %or3A_246 = arith.ori %and3A_245, %iota3A : vector<16xi32>
          %shift_right_logical3A_247 = arith.constant 17 : i32
          %shift_right_logical3A_248 = vector.broadcast %shift_right_logical3A_247 : i32 to vector<16xi32>
          %shift_right_logical3A_249 = arith.shrui %bitcast_convert_type3A_237, %shift_right_logical3A_248 : vector<16xi32>
          %and3A_250 = arith.constant 16368 : i32
          %and3A_251 = vector.broadcast %and3A_250 : i32 to vector<16xi32>
          %and3A_252 = arith.andi %shift_right_logical3A_249, %and3A_251 : vector<16xi32>
          %or3A_253 = arith.ori %and3A_252, %iota3A : vector<16xi32>
          %shift_right_logical3A_254 = arith.constant 17 : i32
          %shift_right_logical3A_255 = vector.broadcast %shift_right_logical3A_254 : i32 to vector<16xi32>
          %shift_right_logical3A_256 = arith.shrui %bitcast_convert_type3A_238, %shift_right_logical3A_255 : vector<16xi32>
          %and3A_257 = arith.constant 16368 : i32
          %and3A_258 = vector.broadcast %and3A_257 : i32 to vector<16xi32>
          %and3A_259 = arith.andi %shift_right_logical3A_256, %and3A_258 : vector<16xi32>
          %or3A_260 = arith.ori %and3A_259, %iota3A : vector<16xi32>
          %shift_right_logical3A_261 = arith.constant 17 : i32
          %shift_right_logical3A_262 = vector.broadcast %shift_right_logical3A_261 : i32 to vector<16xi32>
          %shift_right_logical3A_263 = arith.shrui %bitcast_convert_type3A_239, %shift_right_logical3A_262 : vector<16xi32>
          %and3A_264 = arith.constant 16368 : i32
          %and3A_265 = vector.broadcast %and3A_264 : i32 to vector<16xi32>
          %and3A_266 = arith.andi %shift_right_logical3A_263, %and3A_265 : vector<16xi32>
          %or3A_267 = arith.ori %and3A_266, %iota3A : vector<16xi32>
          tpu.vector_store_idx %arg4[%or3A_246], %broadcast_in_dim3A_10 {add = true} : memref<32768xf32, #tpu.memory_space<vmem>>[vector<16xi32>], vector<16xf32>,
          tpu.vector_store_idx %arg4[%or3A_253], %broadcast_in_dim3A_10 {add = true} : memref<32768xf32, #tpu.memory_space<vmem>>[vector<16xi32>], vector<16xf32>,
          tpu.vector_store_idx %arg4[%or3A_260], %broadcast_in_dim3A_10 {add = true} : memref<32768xf32, #tpu.memory_space<vmem>>[vector<16xi32>], vector<16xf32>,
          tpu.vector_store_idx %arg4[%or3A_267], %broadcast_in_dim3A_10 {add = true} : memref<32768xf32, #tpu.memory_space<vmem>>[vector<16xi32>], vector<16xf32>,
          %add3A_268 = arith.constant 16384 : i32
          %add3A_269 = vector.broadcast %add3A_268 : i32 to vector<16xi32>
          %add3A_270 = arith.addi %or3A_246, %add3A_269 : vector<16xi32>
          tpu.vector_store_idx %arg4[%add3A_270], %get3A_214 {add = true} : memref<32768xf32, #tpu.memory_space<vmem>>[vector<16xi32>], vector<16xf32>,
          %add3A_271 = arith.constant 16384 : i32
          %add3A_272 = vector.broadcast %add3A_271 : i32 to vector<16xi32>
          %add3A_273 = arith.addi %or3A_253, %add3A_272 : vector<16xi32>
          tpu.vector_store_idx %arg4[%add3A_273], %get3A_221 {add = true} : memref<32768xf32, #tpu.memory_space<vmem>>[vector<16xi32>], vector<16xf32>,
          %add3A_274 = arith.constant 16384 : i32
          %add3A_275 = vector.broadcast %add3A_274 : i32 to vector<16xi32>
          %add3A_276 = arith.addi %or3A_260, %add3A_275 : vector<16xi32>
          tpu.vector_store_idx %arg4[%add3A_276], %get3A_228 {add = true} : memref<32768xf32, #tpu.memory_space<vmem>>[vector<16xi32>], vector<16xf32>,
          %add3A_277 = arith.constant 16384 : i32
          %add3A_278 = vector.broadcast %add3A_277 : i32 to vector<16xi32>
          %add3A_279 = arith.addi %or3A_267, %add3A_278 : vector<16xi32>
          tpu.vector_store_idx %arg4[%add3A_279], %get3A_235 {add = true} : memref<32768xf32, #tpu.memory_space<vmem>>[vector<16xi32>], vector<16xf32>,
        }
        %scan3A_137 = arith.constant 8 : i32
      }
      %scan3A_108 = arith.constant 16 : i32
      %lt3A = arith.constant 7 : i32
      %lt3A_109 = arith.cmpi slt, %scan3A_94, %lt3A : i32
      %convert_element_type3A = arith.extui %lt3A_109 : i1 to i32
      %cond3A = arith.constant 0 : i32
      %cond3A_110 = arith.cmpi ne, %convert_element_type3A, %cond3A : i32
      scf.if %cond3A_110 {
        %add3A_131 = arith.constant 2 : i32
        %add3A_132 = arith.addi %mul3A_96, %add3A_131 : i32
        %mul3A_133 = arith.constant 16 : i32
        %mul3A_134 = arith.muli %add3A_132, %mul3A_133 : i32
        %add3A_135 = arith.addi %mul3A_2, %mul3A_134 : i32
        %dma_start3A_136 = arith.constant 0 : i32
        %dma_start3A_137 = tpu.memref_slice %arg2[%add3A_135, %dma_start3A_136] : memref<8192x512xf32, #tpu.memory_space<hbm>> -> memref<16x512xf32, #tpu.memory_space<hbm>>
        %dma_start3A_138 = arith.constant 0 : i32
        %dma_start3A_139 = tpu.memref_slice %arg2[%add3A_135, %dma_start3A_138] : memref<8192x512xf32, #tpu.memory_space<hbm>> -> memref<16x512xf32, #tpu.memory_space<hbm>>
        tpu.enqueue_dma source(%dma_start3A_139 : memref<16x512xf32, #tpu.memory_space<hbm>>) target(%arg5 : memref<16x512xf32, #tpu.memory_space<vmem>>) target_semaphore(%arg7 : memref<!tpu.dma_semaphore, #tpu.memory_space<semaphore_mem>>)
      } else {
      }
      %add3A_111 = arith.constant 1 : i32
      %add3A_112 = arith.addi %mul3A_96, %add3A_111 : i32
      %mul3A_113 = arith.constant 16 : i32
      %mul3A_114 = arith.muli %add3A_112, %mul3A_113 : i32
      %add3A_115 = arith.addi %mul3A_2, %mul3A_114 : i32
      %dma_wait3A_116 = arith.constant 0 : i32
      %dma_wait3A_117 = tpu.memref_slice %arg2[%add3A_115, %dma_wait3A_116] : memref<8192x512xf32, #tpu.memory_space<hbm>> -> memref<16x512xf32, #tpu.memory_space<hbm>>
      %dma_wait3A_118 = arith.constant 0 : i32
      %dma_wait3A_119 = tpu.memref_slice %arg2[%add3A_115, %dma_wait3A_118] : memref<8192x512xf32, #tpu.memory_space<hbm>> -> memref<16x512xf32, #tpu.memory_space<hbm>>
      tpu.wait_dma2 semaphore(%arg8 : memref<!tpu.dma_semaphore, #tpu.memory_space<semaphore_mem>>) src(%dma_wait3A_119 : memref<16x512xf32, #tpu.memory_space<hbm>>) dst(%arg6 : memref<16x512xf32, #tpu.memory_space<vmem>>)
      %scan3A_120 = arith.constant 0 : i32
      %scan3A_121 = arith.constant 0 : i32
      %scan3A_122 = arith.constant 16 : i32
      %scan3A_123 = arith.addi %scan3A_121, %scan3A_122 : i32
      %scan3A_124 = arith.constant 1 : i32
      scf.for %scan3A_131 = %scan3A_121 to %scan3A_123 step %scan3A_124  : i32 {
        %scan3A_132 = arith.constant 0 : i32
        %scan3A_133 = arith.constant 0 : i32
        %scan3A_134 = arith.constant 8 : i32
        %scan3A_135 = arith.addi %scan3A_133, %scan3A_134 : i32
        %scan3A_136 = arith.constant 2 : i32
        scf.for %scan3A_138 = %scan3A_133 to %scan3A_135 step %scan3A_136  : i32 {
          %mul3A_139 = arith.constant 64 : i32
          %mul3A_140 = arith.muli %scan3A_138, %mul3A_139 : i32
          %add3A_141 = arith.constant 0 : i32
          %add3A_142 = arith.addi %mul3A_140, %add3A_141 : i32
          %get3A = arith.index_cast %scan3A_131 : i32 to index
          %get3A_143 = arith.index_cast %add3A_142 : i32 to index
          %get3A_144 = tpu.vector_load %arg6[%get3A, %get3A_143] {strides = array<i32>} : memref<16x512xf32, #tpu.memory_space<vmem>>, vector<16xf32>,
          %mul3A_145 = arith.constant 64 : i32
          %mul3A_146 = arith.muli %scan3A_138, %mul3A_145 : i32
          %add3A_147 = arith.constant 16 : i32
          %add3A_148 = arith.addi %mul3A_146, %add3A_147 : i32
          %get3A_149 = arith.index_cast %scan3A_131 : i32 to index
          %get3A_150 = arith.index_cast %add3A_148 : i32 to index
          %get3A_151 = tpu.vector_load %arg6[%get3A_149, %get3A_150] {strides = array<i32>} : memref<16x512xf32, #tpu.memory_space<vmem>>, vector<16xf32>,
          %mul3A_152 = arith.constant 64 : i32
          %mul3A_153 = arith.muli %scan3A_138, %mul3A_152 : i32
          %add3A_154 = arith.constant 32 : i32
          %add3A_155 = arith.addi %mul3A_153, %add3A_154 : i32
          %get3A_156 = arith.index_cast %scan3A_131 : i32 to index
          %get3A_157 = arith.index_cast %add3A_155 : i32 to index
          %get3A_158 = tpu.vector_load %arg6[%get3A_156, %get3A_157] {strides = array<i32>} : memref<16x512xf32, #tpu.memory_space<vmem>>, vector<16xf32>,
          %mul3A_159 = arith.constant 64 : i32
          %mul3A_160 = arith.muli %scan3A_138, %mul3A_159 : i32
          %add3A_161 = arith.constant 48 : i32
          %add3A_162 = arith.addi %mul3A_160, %add3A_161 : i32
          %get3A_163 = arith.index_cast %scan3A_131 : i32 to index
          %get3A_164 = arith.index_cast %add3A_162 : i32 to index
          %get3A_165 = tpu.vector_load %arg6[%get3A_163, %get3A_164] {strides = array<i32>} : memref<16x512xf32, #tpu.memory_space<vmem>>, vector<16xf32>,
          %bitcast_convert_type3A = tpu.bitcast %get3A_144 : vector<16xf32> -> vector<16xi32>
          %bitcast_convert_type3A_166 = tpu.bitcast %get3A_151 : vector<16xf32> -> vector<16xi32>
          %bitcast_convert_type3A_167 = tpu.bitcast %get3A_158 : vector<16xf32> -> vector<16xi32>
          %bitcast_convert_type3A_168 = tpu.bitcast %get3A_165 : vector<16xf32> -> vector<16xi32>
          %shift_right_logical3A = arith.constant 17 : i32
          %shift_right_logical3A_169 = vector.broadcast %shift_right_logical3A : i32 to vector<16xi32>
          %shift_right_logical3A_170 = arith.shrui %bitcast_convert_type3A, %shift_right_logical3A_169 : vector<16xi32>
          %and3A = arith.constant 16368 : i32
          %and3A_171 = vector.broadcast %and3A : i32 to vector<16xi32>
          %and3A_172 = arith.andi %shift_right_logical3A_170, %and3A_171 : vector<16xi32>
          %or3A = arith.ori %and3A_172, %iota3A : vector<16xi32>
          %shift_right_logical3A_173 = arith.constant 17 : i32
          %shift_right_logical3A_174 = vector.broadcast %shift_right_logical3A_173 : i32 to vector<16xi32>
          %shift_right_logical3A_175 = arith.shrui %bitcast_convert_type3A_166, %shift_right_logical3A_174 : vector<16xi32>
          %and3A_176 = arith.constant 16368 : i32
          %and3A_177 = vector.broadcast %and3A_176 : i32 to vector<16xi32>
          %and3A_178 = arith.andi %shift_right_logical3A_175, %and3A_177 : vector<16xi32>
          %or3A_179 = arith.ori %and3A_178, %iota3A : vector<16xi32>
          %shift_right_logical3A_180 = arith.constant 17 : i32
          %shift_right_logical3A_181 = vector.broadcast %shift_right_logical3A_180 : i32 to vector<16xi32>
          %shift_right_logical3A_182 = arith.shrui %bitcast_convert_type3A_167, %shift_right_logical3A_181 : vector<16xi32>
          %and3A_183 = arith.constant 16368 : i32
          %and3A_184 = vector.broadcast %and3A_183 : i32 to vector<16xi32>
          %and3A_185 = arith.andi %shift_right_logical3A_182, %and3A_184 : vector<16xi32>
          %or3A_186 = arith.ori %and3A_185, %iota3A : vector<16xi32>
          %shift_right_logical3A_187 = arith.constant 17 : i32
          %shift_right_logical3A_188 = vector.broadcast %shift_right_logical3A_187 : i32 to vector<16xi32>
          %shift_right_logical3A_189 = arith.shrui %bitcast_convert_type3A_168, %shift_right_logical3A_188 : vector<16xi32>
          %and3A_190 = arith.constant 16368 : i32
          %and3A_191 = vector.broadcast %and3A_190 : i32 to vector<16xi32>
          %and3A_192 = arith.andi %shift_right_logical3A_189, %and3A_191 : vector<16xi32>
          %or3A_193 = arith.ori %and3A_192, %iota3A : vector<16xi32>
          tpu.vector_store_idx %arg4[%or3A], %broadcast_in_dim3A_10 {add = true} : memref<32768xf32, #tpu.memory_space<vmem>>[vector<16xi32>], vector<16xf32>,
          tpu.vector_store_idx %arg4[%or3A_179], %broadcast_in_dim3A_10 {add = true} : memref<32768xf32, #tpu.memory_space<vmem>>[vector<16xi32>], vector<16xf32>,
          tpu.vector_store_idx %arg4[%or3A_186], %broadcast_in_dim3A_10 {add = true} : memref<32768xf32, #tpu.memory_space<vmem>>[vector<16xi32>], vector<16xf32>,
          tpu.vector_store_idx %arg4[%or3A_193], %broadcast_in_dim3A_10 {add = true} : memref<32768xf32, #tpu.memory_space<vmem>>[vector<16xi32>], vector<16xf32>,
          %add3A_194 = arith.constant 16384 : i32
          %add3A_195 = vector.broadcast %add3A_194 : i32 to vector<16xi32>
          %add3A_196 = arith.addi %or3A, %add3A_195 : vector<16xi32>
          tpu.vector_store_idx %arg4[%add3A_196], %get3A_144 {add = true} : memref<32768xf32, #tpu.memory_space<vmem>>[vector<16xi32>], vector<16xf32>,
          %add3A_197 = arith.constant 16384 : i32
          %add3A_198 = vector.broadcast %add3A_197 : i32 to vector<16xi32>
          %add3A_199 = arith.addi %or3A_179, %add3A_198 : vector<16xi32>
          tpu.vector_store_idx %arg4[%add3A_199], %get3A_151 {add = true} : memref<32768xf32, #tpu.memory_space<vmem>>[vector<16xi32>], vector<16xf32>,
          %add3A_200 = arith.constant 16384 : i32
          %add3A_201 = vector.broadcast %add3A_200 : i32 to vector<16xi32>
          %add3A_202 = arith.addi %or3A_186, %add3A_201 : vector<16xi32>
          tpu.vector_store_idx %arg4[%add3A_202], %get3A_158 {add = true} : memref<32768xf32, #tpu.memory_space<vmem>>[vector<16xi32>], vector<16xf32>,
          %add3A_203 = arith.constant 16384 : i32
          %add3A_204 = vector.broadcast %add3A_203 : i32 to vector<16xi32>
          %add3A_205 = arith.addi %or3A_193, %add3A_204 : vector<16xi32>
          tpu.vector_store_idx %arg4[%add3A_205], %get3A_165 {add = true} : memref<32768xf32, #tpu.memory_space<vmem>>[vector<16xi32>], vector<16xf32>,
          %scan3A_206 = arith.constant 1 : i32
          %scan3A_207 = arith.addi %scan3A_138, %scan3A_206 : i32
          %mul3A_208 = arith.constant 64 : i32
          %mul3A_209 = arith.muli %scan3A_207, %mul3A_208 : i32
          %add3A_210 = arith.constant 0 : i32
          %add3A_211 = arith.addi %mul3A_209, %add3A_210 : i32
          %get3A_212 = arith.index_cast %scan3A_131 : i32 to index
          %get3A_213 = arith.index_cast %add3A_211 : i32 to index
          %get3A_214 = tpu.vector_load %arg6[%get3A_212, %get3A_213] {strides = array<i32>} : memref<16x512xf32, #tpu.memory_space<vmem>>, vector<16xf32>,
          %mul3A_215 = arith.constant 64 : i32
          %mul3A_216 = arith.muli %scan3A_207, %mul3A_215 : i32
          %add3A_217 = arith.constant 16 : i32
          %add3A_218 = arith.addi %mul3A_216, %add3A_217 : i32
          %get3A_219 = arith.index_cast %scan3A_131 : i32 to index
          %get3A_220 = arith.index_cast %add3A_218 : i32 to index
          %get3A_221 = tpu.vector_load %arg6[%get3A_219, %get3A_220] {strides = array<i32>} : memref<16x512xf32, #tpu.memory_space<vmem>>, vector<16xf32>,
          %mul3A_222 = arith.constant 64 : i32
          %mul3A_223 = arith.muli %scan3A_207, %mul3A_222 : i32
          %add3A_224 = arith.constant 32 : i32
          %add3A_225 = arith.addi %mul3A_223, %add3A_224 : i32
          %get3A_226 = arith.index_cast %scan3A_131 : i32 to index
          %get3A_227 = arith.index_cast %add3A_225 : i32 to index
          %get3A_228 = tpu.vector_load %arg6[%get3A_226, %get3A_227] {strides = array<i32>} : memref<16x512xf32, #tpu.memory_space<vmem>>, vector<16xf32>,
          %mul3A_229 = arith.constant 64 : i32
          %mul3A_230 = arith.muli %scan3A_207, %mul3A_229 : i32
          %add3A_231 = arith.constant 48 : i32
          %add3A_232 = arith.addi %mul3A_230, %add3A_231 : i32
          %get3A_233 = arith.index_cast %scan3A_131 : i32 to index
          %get3A_234 = arith.index_cast %add3A_232 : i32 to index
          %get3A_235 = tpu.vector_load %arg6[%get3A_233, %get3A_234] {strides = array<i32>} : memref<16x512xf32, #tpu.memory_space<vmem>>, vector<16xf32>,
          %bitcast_convert_type3A_236 = tpu.bitcast %get3A_214 : vector<16xf32> -> vector<16xi32>
          %bitcast_convert_type3A_237 = tpu.bitcast %get3A_221 : vector<16xf32> -> vector<16xi32>
          %bitcast_convert_type3A_238 = tpu.bitcast %get3A_228 : vector<16xf32> -> vector<16xi32>
          %bitcast_convert_type3A_239 = tpu.bitcast %get3A_235 : vector<16xf32> -> vector<16xi32>
          %shift_right_logical3A_240 = arith.constant 17 : i32
          %shift_right_logical3A_241 = vector.broadcast %shift_right_logical3A_240 : i32 to vector<16xi32>
          %shift_right_logical3A_242 = arith.shrui %bitcast_convert_type3A_236, %shift_right_logical3A_241 : vector<16xi32>
          %and3A_243 = arith.constant 16368 : i32
          %and3A_244 = vector.broadcast %and3A_243 : i32 to vector<16xi32>
          %and3A_245 = arith.andi %shift_right_logical3A_242, %and3A_244 : vector<16xi32>
          %or3A_246 = arith.ori %and3A_245, %iota3A : vector<16xi32>
          %shift_right_logical3A_247 = arith.constant 17 : i32
          %shift_right_logical3A_248 = vector.broadcast %shift_right_logical3A_247 : i32 to vector<16xi32>
          %shift_right_logical3A_249 = arith.shrui %bitcast_convert_type3A_237, %shift_right_logical3A_248 : vector<16xi32>
          %and3A_250 = arith.constant 16368 : i32
          %and3A_251 = vector.broadcast %and3A_250 : i32 to vector<16xi32>
          %and3A_252 = arith.andi %shift_right_logical3A_249, %and3A_251 : vector<16xi32>
          %or3A_253 = arith.ori %and3A_252, %iota3A : vector<16xi32>
          %shift_right_logical3A_254 = arith.constant 17 : i32
          %shift_right_logical3A_255 = vector.broadcast %shift_right_logical3A_254 : i32 to vector<16xi32>
          %shift_right_logical3A_256 = arith.shrui %bitcast_convert_type3A_238, %shift_right_logical3A_255 : vector<16xi32>
          %and3A_257 = arith.constant 16368 : i32
          %and3A_258 = vector.broadcast %and3A_257 : i32 to vector<16xi32>
          %and3A_259 = arith.andi %shift_right_logical3A_256, %and3A_258 : vector<16xi32>
          %or3A_260 = arith.ori %and3A_259, %iota3A : vector<16xi32>
          %shift_right_logical3A_261 = arith.constant 17 : i32
          %shift_right_logical3A_262 = vector.broadcast %shift_right_logical3A_261 : i32 to vector<16xi32>
          %shift_right_logical3A_263 = arith.shrui %bitcast_convert_type3A_239, %shift_right_logical3A_262 : vector<16xi32>
          %and3A_264 = arith.constant 16368 : i32
          %and3A_265 = vector.broadcast %and3A_264 : i32 to vector<16xi32>
          %and3A_266 = arith.andi %shift_right_logical3A_263, %and3A_265 : vector<16xi32>
          %or3A_267 = arith.ori %and3A_266, %iota3A : vector<16xi32>
          tpu.vector_store_idx %arg4[%or3A_246], %broadcast_in_dim3A_10 {add = true} : memref<32768xf32, #tpu.memory_space<vmem>>[vector<16xi32>], vector<16xf32>,
          tpu.vector_store_idx %arg4[%or3A_253], %broadcast_in_dim3A_10 {add = true} : memref<32768xf32, #tpu.memory_space<vmem>>[vector<16xi32>], vector<16xf32>,
          tpu.vector_store_idx %arg4[%or3A_260], %broadcast_in_dim3A_10 {add = true} : memref<32768xf32, #tpu.memory_space<vmem>>[vector<16xi32>], vector<16xf32>,
          tpu.vector_store_idx %arg4[%or3A_267], %broadcast_in_dim3A_10 {add = true} : memref<32768xf32, #tpu.memory_space<vmem>>[vector<16xi32>], vector<16xf32>,
          %add3A_268 = arith.constant 16384 : i32
          %add3A_269 = vector.broadcast %add3A_268 : i32 to vector<16xi32>
          %add3A_270 = arith.addi %or3A_246, %add3A_269 : vector<16xi32>
          tpu.vector_store_idx %arg4[%add3A_270], %get3A_214 {add = true} : memref<32768xf32, #tpu.memory_space<vmem>>[vector<16xi32>], vector<16xf32>,
          %add3A_271 = arith.constant 16384 : i32
          %add3A_272 = vector.broadcast %add3A_271 : i32 to vector<16xi32>
          %add3A_273 = arith.addi %or3A_253, %add3A_272 : vector<16xi32>
          tpu.vector_store_idx %arg4[%add3A_273], %get3A_221 {add = true} : memref<32768xf32, #tpu.memory_space<vmem>>[vector<16xi32>], vector<16xf32>,
          %add3A_274 = arith.constant 16384 : i32
          %add3A_275 = vector.broadcast %add3A_274 : i32 to vector<16xi32>
          %add3A_276 = arith.addi %or3A_260, %add3A_275 : vector<16xi32>
          tpu.vector_store_idx %arg4[%add3A_276], %get3A_228 {add = true} : memref<32768xf32, #tpu.memory_space<vmem>>[vector<16xi32>], vector<16xf32>,
          %add3A_277 = arith.constant 16384 : i32
          %add3A_278 = vector.broadcast %add3A_277 : i32 to vector<16xi32>
          %add3A_279 = arith.addi %or3A_267, %add3A_278 : vector<16xi32>
          tpu.vector_store_idx %arg4[%add3A_279], %get3A_235 {add = true} : memref<32768xf32, #tpu.memory_space<vmem>>[vector<16xi32>], vector<16xf32>,
        }
        %scan3A_137 = arith.constant 8 : i32
      }
      %scan3A_125 = arith.constant 16 : i32
      %lt3A_126 = arith.constant 7 : i32
      %lt3A_127 = arith.cmpi slt, %scan3A_94, %lt3A_126 : i32
      %convert_element_type3A_128 = arith.extui %lt3A_127 : i1 to i32
      %cond3A_129 = arith.constant 0 : i32
      %cond3A_130 = arith.cmpi ne, %convert_element_type3A_128, %cond3A_129 : i32
      scf.if %cond3A_130 {
        %add3A_131 = arith.constant 3 : i32
        %add3A_132 = arith.addi %mul3A_96, %add3A_131 : i32
        %mul3A_133 = arith.constant 16 : i32
        %mul3A_134 = arith.muli %add3A_132, %mul3A_133 : i32
        %add3A_135 = arith.addi %mul3A_2, %mul3A_134 : i32
        %dma_start3A_136 = arith.constant 0 : i32
        %dma_start3A_137 = tpu.memref_slice %arg2[%add3A_135, %dma_start3A_136] : memref<8192x512xf32, #tpu.memory_space<hbm>> -> memref<16x512xf32, #tpu.memory_space<hbm>>
        %dma_start3A_138 = arith.constant 0 : i32
        %dma_start3A_139 = tpu.memref_slice %arg2[%add3A_135, %dma_start3A_138] : memref<8192x512xf32, #tpu.memory_space<hbm>> -> memref<16x512xf32, #tpu.memory_space<hbm>>
        tpu.enqueue_dma source(%dma_start3A_139 : memref<16x512xf32, #tpu.memory_space<hbm>>) target(%arg6 : memref<16x512xf32, #tpu.memory_space<vmem>>) target_semaphore(%arg8 : memref<!tpu.dma_semaphore, #tpu.memory_space<semaphore_mem>>)
      } else {
      }
    }
    %scan3A_27 = arith.constant 8 : i32
    %scan3A_28 = arith.constant 0 : i32
    %scan3A_29 = arith.constant 0 : i32
    %scan3A_30 = arith.constant 128 : i32
    %scan3A_31 = arith.addi %scan3A_29, %scan3A_30 : i32
    %scan3A_32 = arith.constant 1 : i32
    scf.for %scan3A_94 = %scan3A_29 to %scan3A_31 step %scan3A_32  : i32 {
      %broadcast_in_dim3A_95 = arith.constant 0.000000e+00 : f32
      %broadcast_in_dim3A_96 = vector.broadcast %broadcast_in_dim3A_95 : f32 to vector<16xf32>
      %mul3A_97 = arith.constant 16 : i32
      %mul3A_98 = arith.muli %scan3A_94, %mul3A_97 : i32
      %add3A_99 = arith.constant 0 : i32
      %add3A_100 = arith.addi %mul3A_98, %add3A_99 : i32
      %mul3A_101 = arith.constant 16 : i32
      %mul3A_102 = arith.muli %add3A_100, %mul3A_101 : i32
      %get3A = arith.index_cast %mul3A_102 : i32 to index
      %get3A_103 = tpu.vector_load %arg4[%get3A] {strides = array<i32>} : memref<32768xf32, #tpu.memory_space<vmem>>, vector<16xf32>,
      %eq3A = arith.constant 0 : i32
      %eq3A_104 = vector.broadcast %eq3A : i32 to vector<16xi32>
      %eq3A_105 = arith.cmpi eq, %iota3A, %eq3A_104 : vector<16xi32>
      %reduce_sum3A = arith.constant true
      %reduce_sum3A_106 = vector.broadcast %reduce_sum3A : i1 to vector<16xi1>
      %reduce_sum3A_107 = tpu.scan <sum>, %get3A_103 masked %reduce_sum3A_106 : vector<16xf32>, vector<16xi1> -> vector<16xf32>
      %reduce_sum3A_108 = vector.extract %reduce_sum3A_107[15] : f32 from vector<16xf32>
      %broadcast_in_dim3A_109 = vector.broadcast %reduce_sum3A_108 : f32 to vector<16xf32>
      %select_n3A = arith.select %eq3A_105, %broadcast_in_dim3A_109, %broadcast_in_dim3A_96 : vector<16xi1>, vector<16xf32>
      %mul3A_110 = arith.constant 16 : i32
      %mul3A_111 = arith.muli %scan3A_94, %mul3A_110 : i32
      %add3A_112 = arith.constant 1 : i32
      %add3A_113 = arith.addi %mul3A_111, %add3A_112 : i32
      %mul3A_114 = arith.constant 16 : i32
      %mul3A_115 = arith.muli %add3A_113, %mul3A_114 : i32
      %get3A_116 = arith.index_cast %mul3A_115 : i32 to index
      %get3A_117 = tpu.vector_load %arg4[%get3A_116] {strides = array<i32>} : memref<32768xf32, #tpu.memory_space<vmem>>, vector<16xf32>,
      %eq3A_118 = arith.constant 1 : i32
      %eq3A_119 = vector.broadcast %eq3A_118 : i32 to vector<16xi32>
      %eq3A_120 = arith.cmpi eq, %iota3A, %eq3A_119 : vector<16xi32>
      %reduce_sum3A_121 = arith.constant true
      %reduce_sum3A_122 = vector.broadcast %reduce_sum3A_121 : i1 to vector<16xi1>
      %reduce_sum3A_123 = tpu.scan <sum>, %get3A_117 masked %reduce_sum3A_122 : vector<16xf32>, vector<16xi1> -> vector<16xf32>
      %reduce_sum3A_124 = vector.extract %reduce_sum3A_123[15] : f32 from vector<16xf32>
      %broadcast_in_dim3A_125 = vector.broadcast %reduce_sum3A_124 : f32 to vector<16xf32>
      %select_n3A_126 = arith.select %eq3A_120, %broadcast_in_dim3A_125, %select_n3A : vector<16xi1>, vector<16xf32>
      %mul3A_127 = arith.constant 16 : i32
      %mul3A_128 = arith.muli %scan3A_94, %mul3A_127 : i32
      %add3A_129 = arith.constant 2 : i32
      %add3A_130 = arith.addi %mul3A_128, %add3A_129 : i32
      %mul3A_131 = arith.constant 16 : i32
      %mul3A_132 = arith.muli %add3A_130, %mul3A_131 : i32
      %get3A_133 = arith.index_cast %mul3A_132 : i32 to index
      %get3A_134 = tpu.vector_load %arg4[%get3A_133] {strides = array<i32>} : memref<32768xf32, #tpu.memory_space<vmem>>, vector<16xf32>,
      %eq3A_135 = arith.constant 2 : i32
      %eq3A_136 = vector.broadcast %eq3A_135 : i32 to vector<16xi32>
      %eq3A_137 = arith.cmpi eq, %iota3A, %eq3A_136 : vector<16xi32>
      %reduce_sum3A_138 = arith.constant true
      %reduce_sum3A_139 = vector.broadcast %reduce_sum3A_138 : i1 to vector<16xi1>
      %reduce_sum3A_140 = tpu.scan <sum>, %get3A_134 masked %reduce_sum3A_139 : vector<16xf32>, vector<16xi1> -> vector<16xf32>
      %reduce_sum3A_141 = vector.extract %reduce_sum3A_140[15] : f32 from vector<16xf32>
      %broadcast_in_dim3A_142 = vector.broadcast %reduce_sum3A_141 : f32 to vector<16xf32>
      %select_n3A_143 = arith.select %eq3A_137, %broadcast_in_dim3A_142, %select_n3A_126 : vector<16xi1>, vector<16xf32>
      %mul3A_144 = arith.constant 16 : i32
      %mul3A_145 = arith.muli %scan3A_94, %mul3A_144 : i32
      %add3A_146 = arith.constant 3 : i32
      %add3A_147 = arith.addi %mul3A_145, %add3A_146 : i32
      %mul3A_148 = arith.constant 16 : i32
      %mul3A_149 = arith.muli %add3A_147, %mul3A_148 : i32
      %get3A_150 = arith.index_cast %mul3A_149 : i32 to index
      %get3A_151 = tpu.vector_load %arg4[%get3A_150] {strides = array<i32>} : memref<32768xf32, #tpu.memory_space<vmem>>, vector<16xf32>,
      %eq3A_152 = arith.constant 3 : i32
      %eq3A_153 = vector.broadcast %eq3A_152 : i32 to vector<16xi32>
      %eq3A_154 = arith.cmpi eq, %iota3A, %eq3A_153 : vector<16xi32>
      %reduce_sum3A_155 = arith.constant true
      %reduce_sum3A_156 = vector.broadcast %reduce_sum3A_155 : i1 to vector<16xi1>
      %reduce_sum3A_157 = tpu.scan <sum>, %get3A_151 masked %reduce_sum3A_156 : vector<16xf32>, vector<16xi1> -> vector<16xf32>
      %reduce_sum3A_158 = vector.extract %reduce_sum3A_157[15] : f32 from vector<16xf32>
      %broadcast_in_dim3A_159 = vector.broadcast %reduce_sum3A_158 : f32 to vector<16xf32>
      %select_n3A_160 = arith.select %eq3A_154, %broadcast_in_dim3A_159, %select_n3A_143 : vector<16xi1>, vector<16xf32>
      %mul3A_161 = arith.constant 16 : i32
      %mul3A_162 = arith.muli %scan3A_94, %mul3A_161 : i32
      %add3A_163 = arith.constant 4 : i32
      %add3A_164 = arith.addi %mul3A_162, %add3A_163 : i32
      %mul3A_165 = arith.constant 16 : i32
      %mul3A_166 = arith.muli %add3A_164, %mul3A_165 : i32
      %get3A_167 = arith.index_cast %mul3A_166 : i32 to index
      %get3A_168 = tpu.vector_load %arg4[%get3A_167] {strides = array<i32>} : memref<32768xf32, #tpu.memory_space<vmem>>, vector<16xf32>,
      %eq3A_169 = arith.constant 4 : i32
      %eq3A_170 = vector.broadcast %eq3A_169 : i32 to vector<16xi32>
      %eq3A_171 = arith.cmpi eq, %iota3A, %eq3A_170 : vector<16xi32>
      %reduce_sum3A_172 = arith.constant true
      %reduce_sum3A_173 = vector.broadcast %reduce_sum3A_172 : i1 to vector<16xi1>
      %reduce_sum3A_174 = tpu.scan <sum>, %get3A_168 masked %reduce_sum3A_173 : vector<16xf32>, vector<16xi1> -> vector<16xf32>
      %reduce_sum3A_175 = vector.extract %reduce_sum3A_174[15] : f32 from vector<16xf32>
      %broadcast_in_dim3A_176 = vector.broadcast %reduce_sum3A_175 : f32 to vector<16xf32>
      %select_n3A_177 = arith.select %eq3A_171, %broadcast_in_dim3A_176, %select_n3A_160 : vector<16xi1>, vector<16xf32>
      %mul3A_178 = arith.constant 16 : i32
      %mul3A_179 = arith.muli %scan3A_94, %mul3A_178 : i32
      %add3A_180 = arith.constant 5 : i32
      %add3A_181 = arith.addi %mul3A_179, %add3A_180 : i32
      %mul3A_182 = arith.constant 16 : i32
      %mul3A_183 = arith.muli %add3A_181, %mul3A_182 : i32
      %get3A_184 = arith.index_cast %mul3A_183 : i32 to index
      %get3A_185 = tpu.vector_load %arg4[%get3A_184] {strides = array<i32>} : memref<32768xf32, #tpu.memory_space<vmem>>, vector<16xf32>,
      %eq3A_186 = arith.constant 5 : i32
      %eq3A_187 = vector.broadcast %eq3A_186 : i32 to vector<16xi32>
      %eq3A_188 = arith.cmpi eq, %iota3A, %eq3A_187 : vector<16xi32>
      %reduce_sum3A_189 = arith.constant true
      %reduce_sum3A_190 = vector.broadcast %reduce_sum3A_189 : i1 to vector<16xi1>
      %reduce_sum3A_191 = tpu.scan <sum>, %get3A_185 masked %reduce_sum3A_190 : vector<16xf32>, vector<16xi1> -> vector<16xf32>
      %reduce_sum3A_192 = vector.extract %reduce_sum3A_191[15] : f32 from vector<16xf32>
      %broadcast_in_dim3A_193 = vector.broadcast %reduce_sum3A_192 : f32 to vector<16xf32>
      %select_n3A_194 = arith.select %eq3A_188, %broadcast_in_dim3A_193, %select_n3A_177 : vector<16xi1>, vector<16xf32>
      %mul3A_195 = arith.constant 16 : i32
      %mul3A_196 = arith.muli %scan3A_94, %mul3A_195 : i32
      %add3A_197 = arith.constant 6 : i32
      %add3A_198 = arith.addi %mul3A_196, %add3A_197 : i32
      %mul3A_199 = arith.constant 16 : i32
      %mul3A_200 = arith.muli %add3A_198, %mul3A_199 : i32
      %get3A_201 = arith.index_cast %mul3A_200 : i32 to index
      %get3A_202 = tpu.vector_load %arg4[%get3A_201] {strides = array<i32>} : memref<32768xf32, #tpu.memory_space<vmem>>, vector<16xf32>,
      %eq3A_203 = arith.constant 6 : i32
      %eq3A_204 = vector.broadcast %eq3A_203 : i32 to vector<16xi32>
      %eq3A_205 = arith.cmpi eq, %iota3A, %eq3A_204 : vector<16xi32>
      %reduce_sum3A_206 = arith.constant true
      %reduce_sum3A_207 = vector.broadcast %reduce_sum3A_206 : i1 to vector<16xi1>
      %reduce_sum3A_208 = tpu.scan <sum>, %get3A_202 masked %reduce_sum3A_207 : vector<16xf32>, vector<16xi1> -> vector<16xf32>
      %reduce_sum3A_209 = vector.extract %reduce_sum3A_208[15] : f32 from vector<16xf32>
      %broadcast_in_dim3A_210 = vector.broadcast %reduce_sum3A_209 : f32 to vector<16xf32>
      %select_n3A_211 = arith.select %eq3A_205, %broadcast_in_dim3A_210, %select_n3A_194 : vector<16xi1>, vector<16xf32>
      %mul3A_212 = arith.constant 16 : i32
      %mul3A_213 = arith.muli %scan3A_94, %mul3A_212 : i32
      %add3A_214 = arith.constant 7 : i32
      %add3A_215 = arith.addi %mul3A_213, %add3A_214 : i32
      %mul3A_216 = arith.constant 16 : i32
      %mul3A_217 = arith.muli %add3A_215, %mul3A_216 : i32
      %get3A_218 = arith.index_cast %mul3A_217 : i32 to index
      %get3A_219 = tpu.vector_load %arg4[%get3A_218] {strides = array<i32>} : memref<32768xf32, #tpu.memory_space<vmem>>, vector<16xf32>,
      %eq3A_220 = arith.constant 7 : i32
      %eq3A_221 = vector.broadcast %eq3A_220 : i32 to vector<16xi32>
      %eq3A_222 = arith.cmpi eq, %iota3A, %eq3A_221 : vector<16xi32>
      %reduce_sum3A_223 = arith.constant true
      %reduce_sum3A_224 = vector.broadcast %reduce_sum3A_223 : i1 to vector<16xi1>
      %reduce_sum3A_225 = tpu.scan <sum>, %get3A_219 masked %reduce_sum3A_224 : vector<16xf32>, vector<16xi1> -> vector<16xf32>
      %reduce_sum3A_226 = vector.extract %reduce_sum3A_225[15] : f32 from vector<16xf32>
      %broadcast_in_dim3A_227 = vector.broadcast %reduce_sum3A_226 : f32 to vector<16xf32>
      %select_n3A_228 = arith.select %eq3A_222, %broadcast_in_dim3A_227, %select_n3A_211 : vector<16xi1>, vector<16xf32>
      %mul3A_229 = arith.constant 16 : i32
      %mul3A_230 = arith.muli %scan3A_94, %mul3A_229 : i32
      %add3A_231 = arith.constant 8 : i32
      %add3A_232 = arith.addi %mul3A_230, %add3A_231 : i32
      %mul3A_233 = arith.constant 16 : i32
      %mul3A_234 = arith.muli %add3A_232, %mul3A_233 : i32
      %get3A_235 = arith.index_cast %mul3A_234 : i32 to index
      %get3A_236 = tpu.vector_load %arg4[%get3A_235] {strides = array<i32>} : memref<32768xf32, #tpu.memory_space<vmem>>, vector<16xf32>,
      %eq3A_237 = arith.constant 8 : i32
      %eq3A_238 = vector.broadcast %eq3A_237 : i32 to vector<16xi32>
      %eq3A_239 = arith.cmpi eq, %iota3A, %eq3A_238 : vector<16xi32>
      %reduce_sum3A_240 = arith.constant true
      %reduce_sum3A_241 = vector.broadcast %reduce_sum3A_240 : i1 to vector<16xi1>
      %reduce_sum3A_242 = tpu.scan <sum>, %get3A_236 masked %reduce_sum3A_241 : vector<16xf32>, vector<16xi1> -> vector<16xf32>
      %reduce_sum3A_243 = vector.extract %reduce_sum3A_242[15] : f32 from vector<16xf32>
      %broadcast_in_dim3A_244 = vector.broadcast %reduce_sum3A_243 : f32 to vector<16xf32>
      %select_n3A_245 = arith.select %eq3A_239, %broadcast_in_dim3A_244, %select_n3A_228 : vector<16xi1>, vector<16xf32>
      %mul3A_246 = arith.constant 16 : i32
      %mul3A_247 = arith.muli %scan3A_94, %mul3A_246 : i32
      %add3A_248 = arith.constant 9 : i32
      %add3A_249 = arith.addi %mul3A_247, %add3A_248 : i32
      %mul3A_250 = arith.constant 16 : i32
      %mul3A_251 = arith.muli %add3A_249, %mul3A_250 : i32
      %get3A_252 = arith.index_cast %mul3A_251 : i32 to index
      %get3A_253 = tpu.vector_load %arg4[%get3A_252] {strides = array<i32>} : memref<32768xf32, #tpu.memory_space<vmem>>, vector<16xf32>,
      %eq3A_254 = arith.constant 9 : i32
      %eq3A_255 = vector.broadcast %eq3A_254 : i32 to vector<16xi32>
      %eq3A_256 = arith.cmpi eq, %iota3A, %eq3A_255 : vector<16xi32>
      %reduce_sum3A_257 = arith.constant true
      %reduce_sum3A_258 = vector.broadcast %reduce_sum3A_257 : i1 to vector<16xi1>
      %reduce_sum3A_259 = tpu.scan <sum>, %get3A_253 masked %reduce_sum3A_258 : vector<16xf32>, vector<16xi1> -> vector<16xf32>
      %reduce_sum3A_260 = vector.extract %reduce_sum3A_259[15] : f32 from vector<16xf32>
      %broadcast_in_dim3A_261 = vector.broadcast %reduce_sum3A_260 : f32 to vector<16xf32>
      %select_n3A_262 = arith.select %eq3A_256, %broadcast_in_dim3A_261, %select_n3A_245 : vector<16xi1>, vector<16xf32>
      %mul3A_263 = arith.constant 16 : i32
      %mul3A_264 = arith.muli %scan3A_94, %mul3A_263 : i32
      %add3A_265 = arith.constant 10 : i32
      %add3A_266 = arith.addi %mul3A_264, %add3A_265 : i32
      %mul3A_267 = arith.constant 16 : i32
      %mul3A_268 = arith.muli %add3A_266, %mul3A_267 : i32
      %get3A_269 = arith.index_cast %mul3A_268 : i32 to index
      %get3A_270 = tpu.vector_load %arg4[%get3A_269] {strides = array<i32>} : memref<32768xf32, #tpu.memory_space<vmem>>, vector<16xf32>,
      %eq3A_271 = arith.constant 10 : i32
      %eq3A_272 = vector.broadcast %eq3A_271 : i32 to vector<16xi32>
      %eq3A_273 = arith.cmpi eq, %iota3A, %eq3A_272 : vector<16xi32>
      %reduce_sum3A_274 = arith.constant true
      %reduce_sum3A_275 = vector.broadcast %reduce_sum3A_274 : i1 to vector<16xi1>
      %reduce_sum3A_276 = tpu.scan <sum>, %get3A_270 masked %reduce_sum3A_275 : vector<16xf32>, vector<16xi1> -> vector<16xf32>
      %reduce_sum3A_277 = vector.extract %reduce_sum3A_276[15] : f32 from vector<16xf32>
      %broadcast_in_dim3A_278 = vector.broadcast %reduce_sum3A_277 : f32 to vector<16xf32>
      %select_n3A_279 = arith.select %eq3A_273, %broadcast_in_dim3A_278, %select_n3A_262 : vector<16xi1>, vector<16xf32>
      %mul3A_280 = arith.constant 16 : i32
      %mul3A_281 = arith.muli %scan3A_94, %mul3A_280 : i32
      %add3A_282 = arith.constant 11 : i32
      %add3A_283 = arith.addi %mul3A_281, %add3A_282 : i32
      %mul3A_284 = arith.constant 16 : i32
      %mul3A_285 = arith.muli %add3A_283, %mul3A_284 : i32
      %get3A_286 = arith.index_cast %mul3A_285 : i32 to index
      %get3A_287 = tpu.vector_load %arg4[%get3A_286] {strides = array<i32>} : memref<32768xf32, #tpu.memory_space<vmem>>, vector<16xf32>,
      %eq3A_288 = arith.constant 11 : i32
      %eq3A_289 = vector.broadcast %eq3A_288 : i32 to vector<16xi32>
      %eq3A_290 = arith.cmpi eq, %iota3A, %eq3A_289 : vector<16xi32>
      %reduce_sum3A_291 = arith.constant true
      %reduce_sum3A_292 = vector.broadcast %reduce_sum3A_291 : i1 to vector<16xi1>
      %reduce_sum3A_293 = tpu.scan <sum>, %get3A_287 masked %reduce_sum3A_292 : vector<16xf32>, vector<16xi1> -> vector<16xf32>
      %reduce_sum3A_294 = vector.extract %reduce_sum3A_293[15] : f32 from vector<16xf32>
      %broadcast_in_dim3A_295 = vector.broadcast %reduce_sum3A_294 : f32 to vector<16xf32>
      %select_n3A_296 = arith.select %eq3A_290, %broadcast_in_dim3A_295, %select_n3A_279 : vector<16xi1>, vector<16xf32>
      %mul3A_297 = arith.constant 16 : i32
      %mul3A_298 = arith.muli %scan3A_94, %mul3A_297 : i32
      %add3A_299 = arith.constant 12 : i32
      %add3A_300 = arith.addi %mul3A_298, %add3A_299 : i32
      %mul3A_301 = arith.constant 16 : i32
      %mul3A_302 = arith.muli %add3A_300, %mul3A_301 : i32
      %get3A_303 = arith.index_cast %mul3A_302 : i32 to index
      %get3A_304 = tpu.vector_load %arg4[%get3A_303] {strides = array<i32>} : memref<32768xf32, #tpu.memory_space<vmem>>, vector<16xf32>,
      %eq3A_305 = arith.constant 12 : i32
      %eq3A_306 = vector.broadcast %eq3A_305 : i32 to vector<16xi32>
      %eq3A_307 = arith.cmpi eq, %iota3A, %eq3A_306 : vector<16xi32>
      %reduce_sum3A_308 = arith.constant true
      %reduce_sum3A_309 = vector.broadcast %reduce_sum3A_308 : i1 to vector<16xi1>
      %reduce_sum3A_310 = tpu.scan <sum>, %get3A_304 masked %reduce_sum3A_309 : vector<16xf32>, vector<16xi1> -> vector<16xf32>
      %reduce_sum3A_311 = vector.extract %reduce_sum3A_310[15] : f32 from vector<16xf32>
      %broadcast_in_dim3A_312 = vector.broadcast %reduce_sum3A_311 : f32 to vector<16xf32>
      %select_n3A_313 = arith.select %eq3A_307, %broadcast_in_dim3A_312, %select_n3A_296 : vector<16xi1>, vector<16xf32>
      %mul3A_314 = arith.constant 16 : i32
      %mul3A_315 = arith.muli %scan3A_94, %mul3A_314 : i32
      %add3A_316 = arith.constant 13 : i32
      %add3A_317 = arith.addi %mul3A_315, %add3A_316 : i32
      %mul3A_318 = arith.constant 16 : i32
      %mul3A_319 = arith.muli %add3A_317, %mul3A_318 : i32
      %get3A_320 = arith.index_cast %mul3A_319 : i32 to index
      %get3A_321 = tpu.vector_load %arg4[%get3A_320] {strides = array<i32>} : memref<32768xf32, #tpu.memory_space<vmem>>, vector<16xf32>,
      %eq3A_322 = arith.constant 13 : i32
      %eq3A_323 = vector.broadcast %eq3A_322 : i32 to vector<16xi32>
      %eq3A_324 = arith.cmpi eq, %iota3A, %eq3A_323 : vector<16xi32>
      %reduce_sum3A_325 = arith.constant true
      %reduce_sum3A_326 = vector.broadcast %reduce_sum3A_325 : i1 to vector<16xi1>
      %reduce_sum3A_327 = tpu.scan <sum>, %get3A_321 masked %reduce_sum3A_326 : vector<16xf32>, vector<16xi1> -> vector<16xf32>
      %reduce_sum3A_328 = vector.extract %reduce_sum3A_327[15] : f32 from vector<16xf32>
      %broadcast_in_dim3A_329 = vector.broadcast %reduce_sum3A_328 : f32 to vector<16xf32>
      %select_n3A_330 = arith.select %eq3A_324, %broadcast_in_dim3A_329, %select_n3A_313 : vector<16xi1>, vector<16xf32>
      %mul3A_331 = arith.constant 16 : i32
      %mul3A_332 = arith.muli %scan3A_94, %mul3A_331 : i32
      %add3A_333 = arith.constant 14 : i32
      %add3A_334 = arith.addi %mul3A_332, %add3A_333 : i32
      %mul3A_335 = arith.constant 16 : i32
      %mul3A_336 = arith.muli %add3A_334, %mul3A_335 : i32
      %get3A_337 = arith.index_cast %mul3A_336 : i32 to index
      %get3A_338 = tpu.vector_load %arg4[%get3A_337] {strides = array<i32>} : memref<32768xf32, #tpu.memory_space<vmem>>, vector<16xf32>,
      %eq3A_339 = arith.constant 14 : i32
      %eq3A_340 = vector.broadcast %eq3A_339 : i32 to vector<16xi32>
      %eq3A_341 = arith.cmpi eq, %iota3A, %eq3A_340 : vector<16xi32>
      %reduce_sum3A_342 = arith.constant true
      %reduce_sum3A_343 = vector.broadcast %reduce_sum3A_342 : i1 to vector<16xi1>
      %reduce_sum3A_344 = tpu.scan <sum>, %get3A_338 masked %reduce_sum3A_343 : vector<16xf32>, vector<16xi1> -> vector<16xf32>
      %reduce_sum3A_345 = vector.extract %reduce_sum3A_344[15] : f32 from vector<16xf32>
      %broadcast_in_dim3A_346 = vector.broadcast %reduce_sum3A_345 : f32 to vector<16xf32>
      %select_n3A_347 = arith.select %eq3A_341, %broadcast_in_dim3A_346, %select_n3A_330 : vector<16xi1>, vector<16xf32>
      %mul3A_348 = arith.constant 16 : i32
      %mul3A_349 = arith.muli %scan3A_94, %mul3A_348 : i32
      %add3A_350 = arith.constant 15 : i32
      %add3A_351 = arith.addi %mul3A_349, %add3A_350 : i32
      %mul3A_352 = arith.constant 16 : i32
      %mul3A_353 = arith.muli %add3A_351, %mul3A_352 : i32
      %get3A_354 = arith.index_cast %mul3A_353 : i32 to index
      %get3A_355 = tpu.vector_load %arg4[%get3A_354] {strides = array<i32>} : memref<32768xf32, #tpu.memory_space<vmem>>, vector<16xf32>,
      %eq3A_356 = arith.constant 15 : i32
      %eq3A_357 = vector.broadcast %eq3A_356 : i32 to vector<16xi32>
      %eq3A_358 = arith.cmpi eq, %iota3A, %eq3A_357 : vector<16xi32>
      %reduce_sum3A_359 = arith.constant true
      %reduce_sum3A_360 = vector.broadcast %reduce_sum3A_359 : i1 to vector<16xi1>
      %reduce_sum3A_361 = tpu.scan <sum>, %get3A_355 masked %reduce_sum3A_360 : vector<16xf32>, vector<16xi1> -> vector<16xf32>
      %reduce_sum3A_362 = vector.extract %reduce_sum3A_361[15] : f32 from vector<16xf32>
      %broadcast_in_dim3A_363 = vector.broadcast %reduce_sum3A_362 : f32 to vector<16xf32>
      %select_n3A_364 = arith.select %eq3A_358, %broadcast_in_dim3A_363, %select_n3A_347 : vector<16xi1>, vector<16xf32>
      %mul3A_365 = arith.constant 16 : i32
      %mul3A_366 = arith.muli %scan3A_94, %mul3A_365 : i32
      %swap3A_367 = arith.index_cast %mul3A_366 : i32 to index
      %swap3A_368 = tpu.vector_load %arg9[%swap3A_367] {strides = array<i32>} : memref<2048xf32, #tpu.memory_space<vmem>>, vector<16xf32>,
      tpu.vector_store %arg9[%swap3A_367], %select_n3A_364 {strides = array<i32>} : memref<2048xf32, #tpu.memory_space<vmem>>, vector<16xf32>,
    }
    %scan3A_33 = arith.constant 128 : i32
    %mul3A_34 = arith.constant 2 : i32
    %mul3A_35 = arith.muli %arg1, %mul3A_34 : i32
    %mul3A_36 = arith.constant 1024 : i32
    %mul3A_37 = arith.muli %mul3A_35, %mul3A_36 : i32
    "tpu.region"() ({
      %run_scoped3A = tpu.sem_alloc : memref<!tpu.dma_semaphore, #tpu.memory_space<semaphore_mem>>
      %dma_start3A_94 = tpu.memref_slice %arg12[%mul3A_37] : memref<32768xf32, #tpu.memory_space<vmem_shared>> -> memref<2048xf32, #tpu.memory_space<vmem_shared>>
      %dma_start3A_95 = tpu.memref_slice %arg12[%mul3A_37] : memref<32768xf32, #tpu.memory_space<vmem_shared>> -> memref<2048xf32, #tpu.memory_space<vmem_shared>>
      tpu.enqueue_dma source(%arg9 : memref<2048xf32, #tpu.memory_space<vmem>>) target(%dma_start3A_95 : memref<2048xf32, #tpu.memory_space<vmem_shared>>) target_semaphore(%run_scoped3A : memref<!tpu.dma_semaphore, #tpu.memory_space<semaphore_mem>>)
      %dma_wait3A = tpu.memref_slice %arg12[%mul3A_37] : memref<32768xf32, #tpu.memory_space<vmem_shared>> -> memref<2048xf32, #tpu.memory_space<vmem_shared>>
      %dma_wait3A_96 = tpu.memref_slice %arg12[%mul3A_37] : memref<32768xf32, #tpu.memory_space<vmem_shared>> -> memref<2048xf32, #tpu.memory_space<vmem_shared>>
      tpu.wait_dma2 semaphore(%run_scoped3A : memref<!tpu.dma_semaphore, #tpu.memory_space<semaphore_mem>>) src(%arg9 : memref<2048xf32, #tpu.memory_space<vmem>>) dst(%dma_wait3A_96 : memref<2048xf32, #tpu.memory_space<vmem_shared>>)
      tpu.yield
    }) : () -> ()
    %barrier3A = arith.constant 0 : index
    tpu.barrier barrier_id(%barrier3A)
    %broadcast_in_dim3A_38 = arith.constant 0.000000e+00 : f32
    %broadcast_in_dim3A_39 = vector.broadcast %broadcast_in_dim3A_38 : f32 to vector<16xf32>
    %scan3A_40 = arith.constant 0 : i32
    %scan3A_41 = arith.constant 0 : i32
    %mul3A_42 = arith.constant 16 : i32
    %mul3A_43 = arith.muli %scan3A_41, %mul3A_42 : i32
    %swap3A = arith.index_cast %mul3A_43 : i32 to index
    %swap3A_44 = tpu.vector_load %arg11[%swap3A] {strides = array<i32>} : memref<128xf32, #tpu.memory_space<vmem>>, vector<16xf32>,
    tpu.vector_store %arg11[%swap3A], %broadcast_in_dim3A_39 {strides = array<i32>} : memref<128xf32, #tpu.memory_space<vmem>>, vector<16xf32>,
    %scan3A_45 = arith.constant 1 : i32
    %mul3A_46 = arith.constant 16 : i32
    %mul3A_47 = arith.muli %scan3A_45, %mul3A_46 : i32
    %swap3A_48 = arith.index_cast %mul3A_47 : i32 to index
    %swap3A_49 = tpu.vector_load %arg11[%swap3A_48] {strides = array<i32>} : memref<128xf32, #tpu.memory_space<vmem>>, vector<16xf32>,
    tpu.vector_store %arg11[%swap3A_48], %broadcast_in_dim3A_39 {strides = array<i32>} : memref<128xf32, #tpu.memory_space<vmem>>, vector<16xf32>,
    %scan3A_50 = arith.constant 2 : i32
    %mul3A_51 = arith.constant 16 : i32
    %mul3A_52 = arith.muli %scan3A_50, %mul3A_51 : i32
    %swap3A_53 = arith.index_cast %mul3A_52 : i32 to index
    %swap3A_54 = tpu.vector_load %arg11[%swap3A_53] {strides = array<i32>} : memref<128xf32, #tpu.memory_space<vmem>>, vector<16xf32>,
    tpu.vector_store %arg11[%swap3A_53], %broadcast_in_dim3A_39 {strides = array<i32>} : memref<128xf32, #tpu.memory_space<vmem>>, vector<16xf32>,
    %scan3A_55 = arith.constant 3 : i32
    %mul3A_56 = arith.constant 16 : i32
    %mul3A_57 = arith.muli %scan3A_55, %mul3A_56 : i32
    %swap3A_58 = arith.index_cast %mul3A_57 : i32 to index
    %swap3A_59 = tpu.vector_load %arg11[%swap3A_58] {strides = array<i32>} : memref<128xf32, #tpu.memory_space<vmem>>, vector<16xf32>,
    tpu.vector_store %arg11[%swap3A_58], %broadcast_in_dim3A_39 {strides = array<i32>} : memref<128xf32, #tpu.memory_space<vmem>>, vector<16xf32>,
    %scan3A_60 = arith.constant 4 : i32
    %mul3A_61 = arith.constant 16 : i32
    %mul3A_62 = arith.muli %scan3A_60, %mul3A_61 : i32
    %swap3A_63 = arith.index_cast %mul3A_62 : i32 to index
    %swap3A_64 = tpu.vector_load %arg11[%swap3A_63] {strides = array<i32>} : memref<128xf32, #tpu.memory_space<vmem>>, vector<16xf32>,
    tpu.vector_store %arg11[%swap3A_63], %broadcast_in_dim3A_39 {strides = array<i32>} : memref<128xf32, #tpu.memory_space<vmem>>, vector<16xf32>,
    %scan3A_65 = arith.constant 5 : i32
    %mul3A_66 = arith.constant 16 : i32
    %mul3A_67 = arith.muli %scan3A_65, %mul3A_66 : i32
    %swap3A_68 = arith.index_cast %mul3A_67 : i32 to index
    %swap3A_69 = tpu.vector_load %arg11[%swap3A_68] {strides = array<i32>} : memref<128xf32, #tpu.memory_space<vmem>>, vector<16xf32>,
    tpu.vector_store %arg11[%swap3A_68], %broadcast_in_dim3A_39 {strides = array<i32>} : memref<128xf32, #tpu.memory_space<vmem>>, vector<16xf32>,
    %scan3A_70 = arith.constant 6 : i32
    %mul3A_71 = arith.constant 16 : i32
    %mul3A_72 = arith.muli %scan3A_70, %mul3A_71 : i32
    %swap3A_73 = arith.index_cast %mul3A_72 : i32 to index
    %swap3A_74 = tpu.vector_load %arg11[%swap3A_73] {strides = array<i32>} : memref<128xf32, #tpu.memory_space<vmem>>, vector<16xf32>,
    tpu.vector_store %arg11[%swap3A_73], %broadcast_in_dim3A_39 {strides = array<i32>} : memref<128xf32, #tpu.memory_space<vmem>>, vector<16xf32>,
    %scan3A_75 = arith.constant 7 : i32
    %mul3A_76 = arith.constant 16 : i32
    %mul3A_77 = arith.muli %scan3A_75, %mul3A_76 : i32
    %swap3A_78 = arith.index_cast %mul3A_77 : i32 to index
    %swap3A_79 = tpu.vector_load %arg11[%swap3A_78] {strides = array<i32>} : memref<128xf32, #tpu.memory_space<vmem>>, vector<16xf32>,
    tpu.vector_store %arg11[%swap3A_78], %broadcast_in_dim3A_39 {strides = array<i32>} : memref<128xf32, #tpu.memory_space<vmem>>, vector<16xf32>,
    %scan3A_80 = arith.constant 8 : i32
    %scan3A_81 = arith.constant 0 : i32
    %scan3A_82 = arith.constant 0 : i32
    %scan3A_83 = arith.constant 16 : i32
    %scan3A_84 = arith.addi %scan3A_82, %scan3A_83 : i32
    %scan3A_85 = arith.constant 1 : i32
    scf.for %scan3A_94 = %scan3A_82 to %scan3A_84 step %scan3A_85  : i32 {
      %mul3A_95 = arith.constant 2 : i32
      %mul3A_96 = arith.muli %scan3A_94, %mul3A_95 : i32
      %mul3A_97 = arith.constant 1024 : i32
      %mul3A_98 = arith.muli %mul3A_96, %mul3A_97 : i32
      %mul3A_99 = arith.constant 128 : i32
      %mul3A_100 = arith.muli %arg1, %mul3A_99 : i32
      %add3A_101 = arith.addi %mul3A_98, %mul3A_100 : i32
      "tpu.region"() ({
        %run_scoped3A = tpu.sem_alloc : memref<!tpu.dma_semaphore, #tpu.memory_space<semaphore_mem>>
        %dma_start3A_108 = tpu.memref_slice %arg12[%add3A_101] : memref<32768xf32, #tpu.memory_space<vmem_shared>> -> memref<128xf32, #tpu.memory_space<vmem_shared>>
        %dma_start3A_109 = tpu.memref_slice %arg12[%add3A_101] : memref<32768xf32, #tpu.memory_space<vmem_shared>> -> memref<128xf32, #tpu.memory_space<vmem_shared>>
        tpu.enqueue_dma source(%dma_start3A_109 : memref<128xf32, #tpu.memory_space<vmem_shared>>) target(%arg10 : memref<128xf32, #tpu.memory_space<vmem>>) target_semaphore(%run_scoped3A : memref<!tpu.dma_semaphore, #tpu.memory_space<semaphore_mem>>)
        %dma_wait3A = tpu.memref_slice %arg12[%add3A_101] : memref<32768xf32, #tpu.memory_space<vmem_shared>> -> memref<128xf32, #tpu.memory_space<vmem_shared>>
        %dma_wait3A_110 = tpu.memref_slice %arg12[%add3A_101] : memref<32768xf32, #tpu.memory_space<vmem_shared>> -> memref<128xf32, #tpu.memory_space<vmem_shared>>
        tpu.wait_dma2 semaphore(%run_scoped3A : memref<!tpu.dma_semaphore, #tpu.memory_space<semaphore_mem>>) src(%dma_wait3A_110 : memref<128xf32, #tpu.memory_space<vmem_shared>>) dst(%arg10 : memref<128xf32, #tpu.memory_space<vmem>>)
        tpu.yield
      }) : () -> ()
      %scan3A_102 = arith.constant 0 : i32
      %scan3A_103 = arith.constant 0 : i32
      %scan3A_104 = arith.constant 8 : i32
      %scan3A_105 = arith.addi %scan3A_103, %scan3A_104 : i32
      %scan3A_106 = arith.constant 1 : i32
      scf.for %scan3A_108 = %scan3A_103 to %scan3A_105 step %scan3A_106  : i32 {
        %mul3A_109 = arith.constant 16 : i32
        %mul3A_110 = arith.muli %scan3A_108, %mul3A_109 : i32
        %get3A = arith.index_cast %mul3A_110 : i32 to index
        %get3A_111 = tpu.vector_load %arg11[%get3A] {strides = array<i32>} : memref<128xf32, #tpu.memory_space<vmem>>, vector<16xf32>,
        %get3A_112 = arith.index_cast %mul3A_110 : i32 to index
        %get3A_113 = tpu.vector_load %arg10[%get3A_112] {strides = array<i32>} : memref<128xf32, #tpu.memory_space<vmem>>, vector<16xf32>,
        %add3A_114 = arith.addf %get3A_111, %get3A_113 : vector<16xf32>
        %swap3A_115 = arith.index_cast %mul3A_110 : i32 to index
        %swap3A_116 = tpu.vector_load %arg11[%swap3A_115] {strides = array<i32>} : memref<128xf32, #tpu.memory_space<vmem>>, vector<16xf32>,
        tpu.vector_store %arg11[%swap3A_115], %add3A_114 {strides = array<i32>} : memref<128xf32, #tpu.memory_space<vmem>>, vector<16xf32>,
      }
      %scan3A_107 = arith.constant 8 : i32
    }
    %scan3A_86 = arith.constant 16 : i32
    %mul3A_87 = arith.constant 2 : i32
    %mul3A_88 = arith.muli %arg0, %mul3A_87 : i32
    %mul3A_89 = arith.constant 1024 : i32
    %mul3A_90 = arith.muli %mul3A_88, %mul3A_89 : i32
    %mul3A_91 = arith.constant 128 : i32
    %mul3A_92 = arith.muli %arg1, %mul3A_91 : i32
    %add3A_93 = arith.addi %mul3A_90, %mul3A_92 : i32
    "tpu.region"() ({
      %run_scoped3A = tpu.sem_alloc : memref<!tpu.dma_semaphore, #tpu.memory_space<semaphore_mem>>
      %dma_start3A_94 = tpu.memref_slice %arg3[%add3A_93] : memref<4096xf32, #tpu.memory_space<hbm>> -> memref<128xf32, #tpu.memory_space<hbm>>
      %dma_start3A_95 = tpu.memref_slice %arg3[%add3A_93] : memref<4096xf32, #tpu.memory_space<hbm>> -> memref<128xf32, #tpu.memory_space<hbm>>
      tpu.enqueue_dma source(%arg11 : memref<128xf32, #tpu.memory_space<vmem>>) target(%dma_start3A_95 : memref<128xf32, #tpu.memory_space<hbm>>) target_semaphore(%run_scoped3A : memref<!tpu.dma_semaphore, #tpu.memory_space<semaphore_mem>>)
      %dma_wait3A = tpu.memref_slice %arg3[%add3A_93] : memref<4096xf32, #tpu.memory_space<hbm>> -> memref<128xf32, #tpu.memory_space<hbm>>
      %dma_wait3A_96 = tpu.memref_slice %arg3[%add3A_93] : memref<4096xf32, #tpu.memory_space<hbm>> -> memref<128xf32, #tpu.memory_space<hbm>>
      tpu.wait_dma2 semaphore(%run_scoped3A : memref<!tpu.dma_semaphore, #tpu.memory_space<semaphore_mem>>) src(%arg11 : memref<128xf32, #tpu.memory_space<vmem>>) dst(%dma_wait3A_96 : memref<128xf32, #tpu.memory_space<hbm>>)
      tpu.yield
    }) : () -> ()
    return
  }
}

module attributes {stable_mosaic.version = 14 : i64} {
  func.func @_bce_body(%arg0: i32, %arg1: memref<1x1x512x512xf32, #tpu.memory_space<vmem>>, %arg2: memref<1x1x512x512xf32, #tpu.memory_space<vmem>>, %arg3: memref<1x1x512x512xf32, #tpu.memory_space<vmem>>, %arg4: memref<1x1x512x512xf32, #tpu.memory_space<vmem>>, %arg5: memref<1x4x128xf32, #tpu.memory_space<vmem>>) attributes {dimension_semantics = [#tpu.dimension_semantics<arbitrary>], iteration_bounds = array<i64: 16>, scalar_prefetch = 0 : i64, scratch_operands = 0 : i64, tpu.core_type = #tpu.core_type<tc>, window_params = [{transform_indices = @transform_0, window_bounds = array<i64: 1, 1, 512, 512>}, {transform_indices = @transform_1, window_bounds = array<i64: 1, 1, 512, 512>}, {transform_indices = @transform_2, window_bounds = array<i64: 1, 1, 512, 512>}, {transform_indices = @transform_3, window_bounds = array<i64: 1, 1, 512, 512>}, {transform_indices = @transform_4, window_bounds = array<i64: 1, 4, 128>}]} {
    %get3A = arith.constant 0 : index
    %get3A_0 = arith.constant 0 : index
    %get3A_1 = arith.constant 0 : index
    %get3A_2 = arith.constant 0 : index
    %get3A_3 = vector.load %arg1[%get3A, %get3A_0, %get3A_1, %get3A_2] : memref<1x1x512x512xf32, #tpu.memory_space<vmem>>, vector<1x1x512x512xf32>
    %get3A_4 = arith.constant 0 : index
    %get3A_5 = arith.constant 0 : index
    %get3A_6 = arith.constant 0 : index
    %get3A_7 = arith.constant 0 : index
    %get3A_8 = vector.load %arg2[%get3A_4, %get3A_5, %get3A_6, %get3A_7] : memref<1x1x512x512xf32, #tpu.memory_space<vmem>>, vector<1x1x512x512xf32>
    %get3A_9 = arith.constant 0 : index
    %get3A_10 = arith.constant 0 : index
    %get3A_11 = arith.constant 0 : index
    %get3A_12 = arith.constant 0 : index
    %get3A_13 = vector.load %arg3[%get3A_9, %get3A_10, %get3A_11, %get3A_12] : memref<1x1x512x512xf32, #tpu.memory_space<vmem>>, vector<1x1x512x512xf32>
    %max3A = arith.constant 0.000000e+00 : f32
    %max3A_14 = vector.broadcast %max3A : f32 to vector<1x1x512x512xf32>
    %max3A_15 = arith.maximumf %get3A_3, %max3A_14 : vector<1x1x512x512xf32>
    %mul3A = arith.mulf %get3A_3, %get3A_8 : vector<1x1x512x512xf32>
    %sub3A = arith.subf %max3A_15, %mul3A : vector<1x1x512x512xf32>
    %abs3A = math.absf %get3A_3 : vector<1x1x512x512xf32>
    %neg3A = arith.constant 0.000000e+00 : f32
    %neg3A_16 = vector.broadcast %neg3A : f32 to vector<1x1x512x512xf32>
    %neg3A_17 = arith.subf %neg3A_16, %abs3A : vector<1x1x512x512xf32>
    %exp3A = math.exp %neg3A_17 : vector<1x1x512x512xf32>
    %log1p3A = math.log1p %exp3A : vector<1x1x512x512xf32>
    %add3A = arith.addf %sub3A, %log1p3A : vector<1x1x512x512xf32>
    %mul3A_18 = arith.mulf %get3A_8, %get3A_13 : vector<1x1x512x512xf32>
    %sub3A_19 = arith.constant 1.000000e+00 : f32
    %sub3A_20 = vector.broadcast %sub3A_19 : f32 to vector<1x1x512x512xf32>
    %sub3A_21 = arith.subf %sub3A_20, %get3A_8 : vector<1x1x512x512xf32>
    %mul3A_22 = arith.mulf %sub3A_21, %get3A_13 : vector<1x1x512x512xf32>
    %mul3A_23 = arith.mulf %add3A, %mul3A_22 : vector<1x1x512x512xf32>
    %swap3A = arith.constant 0 : index
    %swap3A_24 = arith.constant 0 : index
    %swap3A_25 = arith.constant 0 : index
    %swap3A_26 = arith.constant 0 : index
    %swap3A_27 = vector.load %arg4[%swap3A, %swap3A_24, %swap3A_25, %swap3A_26] : memref<1x1x512x512xf32, #tpu.memory_space<vmem>>, vector<1x1x512x512xf32>
    tpu.vector_store %arg4[%swap3A, %swap3A_24, %swap3A_25, %swap3A_26], %mul3A_23 {strides = array<i32>} : memref<1x1x512x512xf32, #tpu.memory_space<vmem>>, vector<1x1x512x512xf32>,
    %reduce_sum3A = vector.shape_cast %mul3A_18 : vector<1x1x512x512xf32> to vector<1x1x1x512x512xf32>
    %reduce_sum3A_28 = arith.constant dense<0.000000e+00> : vector<1xf32>
    %reduce_sum3A_29 = vector.multi_reduction <add>, %reduce_sum3A, %reduce_sum3A_28 [1, 2, 3, 4] : vector<1x1x1x512x512xf32> to vector<1xf32>
    %reduce_sum3A_30 = vector.shape_cast %reduce_sum3A_29 : vector<1xf32> to vector<1x1x1x1x1xf32>
    %reduce_sum3A_31 = vector.extract %reduce_sum3A_30[0, 0, 0, 0, 0] : f32 from vector<1x1x1x1x1xf32>
    %reduce_sum3A_32 = vector.shape_cast %mul3A_22 : vector<1x1x512x512xf32> to vector<1x1x1x512x512xf32>
    %reduce_sum3A_33 = arith.constant dense<0.000000e+00> : vector<1xf32>
    %reduce_sum3A_34 = vector.multi_reduction <add>, %reduce_sum3A_32, %reduce_sum3A_33 [1, 2, 3, 4] : vector<1x1x1x512x512xf32> to vector<1xf32>
    %reduce_sum3A_35 = vector.shape_cast %reduce_sum3A_34 : vector<1xf32> to vector<1x1x1x1x1xf32>
    %reduce_sum3A_36 = vector.extract %reduce_sum3A_35[0, 0, 0, 0, 0] : f32 from vector<1x1x1x1x1xf32>
    %mul3A_37 = arith.mulf %add3A, %mul3A_18 : vector<1x1x512x512xf32>
    %reduce_sum3A_38 = vector.shape_cast %mul3A_37 : vector<1x1x512x512xf32> to vector<1x1x1x512x512xf32>
    %reduce_sum3A_39 = arith.constant dense<0.000000e+00> : vector<1xf32>
    %reduce_sum3A_40 = vector.multi_reduction <add>, %reduce_sum3A_38, %reduce_sum3A_39 [1, 2, 3, 4] : vector<1x1x1x512x512xf32> to vector<1xf32>
    %reduce_sum3A_41 = vector.shape_cast %reduce_sum3A_40 : vector<1xf32> to vector<1x1x1x1x1xf32>
    %reduce_sum3A_42 = vector.extract %reduce_sum3A_41[0, 0, 0, 0, 0] : f32 from vector<1x1x1x1x1xf32>
    %reduce_sum3A_43 = vector.shape_cast %mul3A_23 : vector<1x1x512x512xf32> to vector<1x1x1x512x512xf32>
    %reduce_sum3A_44 = arith.constant dense<0.000000e+00> : vector<1xf32>
    %reduce_sum3A_45 = vector.multi_reduction <add>, %reduce_sum3A_43, %reduce_sum3A_44 [1, 2, 3, 4] : vector<1x1x1x512x512xf32> to vector<1xf32>
    %reduce_sum3A_46 = vector.shape_cast %reduce_sum3A_45 : vector<1xf32> to vector<1x1x1x1x1xf32>
    %reduce_sum3A_47 = vector.extract %reduce_sum3A_46[0, 0, 0, 0, 0] : f32 from vector<1x1x1x1x1xf32>
    %stack3A = vector.broadcast %reduce_sum3A_31 : f32 to vector<1xf32>
    %stack3A_48 = vector.broadcast %reduce_sum3A_36 : f32 to vector<1xf32>
    %stack3A_49 = vector.broadcast %reduce_sum3A_42 : f32 to vector<1xf32>
    %stack3A_50 = vector.broadcast %reduce_sum3A_47 : f32 to vector<1xf32>
    %stack3A_51 = tpu.concatenate %stack3A, %stack3A_48, %stack3A_49, %stack3A_50 in 0 : vector<1xf32>, vector<1xf32>, vector<1xf32>, vector<1xf32> -> vector<4xf32>
    %reshape3A = vector.shape_cast %stack3A_51 : vector<4xf32> to vector<4x1xf32>
    %iota3A = tpu.iota {dimensions = array<i32: 1>} : vector<4x128xi32>
    %eq3A = arith.constant 0 : i32
    %eq3A_52 = vector.broadcast %eq3A : i32 to vector<4x128xi32>
    %eq3A_53 = arith.cmpi eq, %iota3A, %eq3A_52 : vector<4x128xi32>
    %jit3A = arith.constant 0.000000e+00 : f32
    %broadcast_in_dim3A = vector.shape_cast %reshape3A : vector<4x1xf32> to vector<4x1xf32>
    %broadcast_in_dim3A_54 = vector.broadcast %broadcast_in_dim3A : vector<4x1xf32> to vector<4x128xf32>
    %broadcast_in_dim3A_55 = vector.broadcast %jit3A : f32 to vector<4x128xf32>
    %select_n3A = arith.select %eq3A_53, %broadcast_in_dim3A_54, %broadcast_in_dim3A_55 : vector<4x128xi1>, vector<4x128xf32>
    %reshape3A_56 = vector.shape_cast %select_n3A : vector<4x128xf32> to vector<1x4x128xf32>
    %swap3A_57 = arith.constant 0 : index
    %swap3A_58 = arith.constant 0 : index
    %swap3A_59 = arith.constant 0 : index
    %swap3A_60 = vector.load %arg5[%swap3A_57, %swap3A_58, %swap3A_59] : memref<1x4x128xf32, #tpu.memory_space<vmem>>, vector<1x4x128xf32>
    tpu.vector_store %arg5[%swap3A_57, %swap3A_58, %swap3A_59], %reshape3A_56 {strides = array<i32>} : memref<1x4x128xf32, #tpu.memory_space<vmem>>, vector<1x4x128xf32>,
    return
  }
  func.func @transform_0(%arg0: i32) -> (i32, i32, i32, i32) {
    %c0_i32 = arith.constant 0 : i32
    %c0_i32_0 = arith.constant 0 : i32
    %c0_i32_1 = arith.constant 0 : i32
    %c0_i32_2 = arith.constant 0 : i32
    return %arg0, %c0_i32, %c0_i32_0, %c0_i32_1 : i32, i32, i32, i32
  }
  func.func @transform_1(%arg0: i32) -> (i32, i32, i32, i32) {
    %c0_i32 = arith.constant 0 : i32
    %c0_i32_0 = arith.constant 0 : i32
    %c0_i32_1 = arith.constant 0 : i32
    %c0_i32_2 = arith.constant 0 : i32
    return %arg0, %c0_i32, %c0_i32_0, %c0_i32_1 : i32, i32, i32, i32
  }
  func.func @transform_2(%arg0: i32) -> (i32, i32, i32, i32) {
    %c0_i32 = arith.constant 0 : i32
    %c0_i32_0 = arith.constant 0 : i32
    %c0_i32_1 = arith.constant 0 : i32
    %c0_i32_2 = arith.constant 0 : i32
    return %arg0, %c0_i32, %c0_i32_0, %c0_i32_1 : i32, i32, i32, i32
  }
  func.func @transform_3(%arg0: i32) -> (i32, i32, i32, i32) {
    %c0_i32 = arith.constant 0 : i32
    %c0_i32_0 = arith.constant 0 : i32
    %c0_i32_1 = arith.constant 0 : i32
    %c0_i32_2 = arith.constant 0 : i32
    return %arg0, %c0_i32, %c0_i32_0, %c0_i32_1 : i32, i32, i32, i32
  }
  func.func @transform_4(%arg0: i32) -> (i32, i32, i32) {
    %c0_i32 = arith.constant 0 : i32
    %c0_i32_0 = arith.constant 0 : i32
    %c0_i32_1 = arith.constant 0 : i32
    return %arg0, %c0_i32, %c0_i32_0 : i32, i32, i32
  }
}

module attributes {stable_mosaic.version = 14 : i64} {
  func.func @_l1dice_body(%arg0: i32, %arg1: memref<1x1x512x512xf32, #tpu.memory_space<vmem>>, %arg2: memref<1x1x512x512xf32, #tpu.memory_space<vmem>>, %arg3: memref<1x1x512x512xf32, #tpu.memory_space<vmem>>, %arg4: memref<1x1x512x512xf32, #tpu.memory_space<vmem>>, %arg5: memref<1x1x512x512xf32, #tpu.memory_space<vmem>>, %arg6: memref<1x1x512x512xf32, #tpu.memory_space<vmem>>, %arg7: memref<1x4x128xf32, #tpu.memory_space<vmem>>) attributes {dimension_semantics = [#tpu.dimension_semantics<arbitrary>], iteration_bounds = array<i64: 16>, scalar_prefetch = 0 : i64, scratch_operands = 0 : i64, tpu.core_type = #tpu.core_type<tc>, window_params = [{transform_indices = @transform_0, window_bounds = array<i64: 1, 1, 512, 512>}, {transform_indices = @transform_1, window_bounds = array<i64: 1, 1, 512, 512>}, {transform_indices = @transform_2, window_bounds = array<i64: 1, 1, 512, 512>}, {transform_indices = @transform_3, window_bounds = array<i64: 1, 1, 512, 512>}, {transform_indices = @transform_4, window_bounds = array<i64: 1, 1, 512, 512>}, {transform_indices = @transform_5, window_bounds = array<i64: 1, 1, 512, 512>}, {transform_indices = @transform_6, window_bounds = array<i64: 1, 4, 128>}]} {
    %get3A = arith.constant 0 : index
    %get3A_0 = arith.constant 0 : index
    %get3A_1 = arith.constant 0 : index
    %get3A_2 = arith.constant 0 : index
    %get3A_3 = vector.load %arg1[%get3A, %get3A_0, %get3A_1, %get3A_2] : memref<1x1x512x512xf32, #tpu.memory_space<vmem>>, vector<1x1x512x512xf32>
    %get3A_4 = arith.constant 0 : index
    %get3A_5 = arith.constant 0 : index
    %get3A_6 = arith.constant 0 : index
    %get3A_7 = arith.constant 0 : index
    %get3A_8 = vector.load %arg5[%get3A_4, %get3A_5, %get3A_6, %get3A_7] : memref<1x1x512x512xf32, #tpu.memory_space<vmem>>, vector<1x1x512x512xf32>
    %get3A_9 = arith.constant 0 : index
    %get3A_10 = arith.constant 0 : index
    %get3A_11 = arith.constant 0 : index
    %get3A_12 = arith.constant 0 : index
    %get3A_13 = vector.load %arg6[%get3A_9, %get3A_10, %get3A_11, %get3A_12] : memref<1x1x512x512xf32, #tpu.memory_space<vmem>>, vector<1x1x512x512xf32>
    %get3A_14 = arith.constant 0 : index
    %get3A_15 = arith.constant 0 : index
    %get3A_16 = arith.constant 0 : index
    %get3A_17 = arith.constant 0 : index
    %get3A_18 = vector.load %arg2[%get3A_14, %get3A_15, %get3A_16, %get3A_17] : memref<1x1x512x512xf32, #tpu.memory_space<vmem>>, vector<1x1x512x512xf32>
    %get3A_19 = arith.constant 0 : index
    %get3A_20 = arith.constant 0 : index
    %get3A_21 = arith.constant 0 : index
    %get3A_22 = arith.constant 0 : index
    %get3A_23 = vector.load %arg3[%get3A_19, %get3A_20, %get3A_21, %get3A_22] : memref<1x1x512x512xf32, #tpu.memory_space<vmem>>, vector<1x1x512x512xf32>
    %get3A_24 = arith.constant 0 : index
    %get3A_25 = arith.constant 0 : index
    %get3A_26 = arith.constant 0 : index
    %get3A_27 = arith.constant 0 : index
    %get3A_28 = vector.load %arg4[%get3A_24, %get3A_25, %get3A_26, %get3A_27] : memref<1x1x512x512xf32, #tpu.memory_space<vmem>>, vector<1x1x512x512xf32>
    %sub3A = arith.subf %get3A_3, %get3A_8 : vector<1x1x512x512xf32>
    %abs3A = math.absf %sub3A : vector<1x1x512x512xf32>
    %mul3A = arith.mulf %abs3A, %get3A_13 : vector<1x1x512x512xf32>
    %reduce_sum3A = vector.shape_cast %mul3A : vector<1x1x512x512xf32> to vector<1x1x1x512x512xf32>
    %reduce_sum3A_29 = arith.constant dense<0.000000e+00> : vector<1xf32>
    %reduce_sum3A_30 = vector.multi_reduction <add>, %reduce_sum3A, %reduce_sum3A_29 [1, 2, 3, 4] : vector<1x1x1x512x512xf32> to vector<1xf32>
    %reduce_sum3A_31 = vector.shape_cast %reduce_sum3A_30 : vector<1xf32> to vector<1x1x1x1x1xf32>
    %reduce_sum3A_32 = vector.extract %reduce_sum3A_31[0, 0, 0, 0, 0] : f32 from vector<1x1x1x1x1xf32>
    %reduce_sum3A_33 = vector.shape_cast %get3A_13 : vector<1x1x512x512xf32> to vector<1x1x1x512x512xf32>
    %reduce_sum3A_34 = arith.constant dense<0.000000e+00> : vector<1xf32>
    %reduce_sum3A_35 = vector.multi_reduction <add>, %reduce_sum3A_33, %reduce_sum3A_34 [1, 2, 3, 4] : vector<1x1x1x512x512xf32> to vector<1xf32>
    %reduce_sum3A_36 = vector.shape_cast %reduce_sum3A_35 : vector<1xf32> to vector<1x1x1x1x1xf32>
    %reduce_sum3A_37 = vector.extract %reduce_sum3A_36[0, 0, 0, 0, 0] : f32 from vector<1x1x1x1x1xf32>
    %mul3A_38 = arith.mulf %get3A_18, %get3A_23 : vector<1x1x512x512xf32>
    %mul3A_39 = arith.mulf %mul3A_38, %get3A_28 : vector<1x1x512x512xf32>
    %reduce_sum3A_40 = vector.shape_cast %mul3A_39 : vector<1x1x512x512xf32> to vector<1x1x1x512x512xf32>
    %reduce_sum3A_41 = arith.constant dense<0.000000e+00> : vector<1xf32>
    %reduce_sum3A_42 = vector.multi_reduction <add>, %reduce_sum3A_40, %reduce_sum3A_41 [1, 2, 3, 4] : vector<1x1x1x512x512xf32> to vector<1xf32>
    %reduce_sum3A_43 = vector.shape_cast %reduce_sum3A_42 : vector<1xf32> to vector<1x1x1x1x1xf32>
    %reduce_sum3A_44 = vector.extract %reduce_sum3A_43[0, 0, 0, 0, 0] : f32 from vector<1x1x1x1x1xf32>
    %mul3A_45 = arith.mulf %get3A_18, %get3A_28 : vector<1x1x512x512xf32>
    %reduce_sum3A_46 = vector.shape_cast %mul3A_45 : vector<1x1x512x512xf32> to vector<1x1x1x512x512xf32>
    %reduce_sum3A_47 = arith.constant dense<0.000000e+00> : vector<1xf32>
    %reduce_sum3A_48 = vector.multi_reduction <add>, %reduce_sum3A_46, %reduce_sum3A_47 [1, 2, 3, 4] : vector<1x1x1x512x512xf32> to vector<1xf32>
    %reduce_sum3A_49 = vector.shape_cast %reduce_sum3A_48 : vector<1xf32> to vector<1x1x1x1x1xf32>
    %reduce_sum3A_50 = vector.extract %reduce_sum3A_49[0, 0, 0, 0, 0] : f32 from vector<1x1x1x1x1xf32>
    %stack3A = vector.broadcast %reduce_sum3A_32 : f32 to vector<1xf32>
    %stack3A_51 = vector.broadcast %reduce_sum3A_37 : f32 to vector<1xf32>
    %stack3A_52 = vector.broadcast %reduce_sum3A_44 : f32 to vector<1xf32>
    %stack3A_53 = vector.broadcast %reduce_sum3A_50 : f32 to vector<1xf32>
    %stack3A_54 = tpu.concatenate %stack3A, %stack3A_51, %stack3A_52, %stack3A_53 in 0 : vector<1xf32>, vector<1xf32>, vector<1xf32>, vector<1xf32> -> vector<4xf32>
    %reshape3A = vector.shape_cast %stack3A_54 : vector<4xf32> to vector<4x1xf32>
    %iota3A = tpu.iota {dimensions = array<i32: 1>} : vector<4x128xi32>
    %eq3A = arith.constant 0 : i32
    %eq3A_55 = vector.broadcast %eq3A : i32 to vector<4x128xi32>
    %eq3A_56 = arith.cmpi eq, %iota3A, %eq3A_55 : vector<4x128xi32>
    %jit3A = arith.constant 0.000000e+00 : f32
    %broadcast_in_dim3A = vector.shape_cast %reshape3A : vector<4x1xf32> to vector<4x1xf32>
    %broadcast_in_dim3A_57 = vector.broadcast %broadcast_in_dim3A : vector<4x1xf32> to vector<4x128xf32>
    %broadcast_in_dim3A_58 = vector.broadcast %jit3A : f32 to vector<4x128xf32>
    %select_n3A = arith.select %eq3A_56, %broadcast_in_dim3A_57, %broadcast_in_dim3A_58 : vector<4x128xi1>, vector<4x128xf32>
    %reshape3A_59 = vector.shape_cast %select_n3A : vector<4x128xf32> to vector<1x4x128xf32>
    %swap3A = arith.constant 0 : index
    %swap3A_60 = arith.constant 0 : index
    %swap3A_61 = arith.constant 0 : index
    %swap3A_62 = vector.load %arg7[%swap3A, %swap3A_60, %swap3A_61] : memref<1x4x128xf32, #tpu.memory_space<vmem>>, vector<1x4x128xf32>
    tpu.vector_store %arg7[%swap3A, %swap3A_60, %swap3A_61], %reshape3A_59 {strides = array<i32>} : memref<1x4x128xf32, #tpu.memory_space<vmem>>, vector<1x4x128xf32>,
    return
  }
  func.func @transform_0(%arg0: i32) -> (i32, i32, i32, i32) {
    %c0_i32 = arith.constant 0 : i32
    %c0_i32_0 = arith.constant 0 : i32
    %c0_i32_1 = arith.constant 0 : i32
    %c0_i32_2 = arith.constant 0 : i32
    return %arg0, %c0_i32, %c0_i32_0, %c0_i32_1 : i32, i32, i32, i32
  }
  func.func @transform_1(%arg0: i32) -> (i32, i32, i32, i32) {
    %c0_i32 = arith.constant 0 : i32
    %c0_i32_0 = arith.constant 0 : i32
    %c0_i32_1 = arith.constant 0 : i32
    %c0_i32_2 = arith.constant 0 : i32
    return %arg0, %c0_i32, %c0_i32_0, %c0_i32_1 : i32, i32, i32, i32
  }
  func.func @transform_2(%arg0: i32) -> (i32, i32, i32, i32) {
    %c0_i32 = arith.constant 0 : i32
    %c0_i32_0 = arith.constant 0 : i32
    %c0_i32_1 = arith.constant 0 : i32
    %c0_i32_2 = arith.constant 0 : i32
    return %arg0, %c0_i32, %c0_i32_0, %c0_i32_1 : i32, i32, i32, i32
  }
  func.func @transform_3(%arg0: i32) -> (i32, i32, i32, i32) {
    %c0_i32 = arith.constant 0 : i32
    %c0_i32_0 = arith.constant 0 : i32
    %c0_i32_1 = arith.constant 0 : i32
    %c0_i32_2 = arith.constant 0 : i32
    return %arg0, %c0_i32, %c0_i32_0, %c0_i32_1 : i32, i32, i32, i32
  }
  func.func @transform_4(%arg0: i32) -> (i32, i32, i32, i32) {
    %c0_i32 = arith.constant 0 : i32
    %c0_i32_0 = arith.constant 0 : i32
    %c0_i32_1 = arith.constant 0 : i32
    %c0_i32_2 = arith.constant 0 : i32
    return %arg0, %c0_i32, %c0_i32_0, %c0_i32_1 : i32, i32, i32, i32
  }
  func.func @transform_5(%arg0: i32) -> (i32, i32, i32, i32) {
    %c0_i32 = arith.constant 0 : i32
    %c0_i32_0 = arith.constant 0 : i32
    %c0_i32_1 = arith.constant 0 : i32
    %c0_i32_2 = arith.constant 0 : i32
    return %arg0, %c0_i32, %c0_i32_0, %c0_i32_1 : i32, i32, i32, i32
  }
  func.func @transform_6(%arg0: i32) -> (i32, i32, i32) {
    %c0_i32 = arith.constant 0 : i32
    %c0_i32_0 = arith.constant 0 : i32
    %c0_i32_1 = arith.constant 0 : i32
    return %arg0, %c0_i32, %c0_i32_0 : i32, i32, i32
  }
}

</mosaic_0001>

<sc_bundles>
// kernel: kernel.6.cloned.1.call-start
scs
__scs_entry_jumppad:
0x0: {  	(pc) =	sbr.rel $0x88, $3  }
0x1: {  	(tag) =	ssettag $0x0;
	lr =	simm.s32 $0x1  }
0x2: {  	[smem:$0x3F9A] =	sst lr;
	_ =	strace $0xD0000000  }
0x3: {  	_ = 	snop  }
0x4: {  	_ = 	snop  }
0x5: {  	_ = 	snop  }
0x6: {  	_ = 	snop  }
0x7: {  	_ = 	snop  }
__scs_overlays_trampoline_lowered:
0x8: {  	[smem:$0x3FA9] =	sst s0  }
0x9: {  	[smem:$0x3FAA] =	sst s1  }
0xa: {  	[smem:$0x3FAB] =	sst s2  }
0xb: {  	[smem:$0x3FAC] =	sst s3  }
0xc: {  	[smem:$0x3FAD] =	sst s4  }
0xd: {  	[smem:$0x3FAE] =	sst s5  }
0xe: {  	[smem:$0x3FAF] =	sst s6  }
0xf: {  	[smem:$0x3FB0] =	sst s7  }
0x10: {  	[smem:$0x3FB1] =	sst s8  }
0x11: {  	[smem:$0x3FB2] =	sst s9;
	s0 =	simm.s32 @!p0 $0x0  }
0x12: {  	s1 =	sld [smem:$0x3F98];
	s0 =	simm.s32 @p0 $0x1  }
0x13: {  	[smem:$0x3FB3] =	sst s0;
	s0 =	simm.s32 @!p1 $0x0  }
0x14: {  	s2 =	sld [smem:$0x3F97];
	s0 =	simm.s32 @p1 $0x1  }
0x15: {  	[smem:$0x3FB4] =	sst s0;
	s0 =	simm.s32 @!p2 $0x0  }
0x16: {  	s3 =	sld [smem:$0x3FDB];
	s0 =	simm.s32 @p2 $0x1  }
0x17: {  	s4 =	simm.s32 $0x1BF5;
	[smem:$0x3FB6] =	sst s0  }
0x18: {  	s0 =	sld [smem:$0x3F99];
	_ =	swait.ge [sflag:s4], $0x0  }
0x19: {  	s7 =	sld [smem:$0x3F9A]  }
0x1a: {  	s8 =	sadd.s32 $0xFFFFE003, lr  }
0x1b: {  	s9 =	sadd.s32 $0xFFFFFEF7, lr;
	s5 =	simm.s32 $0xFFFFFFFF;
	p2 =	slt.u32 s8, $0xFFFFF086  }
0x1c: {  	p1 =	slt.u32 s9, $0xF7A;
	s5 =	simm.s32 @!p2 $0x0  }
0x1d: {  	s5 =	simm.s32 @p1 $0x1;
	p0 =	seq.s32 s7, s2  }
0x1e: {  	s7 =	smul.u32 @!p0 $0xF7A, s2;
	p2 =	seq.s32 @!p0 s5, $0x0  }
0x1f: {  	s9 =	smul.u32 $0xF7A, s1;
	s8 =	simm.s32 @!p0 $0x1BF5;
	p2 =	por !p2, p0  }
0x20: {  	[sflag:s8] =	ssyncset.s32 @!p0 $0xFFFFF086;
	s6 =	sadd.s32 @!p0 s3, s7;
	s7 =	simm.s32 @!p0 $0x108  }
0x21: {  	s3 =	sadd.s32 s3, s9;
	s6 =	sadd.s32 @!p0 $0x88, s6;
	s7 =	simm.s32 @p2 $0x1082  }
0x22: {  	[simem:s7], [sflag:s8] =	dma.local @!p0 [hbm:s6], $0xF7A  }
0x23: {  	s9 =	sor.u32 $0xD0000000, s2;
	s6 =	simm.s32 $0x108;
	_ =	swait.ge @!p0 [sflag:s8], $0x0  }
0x24: {  	s3 =	sadd.s32 $0x88, s3;
	s6 =	simm.s32 @!p1 $0x1082;
	[sflag:s4] =	ssyncset.s32 $0xFFFFF086  }
0x25: {  	[simem:s6], [sflag:s4] =	dma.local [hbm:s3], $0xF7A  }
0x26: {  	[smem:$0x3F9A] =	sst s1;
	(tag) =	ssettag s2;
	_ =	strace s9  }
0x27: {  	s1 =	sld [smem:$0x3FAA]  }
0x28: {  	s2 =	sld [smem:$0x3FAB]  }
0x29: {  	s4 =	sld [smem:$0x3FAD]  }
0x2a: {  	p0 =	seq.s32 s5, $0x0;
	s5 =	sld [smem:$0x3FAE]  }
0x2b: {  	s6 =	sld [smem:$0x3FAF]  }
0x2c: {  	s7 =	sld [smem:$0x3FB0]  }
0x2d: {  	s3 =	simm.s32 $0x108;
	s8 =	sld [smem:$0x3FB1]  }
0x2e: {  	s3 =	simm.s32 @!p0 $0x1082;
	s9 =	sld [smem:$0x3FB2]  }
0x2f: {  	lr =	sadd.s32 s0, s3;
	s0 =	sld [smem:$0x3FA9]  }
0x30: {  	s3 =	sld [smem:$0x3FAC]  }
0x31: {  	[smem:$0x3FB5] =	sst s10  }
0x32: {  	s10 =	sld [smem:$0x3FB3];
	_ =	sdelay $0x3  }
0x33: {  	p0 =	seq.s32 s10, $0x1;
	s10 =	sld [smem:$0x3FB5];
	_ =	sdelay $0x3  }
0x34: {  	[smem:$0x3FB5] =	sst s10  }
0x35: {  	s10 =	sld [smem:$0x3FB4];
	_ =	sdelay $0x3  }
0x36: {  	p1 =	seq.s32 s10, $0x1;
	s10 =	sld [smem:$0x3FB5];
	_ =	sdelay $0x3  }
0x37: {  	[smem:$0x3FB5] =	sst s10  }
0x38: {  	s10 =	sld [smem:$0x3FB6]  }
0x39: {  	_ = 	snop;
	(pc) =	sbr.ind lr, $3  }
0x3a: {  	_ = 	snop  }
0x3b: {  	_ = 	snop  }
0x3c: {  	p2 =	seq.s32 s10, $0x1;
	s10 =	sld [smem:$0x3FB5]  }
0x3d: {  	_ =	shalt  }
0x3e: {  	_ =	shalt  }
0x3f: {  	_ =	shalt  }
0x40: {  	_ =	shalt  }
0x41: {  	_ =	shalt  }
0x42: {  	_ =	shalt  }
0x43: {  	_ =	shalt  }
0x44: {  	_ =	shalt  }
0x45: {  	_ =	shalt  }
0x46: {  	_ =	shalt  }
0x47: {  	_ =	shalt  }
0x48: {  	_ =	shalt  }
0x49: {  	_ =	shalt  }
0x4a: {  	_ =	shalt  }
0x4b: {  	_ =	shalt  }
0x4c: {  	_ =	shalt  }
0x4d: {  	_ =	shalt  }
0x4e: {  	_ =	shalt  }
0x4f: {  	_ =	shalt  }
0x50: {  	_ =	shalt  }
0x51: {  	_ =	shalt  }
0x52: {  	_ =	shalt  }
0x53: {  	_ =	shalt  }
0x54: {  	_ =	shalt  }
0x55: {  	_ =	shalt  }
0x56: {  	_ =	shalt  }
0x57: {  	_ =	shalt  }
0x58: {  	_ =	shalt  }
0x59: {  	_ =	shalt  }
0x5a: {  	_ =	shalt  }
0x5b: {  	_ =	shalt  }
0x5c: {  	_ =	shalt  }
0x5d: {  	_ =	shalt  }
0x5e: {  	_ =	shalt  }
0x5f: {  	_ =	shalt  }
0x60: {  	_ =	shalt  }
0x61: {  	_ =	shalt  }
0x62: {  	_ =	shalt  }
0x63: {  	_ =	shalt  }
0x64: {  	_ =	shalt  }
0x65: {  	_ =	shalt  }
0x66: {  	_ =	shalt  }
0x67: {  	_ =	shalt  }
0x68: {  	_ =	shalt  }
0x69: {  	_ =	shalt  }
0x6a: {  	_ =	shalt  }
0x6b: {  	_ =	shalt  }
0x6c: {  	_ =	shalt  }
0x6d: {  	_ =	shalt  }
0x6e: {  	_ =	shalt  }
0x6f: {  	_ =	shalt  }
0x70: {  	_ =	shalt  }
0x71: {  	_ =	shalt  }
0x72: {  	_ =	shalt  }
0x73: {  	_ =	shalt  }
0x74: {  	_ =	shalt  }
0x75: {  	_ =	shalt  }
0x76: {  	_ =	shalt  }
0x77: {  	_ =	shalt  }
0x78: {  	_ =	shalt  }
0x79: {  	_ =	shalt  }
0x7a: {  	_ =	shalt  }
0x7b: {  	_ =	shalt  }
0x7c: {  	_ =	shalt  }
0x7d: {  	_ =	shalt  }
0x7e: {  	_ =	shalt  }
0x7f: {  	_ =	shalt  }
0x80: {  	_ =	shalt  }
0x81: {  	_ =	shalt  }
0x82: {  	_ =	shalt  }
0x83: {  	_ =	shalt  }
0x84: {  	_ =	shalt  }
0x85: {  	_ =	shalt  }
0x86: {  	_ =	shalt  }
0x87: {  	_ =	shalt  }
.Lfunc_end0:
.L_simem_size_0:
called_computation_lowered:
.L_overlay_start_0:
0x88: {  	s2 =	sld [smem:$0x3FD9]  }
0x89: {  	s3 =	sld [smem:$0x3FFE];
	_ =	sdelay $0x1  }
0x8a: {  	s1 =	srdreg.scid  }
0x8b: {  	s0 =	sand.u32 $0x1, s1  }
0x8c: {  	s16 =	sshll.u32 s0, $0xA;
	s2 =	sadd.s32 s3, s2  }
0x8d: {  	s2 =	sadd.s32 s2, s16  }
0x8e: {  	[smem:$0x3FC1] =	sst s2  }
0x8f: {  	_ = 	snop  }
0x90: {  	(tm) =	ssettm $0x1  }
0x91: {  	s17 =	sld [smem:$0x3FFB];
	_ =	sdelay $0x3  }
0x92: {  	_ =	strace s17  }
0x93: {  	s2 =	sld [smem:$0x3FFC];
	_ =	sdelay $0x3  }
0x94: {  	_ =	strace s2  }
0x95: {  	s2 =	sld [smem:$0x3FFD];
	_ =	sdelay $0x3  }
0x96: {  	_ =	strace s2  }
0x97: {  	_ =	strace $0x8FFFFFFF  }
0x98: {  	s18 =	sld [smem:$0x3FDB];
	_ =	sdelay $0x1  }
0x99: {  	s19 =	simm.s32 $_scs_section_size  }
0x9a: {  	s4 =	simm.s32 $_size__tile_overlayer_lowered;
	s5 =	simm.s32 $_tile_overlayer_lowered  }
0x9b: {  	s22 =	simm.s32 $0x1BFF;
	s21 =	sshll.u32 s5, $0x1;
	s2 =	sadd.s32 s19, s18  }
0x9c: {  	s6 =	simm.s32 $0x0;
	s20 =	sshll.u32 s4, $0x1;
	s4 =	sadd.s32 s21, s2  }
0x9d: {  	[timem:s6], [sflag:s22] =	dma.local [hbm:s4], s20  }
0x9e: {  	_ =	swait.ge [sflag:s22], s20  }
0x9f: {  	s3 =	ssub.s32 $0x0, s20;
	[sflag:s22] =	ssyncset.done $0x0  }
0xa0: {  	[sflag:s22] =	ssyncadd.s32 s3;
	_ =	sdelay $0x1  }
0xa1: {  	s23 =	simm.s32 $0x1B8B  }
0xa2: {  	_ =	swait.ge [sflag:s23], $0x1  }
0xa3: {  	[sflag:s23] =	ssyncset.done $0x0  }
0xa4: {  	s25 =	simm.s32 $0x1B8E;
	s24 =	sld [smem:$0x3FFE];
	[sflag:s23] =	ssyncadd.s32 $0xFFFFFFFF  }
0xa5: {  	s26 =	simm.s32 $execute0_lowered;
	[smem:$0x3FD2] =	sst s25  }
0xa6: {  	s4 =	sshll.u32 s26, $0x1;
	_ =	strace $0x80000046;
	[dreg:$0x1] =	wrdreg $0xFFFFFFFF  }
0xa7: {  	s28 =	simm.s32 $_size_execute0_lowered;
	s2 =	sadd.s32 s2, s4;
	[dreg:$0x0] =	wrdreg $0x0  }
0xa8: {  	s4 =	sshll.u32 s28, $0x1;
	[dreg:$0x2] =	wrdreg s2  }
0xa9: {  	[dreg:$0x3] =	wrdreg s4  }
0xaa: {  	[dreg:$0x4] =	wrdreg $0xC0  }
0xab: {  	_ =	task [dreg:s6], $0x5FFFF  }
0xac: {  	[dreg:$0x1] =	wrdreg $0xFFFFFFFF  }
0xad: {  	[dreg:$0x0] =	wrdreg $0x60  }
0xae: {  	[dreg:$0x2] =	wrdreg s24  }
0xaf: {  	[dreg:$0x3] =	wrdreg $0xC9000  }
0xb0: {  	[dreg:$0x4] =	wrdreg $0x9  }
0xb1: {  	_ =	task.clear_ibuf [dreg:s6], $0x5FFFF;
	_ =	strace $0x90000046  }
0xb2: {  	s29 =	simm.s32 $0x9;
	_ =	strace $0x80000048  }
0xb3: {  	_ =	swait.ge [sflag:s29], $0x1  }
0xb4: {  	[sflag:s29] =	ssyncadd.s32 $0xFFFFFFFF  }
0xb5: {  	_ =	strace $0x90000048  }
0xb6: {  	_ =	sfence  }
0xb7: {  	s30 =	sld [smem:$0x0];
	_ =	sdelay $0x2  }
0xb8: {  	s31 =	sshll.u32 s1, $0xD;
	s1 =	sshrl.u32 s1, $0x2  }
0xb9: {  	s3 =	sand.u32 $0x4000, s31;
	s1 =	sadd.s32 s1, s30  }
0xba: {  	s0 =	sor.u32 s3, s0;
	s1 =	sshll.u32 s1, $0x11  }
0xbb: {  	s0 =	sor.u32 s1, s0  }
0xbc: {  	s0 =	sadd.s32 $0x8F2B, s0  }
0xbd: {  	[sflag:s0] =	ssyncadd.remote.s32 $0x1  }
0xbe: {  	_ =	sfence.sel $0xFFFF  }
0xbf: {  	[dreg:$0x0] =	wrdreg $0xFFFFFFFF;
	(pc) =	sbr.abs _section_cstart, $3  }
0xc0: {  	[dreg:$0x1] =	wrdreg $0xFFFFFFFF  }
0xc1: {  	_ =	task.clear_ibuf [dreg:s6], $0x2FFFF;
	_ =	strace $0x9FFFFFFF  }
0xc2: {  	(tm) =	ssettm $0x7FFFFFFF  }
0xc3: {  	_ =	shalt  }
tec
execute0_lowered:
.L_overlay_start_1:
0x0: {  	(tag) =	ssettag $0x1  }
0x1: {  	s2 =	rddreg [dreg:$0x0]  }
0x2: {  	s9 =	rddreg [dreg:$0x1];
	s3 =	srdreg.scid  }
0x3: {  	s0 =	rddreg [dreg:$0x2];
	s1 =	stileid.u32  }
0x4: {  	s14 =	simm.s32 $0x1;
	s15 =	simm.s32 $0x2;
	s16 =	simm.s32 $0xC000  }
0x5: {  	s17 =	simm.s32 $0x3;
	s18 =	simm.s32 $0xC800;
	s19 =	simm.s32 $0xC880  }
0x6: {  	s20 =	simm.s32 $0x0;
	s4 =	sand.u32 $0x1, s3;
	s3 =	simm.s32 $0x0  }
0x7: {  	s10 =	sshll.u32 s1, $0x9;
	s6 =	sshll.u32 s1, $0x4;
	s31 =	sshll.u32 s1, $0xB  }
0x8: {  	v0 =	vlaneseq.u32;
	s11 =	sshll.u32 s4, $0x8;
	[smem:$0x7FF] =	sst s3;
	s5 =	ssub.s32 $0x2, s4  }
0x9: {  	v1 =	vimm.f32 $0.0e+00;
	v2 =	vimm.f32 $1.000000000e+00;
	vm0 =	vmmov $0x1;
	s12 =	sadd.s32 s6, s2;
	s7 =	sor.u32 s11, s10;
	_ =	strace $0x80000047  }
0xa: {  	vm1 =	vmmov $0x3;
	vm2 =	vmmov $0x7;
	vm3 =	vmmov $0xf;
	s8 =	sshrl.u32 s5, $0x1;
	s10 =	sshrl.u32 s10, $0x2;
	s11 =	sadd.s32 s11, s12  }
0xb: {  	vm4 =	vmmov $0x1f;
	vm5 =	vmmov $0x3f;
	vm6 =	vmmov $0x7f;
	s12 =	simm.s32 $0x8000;
	s30 =	sshll.u32 s7, $0x6;
	s13 =	ssub.s32 s5, s8  }
0xc: {  	vm7 =	vmmov $0xff;
	vm8 =	vmmov $0x1ff;
	vm9 =	vmmov $0x3ff;
	s6 =	sor.u32 $0x20, s7;
	s7 =	sor.u32 $0x30, s7;
	s8 =	sadd.s32 s31, s9  }
0xd: {  	vm10 =	vmmov $0x7ff;
	vm11 =	vmmov $0xfff;
	vm12 =	vmmov $0x1fff;
	s9 =	sadd.s32 s10, s9;
	s10 =	sadd.s32 $0x80000, s11;
	s4 =	sadd.s32 s2, s30  }
0xe: {  	vm13 =	vmmov $0x3fff;
	vm14 =	vmmov $0x7fff;
	v3 =	vor.u32 $0x4000, v0;
	s11 =	smax.u32 s13, $0x1;
	s13 =	simm.s32 $0xA000;
	s5 =	sadd.s32 $0x400, s4  }
.LBB2_1:
0xf: {  	s21 =	simm.s32 $0x40  }
0x10: {  	[tilespmem:s21+$0xFFFFFFC0] =	vst v1  }
0x11: {  	[tilespmem:s21+$0x30] =	vst v1  }
0x12: {  	[tilespmem:s21+$0x20] =	vst v1  }
0x13: {  	[tilespmem:s21+$0x10] =	vst v1  }
0x14: {  	[tilespmem:s21+$0x0] =	vst v1  }
0x15: {  	[tilespmem:s21+$0xFFFFFFF0] =	vst v1  }
0x16: {  	s22 =	simm.s32 $0x0;
	[tilespmem:s21+$0xFFFFFFE0] =	vst v1  }
.LBB2_2:
0x17: {  	s22 =	sadd.s32 $0x8, s22;
	[tilespmem:s21+$0xFFFFFFD0] =	vst v1;
	s21 =	sadd.s32 $0x80, s21  }
0x18: {  	[tilespmem:s21+$0xFFFFFFC0] =	vst v1;
	p0 =	slt.u32 s22, $0x7F8  }
0x19: {  	[tilespmem:s21+$0x30] =	vst v1  }
.Ltmp0:
0x1a: {  	[tilespmem:s21+$0x20] =	vst v1;
	(pc) =	sbr.rel @p0 .LBB2_2-.Ltmp0, $4  }
0x1b: {  	[tilespmem:s21+$0x10] =	vst v1  }
0x1c: {  	[tilespmem:s21+$0x0] =	vst v1  }
0x1d: {  	[tilespmem:s21+$0xFFFFFFF0] =	vst v1  }
0x1e: {  	[tilespmem:s21+$0xFFFFFFE0] =	vst v1  }
0x1f: {  	[tilespmem:s21+$0xFFFFFFD0] =	vst v1;
	s21 =	simm.s32 $0x0  }
0x20: {  	[tilespmem:s12], [sflag:$0x1] =	stream.linear.gather [hbm4b:s4+s21], $0x2000, $0x38;
	[tilespmem:$0xD100] =	vst v63  }
0x21: {  	_ = 	snop  }
0x22: {  	[tilespmem:s13], [sflag:$0x2] =	stream.linear.gather [hbm4b:s5+s21], $0x2000, $0x38;
	[tilespmem:$0xD100] =	vst v63  }
.LBB2_4:
0x23: {  	_ =	swait.ge [sflag:s14], $0x2000  }
0x24: {  	s22 =	simm.s32 $0x0;
	[sflag:s14] =	ssyncset.done $0x0  }
0x25: {  	s23 =	simm.s32 $0x0;
	s24 =	simm.s32 $0x0;
	[sflag:s14] =	ssyncadd.s32 $0xFFFFE000  }
.LBB2_5:
0x26: {  	s25 =	sshll.u32 s23, $0x2;
	s26 =	sand.u32 $0x7, s22  }
0x27: {  	s25 =	sand.u32 $0xFFFFC000, s25;
	s26 =	sshll.u32 s26, $0x9  }
0x28: {  	s25 =	sor.u32 s26, s25  }
0x29: {  	s25 =	sshrl.u32 s25, $0x2  }
0x2a: {  	s26 =	simm.s32 $0xFFFFFFFE;
	s25 =	sadd.s32 $0x8040, s25  }
.LBB2_6:
0x2b: {  	v4 =	vld [tilespmem:s25+$0xFFFFFFC0]  }
0x2c: {  	v5 =	vld [tilespmem:s25+$0xFFFFFFD0]  }
0x2d: {  	v6 =	vld [tilespmem:s25+$0xFFFFFFE0]  }
0x2e: {  	v7 =	vld [tilespmem:s25+$0xFFFFFFF0];
	_ =	sdelay $0x3  }
0x2f: {  	v8 =	vshrl.u32 v4, $0x11;
	v11 =	vshrl.u32 v5, $0x11  }
0x30: {  	v12 =	vshrl.u32 v6, $0x11;
	v15 =	vshrl.u32 v7, $0x11;
	v9 =	vand.u32 $0x3FF0, v8  }
0x31: {  	v13 =	vand.u32 $0x3FF0, v11;
	v14 =	vand.u32 $0x3FF0, v12;
	v18 =	vand.u32 $0x3FF0, v15  }
0x32: {  	v8 =	vand.u32 $0x3F80, v8;
	v34 =	vand.u32 $0x3F80, v11;
	v10 =	vor.u32 v0, v9  }
0x33: {  	v36 =	vand.u32 $0x3F80, v12;
	v16 =	vor.u32 v0, v13;
	v10 =	vand.u32 $0x7F, v10  }
0x34: {  	v17 =	vor.u32 v0, v14;
	v35 =	vand.u32 $0x7F, v16;
	v8 =	vor.u32 v8, v10  }
0x35: {  	v19 =	vor.u32 v0, v18;
	v37 =	vand.u32 $0x7F, v17;
	v10 =	vor.u32 v34, v35  }
0x36: {  	v38 =	vand.u32 $0x3F80, v15;
	v39 =	vand.u32 $0x7F, v19;
	v11 =	vor.u32 v36, v37  }
0x37: {  	v12 =	vor.u32 v38, v39  }
0x38: {  	v9 =	vor.u32 v3, v9  }
0x39: {  	v40 =	vor.u32 v3, v13;
	[tilespmem:v8+s3+$0x0] =	vst.idx.add.f32.msk $0xffff, v2  }
0x3a: {  	v41 =	vor.u32 v3, v14;
	[tilespmem:v10+s3+$0x0] =	vst.idx.add.f32.msk $0xffff, v2  }
0x3b: {  	v42 =	vor.u32 v3, v18;
	[tilespmem:v11+s3+$0x0] =	vst.idx.add.f32.msk $0xffff, v2  }
0x3c: {  	[tilespmem:v12+s3+$0x0] =	vst.idx.add.f32.msk $0xffff, v2  }
0x3d: {  	[tilespmem:v9+s3+$0x0] =	vst.idx.add.f32.msk $0xffff, v4  }
0x3e: {  	[tilespmem:v40+s3+$0x0] =	vst.idx.add.f32.msk $0xffff, v5  }
0x3f: {  	[tilespmem:v41+s3+$0x0] =	vst.idx.add.f32.msk $0xffff, v6  }
0x40: {  	[tilespmem:v42+s3+$0x0] =	vst.idx.add.f32.msk $0xffff, v7  }
0x41: {  	v4 =	vld [tilespmem:s25+$0x0]  }
0x42: {  	v5 =	vld [tilespmem:s25+$0x10]  }
0x43: {  	v6 =	vld [tilespmem:s25+$0x20]  }
0x44: {  	v7 =	vld [tilespmem:s25+$0x30];
	_ =	sdelay $0x3  }
0x45: {  	v43 =	vshrl.u32 v4, $0x11;
	v46 =	vshrl.u32 v5, $0x11  }
0x46: {  	v47 =	vshrl.u32 v6, $0x11;
	v50 =	vshrl.u32 v7, $0x11;
	v44 =	vand.u32 $0x3FF0, v43  }
0x47: {  	v48 =	vand.u32 $0x3FF0, v46;
	v49 =	vand.u32 $0x3FF0, v47;
	v53 =	vand.u32 $0x3FF0, v50  }
0x48: {  	v8 =	vand.u32 $0x3F80, v43;
	v55 =	vand.u32 $0x3F80, v46;
	v45 =	vor.u32 v0, v44  }
0x49: {  	v57 =	vand.u32 $0x3F80, v47;
	v51 =	vor.u32 v0, v48;
	v10 =	vand.u32 $0x7F, v45  }
0x4a: {  	v52 =	vor.u32 v0, v49;
	v56 =	vand.u32 $0x7F, v51;
	v8 =	vor.u32 v8, v10  }
0x4b: {  	v54 =	vor.u32 v0, v53;
	v58 =	vand.u32 $0x7F, v52;
	v10 =	vor.u32 v55, v56  }
0x4c: {  	v59 =	vand.u32 $0x3F80, v50;
	v60 =	vand.u32 $0x7F, v54;
	v11 =	vor.u32 v57, v58  }
0x4d: {  	v12 =	vor.u32 v59, v60  }
0x4e: {  	v9 =	vor.u32 v3, v44  }
0x4f: {  	v61 =	vor.u32 v3, v48;
	[tilespmem:v8+s3+$0x0] =	vst.idx.add.f32.msk $0xffff, v2  }
0x50: {  	s26 =	sadd.s32 $0x2, s26;
	v62 =	vor.u32 v3, v49;
	[tilespmem:v10+s3+$0x0] =	vst.idx.add.f32.msk $0xffff, v2  }
0x51: {  	p0 =	slt.u32 s26, $0x6;
	v63 =	vor.u32 v3, v53;
	[tilespmem:v11+s3+$0x0] =	vst.idx.add.f32.msk $0xffff, v2  }
.Ltmp1:
0x52: {  	[tilespmem:v12+s3+$0x0] =	vst.idx.add.f32.msk $0xffff, v2;
	(pc) =	sbr.rel @p0 .LBB2_6-.Ltmp1, $4  }
0x53: {  	[tilespmem:v9+s3+$0x0] =	vst.idx.add.f32.msk $0xffff, v4  }
0x54: {  	[tilespmem:v61+s3+$0x0] =	vst.idx.add.f32.msk $0xffff, v5  }
0x55: {  	[tilespmem:v62+s3+$0x0] =	vst.idx.add.f32.msk $0xffff, v6  }
0x56: {  	s25 =	sadd.s32 $0x400, s25;
	[tilespmem:v63+s3+$0x0] =	vst.idx.add.f32.msk $0xffff, v7  }
0x57: {  	s24 =	sadd.s32 $0x1, s24  }
0x58: {  	p0 =	sne.s32 s24, $0x10  }
.Ltmp2:
0x59: {  	_ = 	snop;
	(pc) =	sbr.rel @p0 .LBB2_5-.Ltmp2, $2  }
0x5a: {  	_ =	sdelay $0x2  }
0x5b: {  	s23 =	sadd.s32 $0x200, s23;
	s22 =	sadd.s32 $0x1, s22  }
0x5c: {  	s22 =	sshll.u32 s21, $0x5;
	p0 =	seq.s32 s21, $0x7  }
0x5d: {  	s23 =	sadd.s32 @!p0 s22, s6  }
0x5e: {  	s23 =	sshll.u32 @!p0 s23, $0x6  }
0x5f: {  	s24 =	simm.s32 @!p0 $0x0;
	s25 =	simm.s32 @!p0 $0x8000;
	s23 =	sadd.s32 @!p0 s2, s23  }
0x60: {  	[tilespmem:s25], [sflag:$0x1] =	stream.linear.gather @!p0 [hbm4b:s23+s24], $0x2000, $0x38;
	[tilespmem:$0xD100] =	vst v63  }
0x61: {  	_ =	swait.ge [sflag:s15], $0x2000  }
0x62: {  	s23 =	simm.s32 $0x0;
	[sflag:s15] =	ssyncset.done $0x0  }
0x63: {  	s24 =	simm.s32 $0x0;
	s25 =	simm.s32 $0x0;
	[sflag:s15] =	ssyncadd.s32 $0xFFFFE000  }
.LBB2_9:
0x64: {  	s26 =	sshll.u32 s24, $0x2;
	s28 =	sand.u32 $0x7, s23  }
0x65: {  	s26 =	sand.u32 $0xFFFFC000, s26;
	s28 =	sshll.u32 s28, $0x9  }
0x66: {  	s26 =	sor.u32 s28, s26  }
0x67: {  	s26 =	sshrl.u32 s26, $0x2  }
0x68: {  	s28 =	simm.s32 $0xFFFFFFFE;
	s26 =	sadd.s32 $0xA040, s26  }
.LBB2_10:
0x69: {  	v4 =	vld [tilespmem:s26+$0xFFFFFFC0]  }
0x6a: {  	v5 =	vld [tilespmem:s26+$0xFFFFFFD0]  }
0x6b: {  	v6 =	vld [tilespmem:s26+$0xFFFFFFE0]  }
0x6c: {  	v7 =	vld [tilespmem:s26+$0xFFFFFFF0];
	_ =	sdelay $0x3  }
0x6d: {  	v8 =	vshrl.u32 v4, $0x11;
	v11 =	vshrl.u32 v5, $0x11  }
0x6e: {  	v12 =	vshrl.u32 v6, $0x11;
	v15 =	vshrl.u32 v7, $0x11;
	v9 =	vand.u32 $0x3FF0, v8  }
0x6f: {  	v13 =	vand.u32 $0x3FF0, v11;
	v14 =	vand.u32 $0x3FF0, v12;
	v18 =	vand.u32 $0x3FF0, v15  }
0x70: {  	v8 =	vand.u32 $0x3F80, v8;
	v34 =	vand.u32 $0x3F80, v11;
	v10 =	vor.u32 v0, v9  }
0x71: {  	v36 =	vand.u32 $0x3F80, v12;
	v16 =	vor.u32 v0, v13;
	v10 =	vand.u32 $0x7F, v10  }
0x72: {  	v17 =	vor.u32 v0, v14;
	v35 =	vand.u32 $0x7F, v16;
	v8 =	vor.u32 v8, v10  }
0x73: {  	v19 =	vor.u32 v0, v18;
	v37 =	vand.u32 $0x7F, v17;
	v10 =	vor.u32 v34, v35  }
0x74: {  	v38 =	vand.u32 $0x3F80, v15;
	v39 =	vand.u32 $0x7F, v19;
	v11 =	vor.u32 v36, v37  }
0x75: {  	v12 =	vor.u32 v38, v39  }
0x76: {  	v9 =	vor.u32 v3, v9  }
0x77: {  	v40 =	vor.u32 v3, v13;
	[tilespmem:v8+s3+$0x0] =	vst.idx.add.f32.msk $0xffff, v2  }
0x78: {  	v41 =	vor.u32 v3, v14;
	[tilespmem:v10+s3+$0x0] =	vst.idx.add.f32.msk $0xffff, v2  }
0x79: {  	v42 =	vor.u32 v3, v18;
	[tilespmem:v11+s3+$0x0] =	vst.idx.add.f32.msk $0xffff, v2  }
0x7a: {  	[tilespmem:v12+s3+$0x0] =	vst.idx.add.f32.msk $0xffff, v2  }
0x7b: {  	[tilespmem:v9+s3+$0x0] =	vst.idx.add.f32.msk $0xffff, v4  }
0x7c: {  	[tilespmem:v40+s3+$0x0] =	vst.idx.add.f32.msk $0xffff, v5  }
0x7d: {  	[tilespmem:v41+s3+$0x0] =	vst.idx.add.f32.msk $0xffff, v6  }
0x7e: {  	[tilespmem:v42+s3+$0x0] =	vst.idx.add.f32.msk $0xffff, v7  }
0x7f: {  	v4 =	vld [tilespmem:s26+$0x0]  }
0x80: {  	v5 =	vld [tilespmem:s26+$0x10]  }
0x81: {  	v6 =	vld [tilespmem:s26+$0x20]  }
0x82: {  	v7 =	vld [tilespmem:s26+$0x30];
	_ =	sdelay $0x3  }
0x83: {  	v43 =	vshrl.u32 v4, $0x11;
	v46 =	vshrl.u32 v5, $0x11  }
0x84: {  	v47 =	vshrl.u32 v6, $0x11;
	v50 =	vshrl.u32 v7, $0x11;
	v44 =	vand.u32 $0x3FF0, v43  }
0x85: {  	v48 =	vand.u32 $0x3FF0, v46;
	v49 =	vand.u32 $0x3FF0, v47;
	v53 =	vand.u32 $0x3FF0, v50  }
0x86: {  	v8 =	vand.u32 $0x3F80, v43;
	v55 =	vand.u32 $0x3F80, v46;
	v45 =	vor.u32 v0, v44  }
0x87: {  	v57 =	vand.u32 $0x3F80, v47;
	v51 =	vor.u32 v0, v48;
	v10 =	vand.u32 $0x7F, v45  }
0x88: {  	v52 =	vor.u32 v0, v49;
	v56 =	vand.u32 $0x7F, v51;
	v8 =	vor.u32 v8, v10  }
0x89: {  	v54 =	vor.u32 v0, v53;
	v58 =	vand.u32 $0x7F, v52;
	v10 =	vor.u32 v55, v56  }
0x8a: {  	v59 =	vand.u32 $0x3F80, v50;
	v60 =	vand.u32 $0x7F, v54;
	v11 =	vor.u32 v57, v58  }
0x8b: {  	v12 =	vor.u32 v59, v60  }
0x8c: {  	v9 =	vor.u32 v3, v44  }
0x8d: {  	v61 =	vor.u32 v3, v48;
	[tilespmem:v8+s3+$0x0] =	vst.idx.add.f32.msk $0xffff, v2  }
0x8e: {  	s28 =	sadd.s32 $0x2, s28;
	v62 =	vor.u32 v3, v49;
	[tilespmem:v10+s3+$0x0] =	vst.idx.add.f32.msk $0xffff, v2  }
0x8f: {  	p1 =	slt.u32 s28, $0x6;
	v63 =	vor.u32 v3, v53;
	[tilespmem:v11+s3+$0x0] =	vst.idx.add.f32.msk $0xffff, v2  }
.Ltmp3:
0x90: {  	[tilespmem:v12+s3+$0x0] =	vst.idx.add.f32.msk $0xffff, v2;
	(pc) =	sbr.rel @p1 .LBB2_10-.Ltmp3, $4  }
0x91: {  	[tilespmem:v9+s3+$0x0] =	vst.idx.add.f32.msk $0xffff, v4  }
0x92: {  	[tilespmem:v61+s3+$0x0] =	vst.idx.add.f32.msk $0xffff, v5  }
0x93: {  	[tilespmem:v62+s3+$0x0] =	vst.idx.add.f32.msk $0xffff, v6  }
0x94: {  	s26 =	sadd.s32 $0x400, s26;
	[tilespmem:v63+s3+$0x0] =	vst.idx.add.f32.msk $0xffff, v7  }
0x95: {  	s25 =	sadd.s32 $0x1, s25  }
0x96: {  	p1 =	sne.s32 s25, $0x10  }
.Ltmp4:
0x97: {  	_ = 	snop;
	(pc) =	sbr.rel @p1 .LBB2_9-.Ltmp4, $2  }
0x98: {  	_ =	sdelay $0x2  }
0x99: {  	s24 =	sadd.s32 $0x200, s24;
	s23 =	sadd.s32 $0x1, s23  }
.Ltmp5:
0x9a: {  	(pc) =	sbr.rel @p0 .LBB2_13-.Ltmp5, $1  }
0x9b: {  	_ =	sdelay $0x3  }
.Ltmp6:
0x9c: {  	(pc) =	sbr.rel .LBB2_4-.Ltmp6, $4  }
0x9d: {  	s22 =	sadd.s32 s22, s7  }
0x9e: {  	s22 =	sshll.u32 s22, $0x6  }
0x9f: {  	s21 =	sadd.s32 $0x1, s21;
	s22 =	sadd.s32 s2, s22  }
0xa0: {  	[tilespmem:s13], [sflag:$0x2] =	stream.linear.gather [hbm4b:s22+s3], $0x2000, $0x38;
	[tilespmem:$0xD100] =	vst v63  }
.LBB2_13:
0xa1: {  	s21 =	simm.s32 $0x0;
	s22 =	simm.s32 $0x80  }
.LBB2_14:
0xa2: {  	v4 =	vld [tilespmem:s22+$0xFFFFFF80]  }
0xa3: {  	v5 =	vld [tilespmem:s22+$0xFFFFFF90]  }
0xa4: {  	v6 =	vld [tilespmem:s22+$0xFFFFFFA0]  }
0xa5: {  	v7 =	vld [tilespmem:s22+$0xFFFFFFB0]  }
0xa6: {  	v8 =	vld [tilespmem:s22+$0xFFFFFFC0]  }
0xa7: {  	(xrf2) =	vadd.scan.msk.f32 $0xffff, v4;
	v4 =	vld [tilespmem:s22+$0xFFFFFFD0]  }
0xa8: {  	(xrf2) =	vadd.scan.msk.f32 $0xffff, v5;
	v5 =	vld [tilespmem:s22+$0xFFFFFFE0]  }
0xa9: {  	v39 =	vld [tilespmem:s22+$0xFFFFFFF0];
	(xrf2) =	vadd.scan.msk.f32 $0xffff, v6  }
0xaa: {  	v40 =	vld [tilespmem:s22+$0x0];
	(xrf2) =	vadd.scan.msk.f32 $0xffff, v7  }
0xab: {  	v41 =	vld [tilespmem:s22+$0x10];
	(xrf2) =	vadd.scan.msk.f32 $0xffff, v8  }
0xac: {  	(xrf2) =	vadd.scan.msk.f32 $0xffff, v4;
	v4 =	vld [tilespmem:s22+$0x20]  }
0xad: {  	(xrf2) =	vadd.scan.msk.f32 $0xffff, v5;
	v5 =	vld [tilespmem:s22+$0x30]  }
0xae: {  	v42 =	vld [tilespmem:s22+$0x40];
	(xrf2) =	vadd.scan.msk.f32 $0xffff, v39  }
0xaf: {  	v43 =	vld [tilespmem:s22+$0x50];
	(xrf2) =	vadd.scan.msk.f32 $0xffff, v40  }
0xb0: {  	(xrf2) =	vadd.scan.msk.f32 $0xffff, v41  }
0xb1: {  	v44 =	vld [tilespmem:s22+$0x60];
	v9, _, _ =	vpop (xrf2);
	(xrf2) =	vadd.scan.msk.f32 $0xffff, v4  }
0xb2: {  	v4, _, _ =	vpop (xrf2);
	(xrf2) =	vadd.scan.msk.f32 $0xffff, v5  }
0xb3: {  	v5 =	vbroadcast v9, $0xF;
	v4 =	vbroadcast v4, $0xF;
	v45, _, _ =	vpop (xrf2);
	(xrf2) =	vadd.scan.msk.f32 $0xffff, v42  }
0xb4: {  	v46 =	vld [tilespmem:s22+$0x70];
	v10, _, _ =	vpop (xrf2);
	(xrf2) =	vadd.scan.msk.f32 $0xffff, v43;
	v47 =	vbroadcast v45, $0xF  }
0xb5: {  	v4 =	vsel vm0, v5, v4;
	v5 =	vbroadcast v10, $0xF;
	v48, _, _ =	vpop (xrf2)  }
0xb6: {  	(xrf2) =	vadd.scan.msk.f32 $0xffff, v44;
	v49, _, _ =	vpop (xrf2);
	v4 =	vsel vm1, v4, v47;
	v50 =	vbroadcast v48, $0xF  }
0xb7: {  	v51, _, _ =	vpop (xrf2);
	v4 =	vsel vm2, v4, v5;
	v5 =	vbroadcast v49, $0xF  }
0xb8: {  	v4 =	vsel vm3, v4, v50;
	v52 =	vbroadcast v51, $0xF;
	v53, _, _ =	vpop (xrf2)  }
0xb9: {  	(xrf2) =	vadd.scan.msk.f32 $0xffff, v46;
	v54, _, _ =	vpop (xrf2);
	v4 =	vsel vm4, v4, v5;
	v5 =	vbroadcast v53, $0xF  }
0xba: {  	v55, _, _ =	vpop (xrf2);
	v4 =	vsel vm5, v4, v52;
	v6 =	vbroadcast v54, $0xF  }
0xbb: {  	v56, _, _ =	vpop (xrf2);
	v4 =	vsel vm6, v4, v5;
	v5 =	vbroadcast v55, $0xF  }
0xbc: {  	v57, _, _ =	vpop (xrf2);
	v4 =	vsel vm7, v4, v6;
	v58 =	vbroadcast v56, $0xF  }
0xbd: {  	v59, _, _ =	vpop (xrf2);
	v4 =	vsel vm8, v4, v5;
	v5 =	vbroadcast v57, $0xF  }
0xbe: {  	v60, _, _ =	vpop (xrf2);
	v4 =	vsel vm9, v4, v58  }
0xbf: {  	v61 =	vbroadcast v59, $0xF;
	v4 =	vsel vm10, v4, v5;
	v5 =	vbroadcast v60, $0xF  }
0xc0: {  	p0 =	sne.s32 s21, $0x1FC0;
	v62, _, _ =	vpop (xrf2)  }
.Ltmp7:
0xc1: {  	v4 =	vsel vm11, v4, v61;
	v63 =	vbroadcast v62, $0xF;
	(pc) =	sbr.rel @p0 .LBB2_14-.Ltmp7, $4  }
0xc2: {  	v4 =	vsel vm12, v4, v5  }
0xc3: {  	v4 =	vsel vm13, v4, v63;
	v5, _, _ =	vpop (xrf2)  }
0xc4: {  	s23 =	sshra.s32 s21, $0x2;
	v4 =	vsel vm14, v4, v5  }
0xc5: {  	s21 =	sadd.s32 $0x40, s21;
	s22 =	sadd.s32 $0x100, s22;
	[tilespmem:s23+$0xC000] =	vst v4  }
0xc6: {  	[spmem:s8] =	stream.linear.scatter [tilespmem:s16], [sflag:$0x3], $0x800, $0x38;
	[tilespmem:$0xD100] =	vst v63  }
0xc7: {  	_ =	swait.ge [sflag:s17], $0x800  }
0xc8: {  	[sflag:s17] =	ssyncset.done $0x0  }
0xc9: {  	[sflag:s17] =	ssyncadd.s32 $0xFFFFF800  }
0xca: {  	[bflag:$0x0] =	sbarrier.arrive $0xFFFF  }
0xcb: {  	[tilespmem:$0xC880] =	vst v1  }
0xcc: {  	[tilespmem:$0xC890] =	vst v1  }
0xcd: {  	[tilespmem:$0xC8A0] =	vst v1  }
0xce: {  	[tilespmem:$0xC8B0] =	vst v1  }
0xcf: {  	[tilespmem:$0xC8C0] =	vst v1  }
0xd0: {  	[tilespmem:$0xC8D0] =	vst v1  }
0xd1: {  	[tilespmem:$0xC8E0] =	vst v1  }
0xd2: {  	s21 =	sadd.s32 $0x0, s9;
	[tilespmem:$0xC8F0] =	vst v1  }
0xd3: {  	[tilespmem:s18], [sflag:$0x3] =	stream.linear.gather [spmem:s21], $0x80, $0x38;
	[tilespmem:$0xD100] =	vst v63  }
0xd4: {  	_ =	swait.ge [sflag:s17], $0x80  }
0xd5: {  	[sflag:s17] =	ssyncset.done $0x0  }
0xd6: {  	[sflag:s17] =	ssyncadd.s32 $0xFFFFFF80  }
0xd7: {  	v7 =	vld [tilespmem:$0xC870]  }
0xd8: {  	v6 =	vld [tilespmem:$0xC860]  }
0xd9: {  	v4 =	vld [tilespmem:$0xC850]  }
0xda: {  	v9 =	vld [tilespmem:$0xC830]  }
0xdb: {  	v8 =	vld [tilespmem:$0xC820]  }
0xdc: {  	s21 =	simm.s32 $0x2000;
	v5 =	vld [tilespmem:$0xC840]  }
.LBB2_16:
0xdd: {  	p0 =	sne.s32 s21, $0x1E000;
	v10 =	vld [tilespmem:$0xC810];
	s22 =	smov.u32 s21;
	s21 =	sadd.s32 $0x2000, s21  }
0xde: {  	v11 =	vld [tilespmem:$0xC800]  }
0xdf: {  	v12 =	vld [tilespmem:$0xC8B0]  }
0xe0: {  	v13 =	vld [tilespmem:$0xC8A0]  }
0xe1: {  	v14 =	vld [tilespmem:$0xC8F0]  }
0xe2: {  	v15 =	vld [tilespmem:$0xC890]  }
0xe3: {  	v16 =	vld [tilespmem:$0xC8E0]  }
0xe4: {  	v9 =	vadd.f32 v9, v12;
	v12 =	vld [tilespmem:$0xC8D0]  }
0xe5: {  	v17 =	vld [tilespmem:$0xC880];
	v8 =	vadd.f32 v8, v13  }
0xe6: {  	[tilespmem:$0xC8B0] =	vst v9;
	v9 =	vld [tilespmem:$0xC8C0];
	v7 =	vadd.f32 v7, v14  }
0xe7: {  	v10 =	vadd.f32 v10, v15;
	[tilespmem:$0xC8A0] =	vst v8  }
0xe8: {  	v6 =	vadd.f32 v6, v16;
	[tilespmem:$0xC8F0] =	vst v7  }
0xe9: {  	[tilespmem:$0xC890] =	vst v10;
	v4 =	vadd.f32 v4, v12  }
0xea: {  	v7 =	vadd.f32 v11, v17;
	[tilespmem:$0xC8E0] =	vst v6  }
0xeb: {  	s22 =	sshra.s32 s22, $0x2;
	v5 =	vadd.f32 v5, v9;
	[tilespmem:$0xC8D0] =	vst v4  }
0xec: {  	s22 =	sadd.s32 s22, s9;
	[tilespmem:$0xC880] =	vst v7  }
0xed: {  	[tilespmem:$0xC8C0] =	vst v5  }
0xee: {  	[tilespmem:s18], [sflag:$0x3] =	stream.linear.gather [spmem:s22], $0x80, $0x38;
	[tilespmem:$0xD100] =	vst v63  }
0xef: {  	_ =	swait.ge [sflag:s17], $0x80  }
0xf0: {  	[sflag:s17] =	ssyncset.done $0x0  }
0xf1: {  	[sflag:s17] =	ssyncadd.s32 $0xFFFFFF80  }
0xf2: {  	v7 =	vld [tilespmem:$0xC870]  }
.Ltmp8:
0xf3: {  	v6 =	vld [tilespmem:$0xC860];
	(pc) =	sbr.rel @p0 .LBB2_16-.Ltmp8, $4  }
0xf4: {  	v4 =	vld [tilespmem:$0xC850]  }
0xf5: {  	v9 =	vld [tilespmem:$0xC830]  }
0xf6: {  	v8 =	vld [tilespmem:$0xC820]  }
0xf7: {  	v5 =	vld [tilespmem:$0xC840]  }
0xf8: {  	v10 =	vld [tilespmem:$0xC810]  }
0xf9: {  	v11 =	vld [tilespmem:$0xC800]  }
0xfa: {  	v12 =	vld [tilespmem:$0xC8B0]  }
0xfb: {  	v13 =	vld [tilespmem:$0xC8A0]  }
0xfc: {  	v14 =	vld [tilespmem:$0xC8F0]  }
0xfd: {  	v15 =	vld [tilespmem:$0xC890]  }
0xfe: {  	v16 =	vld [tilespmem:$0xC8E0]  }
0xff: {  	v61 =	vld [tilespmem:$0xC8D0];
	v9 =	vadd.f32 v9, v12  }
0x100: {  	v17 =	vld [tilespmem:$0xC880];
	v8 =	vadd.f32 v8, v13  }
0x101: {  	v62 =	vld [tilespmem:$0xC8C0];
	v7 =	vadd.f32 v7, v14;
	[tilespmem:$0xC8B0] =	vst v9  }
0x102: {  	v10 =	vadd.f32 v10, v15;
	[tilespmem:$0xC8A0] =	vst v8  }
0x103: {  	v6 =	vadd.f32 v6, v16;
	[tilespmem:$0xC8F0] =	vst v7  }
0x104: {  	v4 =	vadd.f32 v4, v61;
	[tilespmem:$0xC890] =	vst v10  }
0x105: {  	v63 =	vadd.f32 v11, v17;
	[tilespmem:$0xC8E0] =	vst v6  }
0x106: {  	s20 =	sadd.s32 $0x1, s20;
	v5 =	vadd.f32 v5, v62;
	[tilespmem:$0xC8D0] =	vst v4  }
0x107: {  	p0 =	sne.s32 s20, s11;
	[tilespmem:$0xC880] =	vst v63  }
.Ltmp9:
0x108: {  	[tilespmem:$0xC8C0] =	vst v5;
	(pc) =	sbr.rel @p0 .LBB2_1-.Ltmp9, $4  }
0x109: {  	[hbm4b:s10+s3] =	stream.linear.scatter [tilespmem:s19], [sflag:$0x3], $0x80, $0x38;
	[tilespmem:$0xD100] =	vst v63  }
0x10a: {  	_ =	swait.ge [sflag:s17], $0x80  }
0x10b: {  	[sflag:s17] =	ssyncset.done $0x0  }
0x10c: {  	[sflag:s17] =	ssyncadd.s32 $0xFFFFFF80  }
0x10d: {  	_ =	sfence.sel $0x180000  }
0x10e: {  	[bflag:$0x0] =	sbarrier.arrive $0xFFFF  }
0x10f: {  	p0 =	sne.s32 s1, $0x0;
	_ =	strace $0x90000047  }
0x110: {  	s0 =	sadd.s32 @!p0 $0x100000, s0;
	[bflag:$0x2] =	sbarrier.arrive $0xFFFF  }
0x111: {  	[sflag:s0] =	ssyncadd.tile.s32 @!p0 $0x1;
	_ =	shalt  }
.Lfunc_end2:
_tile_overlayer_lowered:
.L_overlay_start_2:
0x112: {  	(tag) =	ssettag $0x2  }
0x113: {  	s0 =	rddreg [dreg:$0x0];
	s2 =	stileid.u32  }
0x114: {  	s1 =	rddreg [dreg:$0x1];
	p0 =	sne.s32 s2, $0x0  }
0x115: {  	s3 =	rddreg [dreg:$0x2];
	[bflag:$0x3] =	sbarrier.arrive $0xFFFF;
	s2 =	simm.s32 @!p0 $0x1C03  }
0x116: {  	[timem:s3], [sflag:s2] =	dma.local @!p0 [hbm:s0], s1  }
0x117: {  	s0 =	simm.s32 @!p0 $0x3  }
0x118: {  	_ =	swait.ge @!p0 [sflag:s0], s1  }
0x119: {  	s1 =	ssub.s32 @!p0 $0x0, s1;
	[sflag:s0] =	ssyncset.done @!p0 $0x0  }
0x11a: {  	[sflag:s0] =	ssyncadd.s32 @!p0 s1  }
0x11b: {  	[bflag:$0x3] =	sbarrier.arrive $0xFFFF  }
0x11c: {  	_ =	shalt  }

// kernel: kernel.9.cloned.1.call-start
scs
__scs_entry_jumppad:
0x0: {  	(pc) =	sbr.rel $0x88, $3  }
0x1: {  	(tag) =	ssettag $0x0;
	lr =	simm.s32 $0x1  }
0x2: {  	[smem:$0x3F9A] =	sst lr;
	_ =	strace $0xD0000000  }
0x3: {  	_ = 	snop  }
0x4: {  	_ = 	snop  }
0x5: {  	_ = 	snop  }
0x6: {  	_ = 	snop  }
0x7: {  	_ = 	snop  }
__scs_overlays_trampoline_lowered:
0x8: {  	[smem:$0x3FA9] =	sst s0  }
0x9: {  	[smem:$0x3FAA] =	sst s1  }
0xa: {  	[smem:$0x3FAB] =	sst s2  }
0xb: {  	[smem:$0x3FAC] =	sst s3  }
0xc: {  	[smem:$0x3FAD] =	sst s4  }
0xd: {  	[smem:$0x3FAE] =	sst s5  }
0xe: {  	[smem:$0x3FAF] =	sst s6  }
0xf: {  	[smem:$0x3FB0] =	sst s7  }
0x10: {  	[smem:$0x3FB1] =	sst s8  }
0x11: {  	[smem:$0x3FB2] =	sst s9;
	s0 =	simm.s32 @!p0 $0x0  }
0x12: {  	s1 =	sld [smem:$0x3F98];
	s0 =	simm.s32 @p0 $0x1  }
0x13: {  	[smem:$0x3FB3] =	sst s0;
	s0 =	simm.s32 @!p1 $0x0  }
0x14: {  	s2 =	sld [smem:$0x3F97];
	s0 =	simm.s32 @p1 $0x1  }
0x15: {  	[smem:$0x3FB4] =	sst s0;
	s0 =	simm.s32 @!p2 $0x0  }
0x16: {  	s3 =	sld [smem:$0x3FDB];
	s0 =	simm.s32 @p2 $0x1  }
0x17: {  	s4 =	simm.s32 $0x1BF5;
	[smem:$0x3FB6] =	sst s0  }
0x18: {  	s0 =	sld [smem:$0x3F99];
	_ =	swait.ge [sflag:s4], $0x0  }
0x19: {  	s7 =	sld [smem:$0x3F9A]  }
0x1a: {  	s8 =	sadd.s32 $0xFFFFE003, lr  }
0x1b: {  	s9 =	sadd.s32 $0xFFFFFEF7, lr;
	s5 =	simm.s32 $0xFFFFFFFF;
	p2 =	slt.u32 s8, $0xFFFFF086  }
0x1c: {  	p1 =	slt.u32 s9, $0xF7A;
	s5 =	simm.s32 @!p2 $0x0  }
0x1d: {  	s5 =	simm.s32 @p1 $0x1;
	p0 =	seq.s32 s7, s2  }
0x1e: {  	s7 =	smul.u32 @!p0 $0xF7A, s2;
	p2 =	seq.s32 @!p0 s5, $0x0  }
0x1f: {  	s9 =	smul.u32 $0xF7A, s1;
	s8 =	simm.s32 @!p0 $0x1BF5;
	p2 =	por !p2, p0  }
0x20: {  	[sflag:s8] =	ssyncset.s32 @!p0 $0xFFFFF086;
	s6 =	sadd.s32 @!p0 s3, s7;
	s7 =	simm.s32 @!p0 $0x108  }
0x21: {  	s3 =	sadd.s32 s3, s9;
	s6 =	sadd.s32 @!p0 $0x88, s6;
	s7 =	simm.s32 @p2 $0x1082  }
0x22: {  	[simem:s7], [sflag:s8] =	dma.local @!p0 [hbm:s6], $0xF7A  }
0x23: {  	s9 =	sor.u32 $0xD0000000, s2;
	s6 =	simm.s32 $0x108;
	_ =	swait.ge @!p0 [sflag:s8], $0x0  }
0x24: {  	s3 =	sadd.s32 $0x88, s3;
	s6 =	simm.s32 @!p1 $0x1082;
	[sflag:s4] =	ssyncset.s32 $0xFFFFF086  }
0x25: {  	[simem:s6], [sflag:s4] =	dma.local [hbm:s3], $0xF7A  }
0x26: {  	[smem:$0x3F9A] =	sst s1;
	(tag) =	ssettag s2;
	_ =	strace s9  }
0x27: {  	s1 =	sld [smem:$0x3FAA]  }
0x28: {  	s2 =	sld [smem:$0x3FAB]  }
0x29: {  	s4 =	sld [smem:$0x3FAD]  }
0x2a: {  	p0 =	seq.s32 s5, $0x0;
	s5 =	sld [smem:$0x3FAE]  }
0x2b: {  	s6 =	sld [smem:$0x3FAF]  }
0x2c: {  	s7 =	sld [smem:$0x3FB0]  }
0x2d: {  	s3 =	simm.s32 $0x108;
	s8 =	sld [smem:$0x3FB1]  }
0x2e: {  	s3 =	simm.s32 @!p0 $0x1082;
	s9 =	sld [smem:$0x3FB2]  }
0x2f: {  	lr =	sadd.s32 s0, s3;
	s0 =	sld [smem:$0x3FA9]  }
0x30: {  	s3 =	sld [smem:$0x3FAC]  }
0x31: {  	[smem:$0x3FB5] =	sst s10  }
0x32: {  	s10 =	sld [smem:$0x3FB3];
	_ =	sdelay $0x3  }
0x33: {  	p0 =	seq.s32 s10, $0x1;
	s10 =	sld [smem:$0x3FB5];
	_ =	sdelay $0x3  }
0x34: {  	[smem:$0x3FB5] =	sst s10  }
0x35: {  	s10 =	sld [smem:$0x3FB4];
	_ =	sdelay $0x3  }
0x36: {  	p1 =	seq.s32 s10, $0x1;
	s10 =	sld [smem:$0x3FB5];
	_ =	sdelay $0x3  }
0x37: {  	[smem:$0x3FB5] =	sst s10  }
0x38: {  	s10 =	sld [smem:$0x3FB6]  }
0x39: {  	_ = 	snop;
	(pc) =	sbr.ind lr, $3  }
0x3a: {  	_ = 	snop  }
0x3b: {  	_ = 	snop  }
0x3c: {  	p2 =	seq.s32 s10, $0x1;
	s10 =	sld [smem:$0x3FB5]  }
0x3d: {  	_ =	shalt  }
0x3e: {  	_ =	shalt  }
0x3f: {  	_ =	shalt  }
0x40: {  	_ =	shalt  }
0x41: {  	_ =	shalt  }
0x42: {  	_ =	shalt  }
0x43: {  	_ =	shalt  }
0x44: {  	_ =	shalt  }
0x45: {  	_ =	shalt  }
0x46: {  	_ =	shalt  }
0x47: {  	_ =	shalt  }
0x48: {  	_ =	shalt  }
0x49: {  	_ =	shalt  }
0x4a: {  	_ =	shalt  }
0x4b: {  	_ =	shalt  }
0x4c: {  	_ =	shalt  }
0x4d: {  	_ =	shalt  }
0x4e: {  	_ =	shalt  }
0x4f: {  	_ =	shalt  }
0x50: {  	_ =	shalt  }
0x51: {  	_ =	shalt  }
0x52: {  	_ =	shalt  }
0x53: {  	_ =	shalt  }
0x54: {  	_ =	shalt  }
0x55: {  	_ =	shalt  }
0x56: {  	_ =	shalt  }
0x57: {  	_ =	shalt  }
0x58: {  	_ =	shalt  }
0x59: {  	_ =	shalt  }
0x5a: {  	_ =	shalt  }
0x5b: {  	_ =	shalt  }
0x5c: {  	_ =	shalt  }
0x5d: {  	_ =	shalt  }
0x5e: {  	_ =	shalt  }
0x5f: {  	_ =	shalt  }
0x60: {  	_ =	shalt  }
0x61: {  	_ =	shalt  }
0x62: {  	_ =	shalt  }
0x63: {  	_ =	shalt  }
0x64: {  	_ =	shalt  }
0x65: {  	_ =	shalt  }
0x66: {  	_ =	shalt  }
0x67: {  	_ =	shalt  }
0x68: {  	_ =	shalt  }
0x69: {  	_ =	shalt  }
0x6a: {  	_ =	shalt  }
0x6b: {  	_ =	shalt  }
0x6c: {  	_ =	shalt  }
0x6d: {  	_ =	shalt  }
0x6e: {  	_ =	shalt  }
0x6f: {  	_ =	shalt  }
0x70: {  	_ =	shalt  }
0x71: {  	_ =	shalt  }
0x72: {  	_ =	shalt  }
0x73: {  	_ =	shalt  }
0x74: {  	_ =	shalt  }
0x75: {  	_ =	shalt  }
0x76: {  	_ =	shalt  }
0x77: {  	_ =	shalt  }
0x78: {  	_ =	shalt  }
0x79: {  	_ =	shalt  }
0x7a: {  	_ =	shalt  }
0x7b: {  	_ =	shalt  }
0x7c: {  	_ =	shalt  }
0x7d: {  	_ =	shalt  }
0x7e: {  	_ =	shalt  }
0x7f: {  	_ =	shalt  }
0x80: {  	_ =	shalt  }
0x81: {  	_ =	shalt  }
0x82: {  	_ =	shalt  }
0x83: {  	_ =	shalt  }
0x84: {  	_ =	shalt  }
0x85: {  	_ =	shalt  }
0x86: {  	_ =	shalt  }
0x87: {  	_ =	shalt  }
.Lfunc_end0:
.L_simem_size_0:
called_computation.1_lowered:
.L_overlay_start_0:
0x88: {  	s2 =	sld [smem:$0x3FD9]  }
0x89: {  	s3 =	sld [smem:$0x3FFE];
	_ =	sdelay $0x1  }
0x8a: {  	s1 =	srdreg.scid  }
0x8b: {  	s0 =	sand.u32 $0x1, s1  }
0x8c: {  	s16 =	sshll.u32 s0, $0xA;
	s2 =	sadd.s32 s3, s2  }
0x8d: {  	s2 =	sadd.s32 s2, s16  }
0x8e: {  	[smem:$0x3FC1] =	sst s2  }
0x8f: {  	_ = 	snop  }
0x90: {  	(tm) =	ssettm $0x1  }
0x91: {  	s17 =	sld [smem:$0x3FFB];
	_ =	sdelay $0x3  }
0x92: {  	_ =	strace s17  }
0x93: {  	s2 =	sld [smem:$0x3FFC];
	_ =	sdelay $0x3  }
0x94: {  	_ =	strace s2  }
0x95: {  	s2 =	sld [smem:$0x3FFD];
	_ =	sdelay $0x3  }
0x96: {  	_ =	strace s2  }
0x97: {  	_ =	strace $0x8FFFFFFF  }
0x98: {  	s18 =	sld [smem:$0x3FDB];
	_ =	sdelay $0x1  }
0x99: {  	s19 =	simm.s32 $_scs_section_size  }
0x9a: {  	s4 =	simm.s32 $_size__tile_overlayer_lowered;
	s5 =	simm.s32 $_tile_overlayer_lowered  }
0x9b: {  	s22 =	simm.s32 $0x1BFF;
	s21 =	sshll.u32 s5, $0x1;
	s2 =	sadd.s32 s19, s18  }
0x9c: {  	s6 =	simm.s32 $0x0;
	s20 =	sshll.u32 s4, $0x1;
	s4 =	sadd.s32 s21, s2  }
0x9d: {  	[timem:s6], [sflag:s22] =	dma.local [hbm:s4], s20  }
0x9e: {  	_ =	swait.ge [sflag:s22], s20  }
0x9f: {  	s3 =	ssub.s32 $0x0, s20;
	[sflag:s22] =	ssyncset.done $0x0  }
0xa0: {  	[sflag:s22] =	ssyncadd.s32 s3;
	_ =	sdelay $0x1  }
0xa1: {  	s23 =	simm.s32 $0x1B8B  }
0xa2: {  	_ =	swait.ge [sflag:s23], $0x1  }
0xa3: {  	[sflag:s23] =	ssyncset.done $0x0  }
0xa4: {  	s25 =	simm.s32 $0x1B8E;
	s24 =	sld [smem:$0x3FFE];
	[sflag:s23] =	ssyncadd.s32 $0xFFFFFFFF  }
0xa5: {  	s26 =	simm.s32 $execute0_lowered;
	[smem:$0x3FD2] =	sst s25  }
0xa6: {  	s4 =	sshll.u32 s26, $0x1;
	_ =	strace $0x80000049;
	[dreg:$0x1] =	wrdreg $0xFFFFFFFF  }
0xa7: {  	s28 =	simm.s32 $_size_execute0_lowered;
	s2 =	sadd.s32 s2, s4;
	[dreg:$0x0] =	wrdreg $0x0  }
0xa8: {  	s4 =	sshll.u32 s28, $0x1;
	[dreg:$0x2] =	wrdreg s2  }
0xa9: {  	[dreg:$0x3] =	wrdreg s4  }
0xaa: {  	[dreg:$0x4] =	wrdreg $0xC0  }
0xab: {  	_ =	task [dreg:s6], $0x5FFFF  }
0xac: {  	[dreg:$0x1] =	wrdreg $0xFFFFFFFF  }
0xad: {  	[dreg:$0x0] =	wrdreg $0x60  }
0xae: {  	[dreg:$0x2] =	wrdreg s24  }
0xaf: {  	[dreg:$0x3] =	wrdreg $0xC9000  }
0xb0: {  	[dreg:$0x4] =	wrdreg $0x9  }
0xb1: {  	_ =	task.clear_ibuf [dreg:s6], $0x5FFFF;
	_ =	strace $0x90000049  }
0xb2: {  	s29 =	simm.s32 $0x9;
	_ =	strace $0x8000004B  }
0xb3: {  	_ =	swait.ge [sflag:s29], $0x1  }
0xb4: {  	[sflag:s29] =	ssyncadd.s32 $0xFFFFFFFF  }
0xb5: {  	_ =	strace $0x9000004B  }
0xb6: {  	_ =	sfence  }
0xb7: {  	s30 =	sld [smem:$0x0];
	_ =	sdelay $0x2  }
0xb8: {  	s31 =	sshll.u32 s1, $0xD;
	s1 =	sshrl.u32 s1, $0x2  }
0xb9: {  	s3 =	sand.u32 $0x4000, s31;
	s1 =	sadd.s32 s1, s30  }
0xba: {  	s0 =	sor.u32 s3, s0;
	s1 =	sshll.u32 s1, $0x11  }
0xbb: {  	s0 =	sor.u32 s1, s0  }
0xbc: {  	s0 =	sadd.s32 $0x8F2B, s0  }
0xbd: {  	[sflag:s0] =	ssyncadd.remote.s32 $0x1  }
0xbe: {  	_ =	sfence.sel $0xFFFF  }
0xbf: {  	[dreg:$0x0] =	wrdreg $0xFFFFFFFF;
	(pc) =	sbr.abs _section_cstart, $3  }
0xc0: {  	[dreg:$0x1] =	wrdreg $0xFFFFFFFF  }
0xc1: {  	_ =	task.clear_ibuf [dreg:s6], $0x2FFFF;
	_ =	strace $0x9FFFFFFF  }
0xc2: {  	(tm) =	ssettm $0x7FFFFFFF  }
0xc3: {  	_ =	shalt  }
tec
execute0_lowered:
.L_overlay_start_1:
0x0: {  	(tag) =	ssettag $0x1  }
0x1: {  	s1 =	rddreg [dreg:$0x0]  }
0x2: {  	s10 =	rddreg [dreg:$0x1]  }
0x3: {  	s0 =	rddreg [dreg:$0x2];
	s4 =	srdreg.scid  }
0x4: {  	s3 =	simm.s32 $0x0;
	s2 =	stileid.u32;
	s16 =	simm.s32 $0xA000  }
0x5: {  	s17 =	simm.s32 $0x1;
	s18 =	simm.s32 $0x2;
	s19 =	simm.s32 $0xC000  }
0x6: {  	s20 =	simm.s32 $0xC800;
	s21 =	simm.s32 $0xC880;
	s22 =	simm.s32 $0x0  }
0x7: {  	v0 =	vlaneseq.u32;
	s5 =	sand.u32 $0x1, s4;
	[smem:$0x7FF] =	sst s3;
	s9 =	sshll.u32 s2, $0x9  }
0x8: {  	v1 =	vimm.f32 $0.0e+00;
	v2 =	vimm.f32 $1.000000000e+00;
	vm0 =	vmmov $0x1;
	s4 =	sadd.s32 $0x80200, s1;
	s6 =	sshll.u32 s2, $0x4;
	s14 =	sshll.u32 s2, $0xB  }
0x9: {  	vm1 =	vmmov $0x3;
	vm2 =	vmmov $0x7;
	v4 =	vimm.s32 $0x0;
	s11 =	sshll.u32 s5, $0x8;
	_ =	strace $0x8000004A;
	s7 =	ssub.s32 $0x2, s5  }
0xa: {  	vm3 =	vmmov $0xf;
	vm4 =	vmmov $0x1f;
	v4 =	vsel vm0, $0xFFFFFFFF, v4;
	s12 =	sadd.s32 s6, s1;
	s15 =	sshrl.u32 s9, $0x2;
	s8 =	sor.u32 s11, s9  }
0xb: {  	vm5 =	vmmov $0x3f;
	vm6 =	vmmov $0x7f;
	[tilespmem:$0x1FFD0] =	vst v4;
	v4 =	vimm.s32 $0x0;
	s31 =	sshrl.u32 s7, $0x1;
	s9 =	sadd.s32 s14, s10;
	s10 =	sadd.s32 s15, s10  }
0xc: {  	vm7 =	vmmov $0xff;
	vm8 =	vmmov $0x1ff;
	s11 =	sadd.s32 s11, s12;
	s14 =	simm.s32 $0x3;
	s15 =	simm.s32 $0x8000;
	v4 =	vsel vm1, $0xFFFFFFFF, v4  }
0xd: {  	vm9 =	vmmov $0x3ff;
	vm10 =	vmmov $0x7ff;
	s30 =	sshll.u32 s8, $0x6;
	s13 =	ssub.s32 s7, s31;
	s7 =	sor.u32 $0x20, s8;
	[tilespmem:$0x1FFE0] =	vst v4;
	v4 =	vimm.s32 $0x0  }
0xe: {  	vm11 =	vmmov $0xfff;
	vm12 =	vmmov $0x1fff;
	s8 =	sor.u32 $0x30, s8;
	s11 =	sadd.s32 $0x80400, s11;
	s5 =	sadd.s32 s1, s30;
	v4 =	vsel vm2, $0xFFFFFFFF, v4  }
0xf: {  	vm13 =	vmmov $0x3fff;
	vm14 =	vmmov $0x7fff;
	v3 =	vor.u32 $0x4000, v0;
	s12 =	smax.u32 s13, $0x1;
	s13 =	simm.s32 $0xD100;
	s6 =	sadd.s32 $0x400, s5;
	[tilespmem:$0x1FFF0] =	vst v4  }
.LBB2_1:
0x10: {  	[tilespmem:s13], [sflag:$0x3] =	stream.linear.gather [hbm4b:s4+s3], $0x80, $0x38;
	[tilespmem:$0xD180] =	vst v63  }
0x11: {  	_ =	swait.ge [sflag:s14], $0x80  }
0x12: {  	[sflag:s14] =	ssyncset.done $0x0  }
0x13: {  	s23 =	simm.s32 $0x40;
	[sflag:s14] =	ssyncadd.s32 $0xFFFFFF80  }
0x14: {  	[tilespmem:s23+$0xFFFFFFC0] =	vst v1  }
0x15: {  	[tilespmem:s23+$0x30] =	vst v1  }
0x16: {  	[tilespmem:s23+$0x20] =	vst v1  }
0x17: {  	[tilespmem:s23+$0x10] =	vst v1  }
0x18: {  	[tilespmem:s23+$0x0] =	vst v1  }
0x19: {  	[tilespmem:s23+$0xFFFFFFF0] =	vst v1  }
0x1a: {  	s24 =	simm.s32 $0x0;
	[tilespmem:s23+$0xFFFFFFE0] =	vst v1  }
.LBB2_2:
0x1b: {  	s24 =	sadd.s32 $0x8, s24;
	[tilespmem:s23+$0xFFFFFFD0] =	vst v1;
	s23 =	sadd.s32 $0x80, s23  }
0x1c: {  	[tilespmem:s23+$0xFFFFFFC0] =	vst v1;
	p0 =	slt.u32 s24, $0x7F8  }
0x1d: {  	[tilespmem:s23+$0x30] =	vst v1  }
.Ltmp0:
0x1e: {  	[tilespmem:s23+$0x20] =	vst v1;
	(pc) =	sbr.rel @p0 .LBB2_2-.Ltmp0, $4  }
0x1f: {  	[tilespmem:s23+$0x10] =	vst v1  }
0x20: {  	[tilespmem:s23+$0x0] =	vst v1  }
0x21: {  	[tilespmem:s23+$0xFFFFFFF0] =	vst v1  }
0x22: {  	[tilespmem:s23+$0xFFFFFFE0] =	vst v1  }
0x23: {  	[tilespmem:s23+$0xFFFFFFD0] =	vst v1;
	s23 =	simm.s32 $0x0  }
0x24: {  	v4 =	vld [tilespmem:$0xD100];
	[tilespmem:s15], [sflag:$0x1] =	stream.linear.gather [hbm4b:s5+s23], $0x2000, $0x38  }
0x25: {  	_ = 	snop  }
0x26: {  	[tilespmem:s16], [sflag:$0x2] =	stream.linear.gather [hbm4b:s6+s23], $0x2000, $0x38;
	[tilespmem:$0xD180] =	vst v63  }
.LBB2_4:
0x27: {  	_ =	swait.ge [sflag:s17], $0x2000  }
0x28: {  	s24 =	simm.s32 $0x0;
	[sflag:s17] =	ssyncset.done $0x0  }
0x29: {  	s25 =	simm.s32 $0x0;
	s26 =	simm.s32 $0x0;
	[sflag:s17] =	ssyncadd.s32 $0xFFFFE000  }
.LBB2_5:
0x2a: {  	s28 =	sshll.u32 s25, $0x2;
	s29 =	sand.u32 $0x7, s24  }
0x2b: {  	s28 =	sand.u32 $0xFFFFC000, s28;
	s29 =	sshll.u32 s29, $0x9  }
0x2c: {  	s28 =	sor.u32 s29, s28  }
0x2d: {  	s28 =	sshrl.u32 s28, $0x2  }
0x2e: {  	s29 =	simm.s32 $0xFFFFFFFE;
	s28 =	sadd.s32 $0x8040, s28  }
.LBB2_6:
0x2f: {  	v5 =	vld [tilespmem:s28+$0xFFFFFFC0]  }
0x30: {  	v6 =	vld [tilespmem:s28+$0xFFFFFFD0]  }
0x31: {  	v7 =	vld [tilespmem:s28+$0xFFFFFFE0]  }
0x32: {  	v8 =	vld [tilespmem:s28+$0xFFFFFFF0];
	_ =	sdelay $0x3  }
0x33: {  	v9 =	vshrl.u32 v5, $0x15  }
0x34: {  	v10 =	vshrl.u32 v6, $0x15;
	v26 =	vshrl.u32 v7, $0x15;
	v27 =	vshrl.u32 v8, $0x15  }
0x35: {  	v11 =	vshrl.u32 v5, $0x7;
	v12 =	vshrl.u32 v6, $0x7;
	v13 =	vshrl.u32 v7, $0x7  }
0x36: {  	v16 =	vshrl.u32 v8, $0x7;
	vm15 =	veq.s32 v9, v4;
	vm0 =	veq.s32 v10, v4  }
0x37: {  	vm1 =	veq.s32 v26, v4;
	vm2 =	veq.s32 v27, v4;
	v28 =	vand.u32 $0x3FF0, v11  }
0x38: {  	v14 =	vand.u32 $0x3FF0, v12;
	v15 =	vand.u32 $0x3FF0, v13;
	v19 =	vand.u32 $0x3FF0, v16  }
0x39: {  	v11 =	vand.u32 $0x3F80, v11;
	v30 =	vand.u32 $0x3F80, v12;
	v29 =	vor.u32 v0, v28  }
0x3a: {  	v32 =	vand.u32 $0x3F80, v13;
	v17 =	vor.u32 v0, v14;
	v10 =	vand.u32 $0x7F, v29  }
0x3b: {  	v18 =	vor.u32 v0, v15;
	v31 =	vand.u32 $0x7F, v17;
	v10 =	vor.u32 v11, v10  }
0x3c: {  	v20 =	vor.u32 v0, v19;
	v33 =	vand.u32 $0x7F, v18;
	v11 =	vor.u32 v30, v31  }
0x3d: {  	v34 =	vand.u32 $0x3F80, v16;
	v35 =	vand.u32 $0x7F, v20;
	v12 =	vor.u32 v32, v33  }
0x3e: {  	v13 =	vor.u32 v34, v35  }
0x3f: {  	v9 =	vor.u32 v3, v28  }
0x40: {  	v36 =	vor.u32 v3, v14;
	[tilespmem:v10+s3+$0x0] =	vst.idx.add.f32.msk vm15, v2  }
0x41: {  	v37 =	vor.u32 v3, v15;
	[tilespmem:v11+s3+$0x0] =	vst.idx.add.f32.msk vm0, v2  }
0x42: {  	v38 =	vor.u32 v3, v19;
	[tilespmem:v12+s3+$0x0] =	vst.idx.add.f32.msk vm1, v2  }
0x43: {  	[tilespmem:v13+s3+$0x0] =	vst.idx.add.f32.msk vm2, v2  }
0x44: {  	[tilespmem:v9+s3+$0x0] =	vst.idx.add.f32.msk vm15, v5  }
0x45: {  	[tilespmem:v36+s3+$0x0] =	vst.idx.add.f32.msk vm0, v6  }
0x46: {  	[tilespmem:v37+s3+$0x0] =	vst.idx.add.f32.msk vm1, v7  }
0x47: {  	[tilespmem:v38+s3+$0x0] =	vst.idx.add.f32.msk vm2, v8  }
0x48: {  	v5 =	vld [tilespmem:s28+$0x0]  }
0x49: {  	v6 =	vld [tilespmem:s28+$0x10]  }
0x4a: {  	v7 =	vld [tilespmem:s28+$0x20]  }
0x4b: {  	v8 =	vld [tilespmem:s28+$0x30];
	_ =	sdelay $0x3  }
0x4c: {  	v39 =	vshrl.u32 v5, $0x15  }
0x4d: {  	v40 =	vshrl.u32 v6, $0x15;
	v41 =	vshrl.u32 v7, $0x15;
	v42 =	vshrl.u32 v8, $0x15  }
0x4e: {  	v43 =	vshrl.u32 v5, $0x7;
	v46 =	vshrl.u32 v6, $0x7;
	v47 =	vshrl.u32 v7, $0x7  }
0x4f: {  	v50 =	vshrl.u32 v8, $0x7;
	vm0 =	veq.s32 v39, v4;
	vm15 =	veq.s32 v40, v4  }
0x50: {  	vm2 =	veq.s32 v41, v4;
	vm1 =	veq.s32 v42, v4;
	v44 =	vand.u32 $0x3FF0, v43  }
0x51: {  	v48 =	vand.u32 $0x3FF0, v46;
	v49 =	vand.u32 $0x3FF0, v47;
	v53 =	vand.u32 $0x3FF0, v50  }
0x52: {  	v11 =	vand.u32 $0x3F80, v43;
	v55 =	vand.u32 $0x3F80, v46;
	v45 =	vor.u32 v0, v44  }
0x53: {  	v57 =	vand.u32 $0x3F80, v47;
	v51 =	vor.u32 v0, v48;
	v10 =	vand.u32 $0x7F, v45  }
0x54: {  	v52 =	vor.u32 v0, v49;
	v56 =	vand.u32 $0x7F, v51;
	v10 =	vor.u32 v11, v10  }
0x55: {  	v54 =	vor.u32 v0, v53;
	v58 =	vand.u32 $0x7F, v52;
	v11 =	vor.u32 v55, v56  }
0x56: {  	v59 =	vand.u32 $0x3F80, v50;
	v60 =	vand.u32 $0x7F, v54;
	v12 =	vor.u32 v57, v58  }
0x57: {  	v13 =	vor.u32 v59, v60  }
0x58: {  	v9 =	vor.u32 v3, v44  }
0x59: {  	v61 =	vor.u32 v3, v48;
	[tilespmem:v10+s3+$0x0] =	vst.idx.add.f32.msk vm0, v2  }
0x5a: {  	s29 =	sadd.s32 $0x2, s29;
	v62 =	vor.u32 v3, v49;
	[tilespmem:v11+s3+$0x0] =	vst.idx.add.f32.msk vm15, v2  }
0x5b: {  	p0 =	slt.u32 s29, $0x6;
	v63 =	vor.u32 v3, v53;
	[tilespmem:v12+s3+$0x0] =	vst.idx.add.f32.msk vm2, v2  }
.Ltmp1:
0x5c: {  	[tilespmem:v13+s3+$0x0] =	vst.idx.add.f32.msk vm1, v2;
	(pc) =	sbr.rel @p0 .LBB2_6-.Ltmp1, $4  }
0x5d: {  	[tilespmem:v9+s3+$0x0] =	vst.idx.add.f32.msk vm0, v5  }
0x5e: {  	[tilespmem:v61+s3+$0x0] =	vst.idx.add.f32.msk vm15, v6  }
0x5f: {  	[tilespmem:v62+s3+$0x0] =	vst.idx.add.f32.msk vm2, v7  }
0x60: {  	s28 =	sadd.s32 $0x400, s28;
	[tilespmem:v63+s3+$0x0] =	vst.idx.add.f32.msk vm1, v8  }
0x61: {  	s26 =	sadd.s32 $0x1, s26  }
0x62: {  	p0 =	sne.s32 s26, $0x10  }
.Ltmp2:
0x63: {  	_ = 	snop;
	(pc) =	sbr.rel @p0 .LBB2_5-.Ltmp2, $2  }
0x64: {  	_ =	sdelay $0x2  }
0x65: {  	s25 =	sadd.s32 $0x200, s25;
	s24 =	sadd.s32 $0x1, s24  }
0x66: {  	s24 =	sshll.u32 s23, $0x5;
	p0 =	seq.s32 s23, $0x7  }
0x67: {  	s25 =	sadd.s32 @!p0 s24, s7  }
0x68: {  	s25 =	sshll.u32 @!p0 s25, $0x6  }
0x69: {  	s26 =	simm.s32 @!p0 $0x0;
	s28 =	simm.s32 @!p0 $0x8000;
	s25 =	sadd.s32 @!p0 s1, s25  }
0x6a: {  	[tilespmem:s28], [sflag:$0x1] =	stream.linear.gather @!p0 [hbm4b:s25+s26], $0x2000, $0x38;
	[tilespmem:$0xD180] =	vst v63  }
0x6b: {  	_ =	swait.ge [sflag:s18], $0x2000  }
0x6c: {  	s25 =	simm.s32 $0x0;
	[sflag:s18] =	ssyncset.done $0x0  }
0x6d: {  	s26 =	simm.s32 $0x0;
	s28 =	simm.s32 $0x0;
	[sflag:s18] =	ssyncadd.s32 $0xFFFFE000  }
.LBB2_9:
0x6e: {  	s29 =	sshll.u32 s26, $0x2;
	s30 =	sand.u32 $0x7, s25  }
0x6f: {  	s29 =	sand.u32 $0xFFFFC000, s29;
	s30 =	sshll.u32 s30, $0x9  }
0x70: {  	s29 =	sor.u32 s30, s29  }
0x71: {  	s29 =	sshrl.u32 s29, $0x2  }
0x72: {  	s30 =	simm.s32 $0xFFFFFFFE;
	s29 =	sadd.s32 $0xA040, s29  }
.LBB2_10:
0x73: {  	v5 =	vld [tilespmem:s29+$0xFFFFFFC0]  }
0x74: {  	v6 =	vld [tilespmem:s29+$0xFFFFFFD0]  }
0x75: {  	v7 =	vld [tilespmem:s29+$0xFFFFFFE0]  }
0x76: {  	v8 =	vld [tilespmem:s29+$0xFFFFFFF0];
	_ =	sdelay $0x3  }
0x77: {  	v9 =	vshrl.u32 v5, $0x15  }
0x78: {  	v10 =	vshrl.u32 v6, $0x15;
	v26 =	vshrl.u32 v7, $0x15;
	v27 =	vshrl.u32 v8, $0x15  }
0x79: {  	v11 =	vshrl.u32 v5, $0x7;
	v12 =	vshrl.u32 v6, $0x7;
	v13 =	vshrl.u32 v7, $0x7  }
0x7a: {  	v16 =	vshrl.u32 v8, $0x7;
	vm0 =	veq.s32 v9, v4;
	vm15 =	veq.s32 v10, v4  }
0x7b: {  	vm1 =	veq.s32 v26, v4;
	vm2 =	veq.s32 v27, v4;
	v28 =	vand.u32 $0x3FF0, v11  }
0x7c: {  	v14 =	vand.u32 $0x3FF0, v12;
	v15 =	vand.u32 $0x3FF0, v13;
	v19 =	vand.u32 $0x3FF0, v16  }
0x7d: {  	v11 =	vand.u32 $0x3F80, v11;
	v30 =	vand.u32 $0x3F80, v12;
	v29 =	vor.u32 v0, v28  }
0x7e: {  	v32 =	vand.u32 $0x3F80, v13;
	v17 =	vor.u32 v0, v14;
	v10 =	vand.u32 $0x7F, v29  }
0x7f: {  	v18 =	vor.u32 v0, v15;
	v31 =	vand.u32 $0x7F, v17;
	v10 =	vor.u32 v11, v10  }
0x80: {  	v20 =	vor.u32 v0, v19;
	v33 =	vand.u32 $0x7F, v18;
	v11 =	vor.u32 v30, v31  }
0x81: {  	v34 =	vand.u32 $0x3F80, v16;
	v35 =	vand.u32 $0x7F, v20;
	v12 =	vor.u32 v32, v33  }
0x82: {  	v13 =	vor.u32 v34, v35  }
0x83: {  	v9 =	vor.u32 v3, v28  }
0x84: {  	v36 =	vor.u32 v3, v14;
	[tilespmem:v10+s3+$0x0] =	vst.idx.add.f32.msk vm0, v2  }
0x85: {  	v37 =	vor.u32 v3, v15;
	[tilespmem:v11+s3+$0x0] =	vst.idx.add.f32.msk vm15, v2  }
0x86: {  	v38 =	vor.u32 v3, v19;
	[tilespmem:v12+s3+$0x0] =	vst.idx.add.f32.msk vm1, v2  }
0x87: {  	[tilespmem:v13+s3+$0x0] =	vst.idx.add.f32.msk vm2, v2  }
0x88: {  	[tilespmem:v9+s3+$0x0] =	vst.idx.add.f32.msk vm0, v5  }
0x89: {  	[tilespmem:v36+s3+$0x0] =	vst.idx.add.f32.msk vm15, v6  }
0x8a: {  	[tilespmem:v37+s3+$0x0] =	vst.idx.add.f32.msk vm1, v7  }
0x8b: {  	[tilespmem:v38+s3+$0x0] =	vst.idx.add.f32.msk vm2, v8  }
0x8c: {  	v5 =	vld [tilespmem:s29+$0x0]  }
0x8d: {  	v6 =	vld [tilespmem:s29+$0x10]  }
0x8e: {  	v7 =	vld [tilespmem:s29+$0x20]  }
0x8f: {  	v8 =	vld [tilespmem:s29+$0x30];
	_ =	sdelay $0x3  }
0x90: {  	v39 =	vshrl.u32 v5, $0x15  }
0x91: {  	v40 =	vshrl.u32 v6, $0x15;
	v41 =	vshrl.u32 v7, $0x15;
	v42 =	vshrl.u32 v8, $0x15  }
0x92: {  	v43 =	vshrl.u32 v5, $0x7;
	v46 =	vshrl.u32 v6, $0x7;
	v47 =	vshrl.u32 v7, $0x7  }
0x93: {  	v50 =	vshrl.u32 v8, $0x7;
	vm0 =	veq.s32 v39, v4;
	vm15 =	veq.s32 v40, v4  }
0x94: {  	vm2 =	veq.s32 v41, v4;
	vm1 =	veq.s32 v42, v4;
	v44 =	vand.u32 $0x3FF0, v43  }
0x95: {  	v48 =	vand.u32 $0x3FF0, v46;
	v49 =	vand.u32 $0x3FF0, v47;
	v53 =	vand.u32 $0x3FF0, v50  }
0x96: {  	v11 =	vand.u32 $0x3F80, v43;
	v55 =	vand.u32 $0x3F80, v46;
	v45 =	vor.u32 v0, v44  }
0x97: {  	v57 =	vand.u32 $0x3F80, v47;
	v51 =	vor.u32 v0, v48;
	v10 =	vand.u32 $0x7F, v45  }
0x98: {  	v52 =	vor.u32 v0, v49;
	v56 =	vand.u32 $0x7F, v51;
	v10 =	vor.u32 v11, v10  }
0x99: {  	v54 =	vor.u32 v0, v53;
	v58 =	vand.u32 $0x7F, v52;
	v11 =	vor.u32 v55, v56  }
0x9a: {  	v59 =	vand.u32 $0x3F80, v50;
	v60 =	vand.u32 $0x7F, v54;
	v12 =	vor.u32 v57, v58  }
0x9b: {  	v13 =	vor.u32 v59, v60  }
0x9c: {  	v9 =	vor.u32 v3, v44  }
0x9d: {  	v61 =	vor.u32 v3, v48;
	[tilespmem:v10+s3+$0x0] =	vst.idx.add.f32.msk vm0, v2  }
0x9e: {  	s30 =	sadd.s32 $0x2, s30;
	v62 =	vor.u32 v3, v49;
	[tilespmem:v11+s3+$0x0] =	vst.idx.add.f32.msk vm15, v2  }
0x9f: {  	p1 =	slt.u32 s30, $0x6;
	v63 =	vor.u32 v3, v53;
	[tilespmem:v12+s3+$0x0] =	vst.idx.add.f32.msk vm2, v2  }
.Ltmp3:
0xa0: {  	[tilespmem:v13+s3+$0x0] =	vst.idx.add.f32.msk vm1, v2;
	(pc) =	sbr.rel @p1 .LBB2_10-.Ltmp3, $4  }
0xa1: {  	[tilespmem:v9+s3+$0x0] =	vst.idx.add.f32.msk vm0, v5  }
0xa2: {  	[tilespmem:v61+s3+$0x0] =	vst.idx.add.f32.msk vm15, v6  }
0xa3: {  	[tilespmem:v62+s3+$0x0] =	vst.idx.add.f32.msk vm2, v7  }
0xa4: {  	s29 =	sadd.s32 $0x400, s29;
	[tilespmem:v63+s3+$0x0] =	vst.idx.add.f32.msk vm1, v8  }
0xa5: {  	s28 =	sadd.s32 $0x1, s28  }
0xa6: {  	p1 =	sne.s32 s28, $0x10  }
.Ltmp4:
0xa7: {  	_ = 	snop;
	(pc) =	sbr.rel @p1 .LBB2_9-.Ltmp4, $2  }
0xa8: {  	_ =	sdelay $0x2  }
0xa9: {  	s26 =	sadd.s32 $0x200, s26;
	s25 =	sadd.s32 $0x1, s25  }
.Ltmp5:
0xaa: {  	(pc) =	sbr.rel @p0 .LBB2_13-.Ltmp5, $1  }
0xab: {  	_ =	sdelay $0x3  }
.Ltmp6:
0xac: {  	(pc) =	sbr.rel .LBB2_4-.Ltmp6, $4  }
0xad: {  	s24 =	sadd.s32 s24, s8  }
0xae: {  	s24 =	sshll.u32 s24, $0x6  }
0xaf: {  	s23 =	sadd.s32 $0x1, s23;
	s24 =	sadd.s32 s1, s24  }
0xb0: {  	[tilespmem:s16], [sflag:$0x2] =	stream.linear.gather [hbm4b:s24+s3], $0x2000, $0x38;
	[tilespmem:$0xD180] =	vst v63  }
.LBB2_13:
0xb1: {  	v4 =	vld [tilespmem:$0x1FFD0];
	_ =	sdelay $0x4  }
0xb2: {  	vm0 =	vnez.u8 v4;
	v4 =	vld [tilespmem:$0x1FFE0];
	_ =	sdelay $0x4  }
0xb3: {  	vm1 =	vnez.u8 v4;
	v4 =	vld [tilespmem:$0x1FFF0];
	_ =	sdelay $0x4  }
0xb4: {  	s23 =	simm.s32 $0x0;
	s24 =	simm.s32 $0x80;
	vm2 =	vnez.u8 v4  }
.LBB2_14:
0xb5: {  	v4 =	vld [tilespmem:s24+$0xFFFFFF80]  }
0xb6: {  	v5 =	vld [tilespmem:s24+$0xFFFFFF90]  }
0xb7: {  	v6 =	vld [tilespmem:s24+$0xFFFFFFA0]  }
0xb8: {  	v7 =	vld [tilespmem:s24+$0xFFFFFFB0]  }
0xb9: {  	v8 =	vld [tilespmem:s24+$0xFFFFFFC0]  }
0xba: {  	(xrf2) =	vadd.scan.msk.f32 $0xffff, v4;
	v4 =	vld [tilespmem:s24+$0xFFFFFFD0]  }
0xbb: {  	(xrf2) =	vadd.scan.msk.f32 $0xffff, v5;
	v5 =	vld [tilespmem:s24+$0xFFFFFFE0]  }
0xbc: {  	v39 =	vld [tilespmem:s24+$0xFFFFFFF0];
	(xrf2) =	vadd.scan.msk.f32 $0xffff, v6  }
0xbd: {  	v40 =	vld [tilespmem:s24+$0x0];
	(xrf2) =	vadd.scan.msk.f32 $0xffff, v7  }
0xbe: {  	v41 =	vld [tilespmem:s24+$0x10];
	(xrf2) =	vadd.scan.msk.f32 $0xffff, v8  }
0xbf: {  	(xrf2) =	vadd.scan.msk.f32 $0xffff, v4;
	v4 =	vld [tilespmem:s24+$0x20]  }
0xc0: {  	(xrf2) =	vadd.scan.msk.f32 $0xffff, v5;
	v5 =	vld [tilespmem:s24+$0x30]  }
0xc1: {  	v42 =	vld [tilespmem:s24+$0x40];
	(xrf2) =	vadd.scan.msk.f32 $0xffff, v39  }
0xc2: {  	v43 =	vld [tilespmem:s24+$0x50];
	(xrf2) =	vadd.scan.msk.f32 $0xffff, v40  }
0xc3: {  	(xrf2) =	vadd.scan.msk.f32 $0xffff, v41  }
0xc4: {  	v44 =	vld [tilespmem:s24+$0x60];
	v9, _, _ =	vpop (xrf2);
	(xrf2) =	vadd.scan.msk.f32 $0xffff, v4  }
0xc5: {  	v4, _, _ =	vpop (xrf2);
	(xrf2) =	vadd.scan.msk.f32 $0xffff, v5  }
0xc6: {  	v5 =	vbroadcast v9, $0xF;
	v4 =	vbroadcast v4, $0xF;
	v45, _, _ =	vpop (xrf2);
	(xrf2) =	vadd.scan.msk.f32 $0xffff, v42  }
0xc7: {  	v46 =	vld [tilespmem:s24+$0x70];
	v10, _, _ =	vpop (xrf2);
	(xrf2) =	vadd.scan.msk.f32 $0xffff, v43;
	v47 =	vbroadcast v45, $0xF  }
0xc8: {  	v4 =	vsel vm0, v5, v4;
	v5 =	vbroadcast v10, $0xF;
	v48, _, _ =	vpop (xrf2)  }
0xc9: {  	(xrf2) =	vadd.scan.msk.f32 $0xffff, v44;
	v49, _, _ =	vpop (xrf2);
	v4 =	vsel vm1, v4, v47;
	v50 =	vbroadcast v48, $0xF  }
0xca: {  	v51, _, _ =	vpop (xrf2);
	v4 =	vsel vm2, v4, v5;
	v5 =	vbroadcast v49, $0xF  }
0xcb: {  	v4 =	vsel vm3, v4, v50;
	v52 =	vbroadcast v51, $0xF;
	v53, _, _ =	vpop (xrf2)  }
0xcc: {  	(xrf2) =	vadd.scan.msk.f32 $0xffff, v46;
	v54, _, _ =	vpop (xrf2);
	v4 =	vsel vm4, v4, v5;
	v5 =	vbroadcast v53, $0xF  }
0xcd: {  	v55, _, _ =	vpop (xrf2);
	v4 =	vsel vm5, v4, v52;
	v6 =	vbroadcast v54, $0xF  }
0xce: {  	v56, _, _ =	vpop (xrf2);
	v4 =	vsel vm6, v4, v5;
	v5 =	vbroadcast v55, $0xF  }
0xcf: {  	v57, _, _ =	vpop (xrf2);
	v4 =	vsel vm7, v4, v6;
	v58 =	vbroadcast v56, $0xF  }
0xd0: {  	v59, _, _ =	vpop (xrf2);
	v4 =	vsel vm8, v4, v5;
	v5 =	vbroadcast v57, $0xF  }
0xd1: {  	v60, _, _ =	vpop (xrf2);
	v4 =	vsel vm9, v4, v58  }
0xd2: {  	v61 =	vbroadcast v59, $0xF;
	v4 =	vsel vm10, v4, v5;
	v5 =	vbroadcast v60, $0xF  }
0xd3: {  	p0 =	sne.s32 s23, $0x1FC0;
	v62, _, _ =	vpop (xrf2)  }
.Ltmp7:
0xd4: {  	v4 =	vsel vm11, v4, v61;
	v63 =	vbroadcast v62, $0xF;
	(pc) =	sbr.rel @p0 .LBB2_14-.Ltmp7, $4  }
0xd5: {  	v4 =	vsel vm12, v4, v5  }
0xd6: {  	v4 =	vsel vm13, v4, v63;
	v5, _, _ =	vpop (xrf2)  }
0xd7: {  	s25 =	sshra.s32 s23, $0x2;
	v4 =	vsel vm14, v4, v5  }
0xd8: {  	s23 =	sadd.s32 $0x40, s23;
	s24 =	sadd.s32 $0x100, s24;
	[tilespmem:s25+$0xC000] =	vst v4  }
0xd9: {  	[spmem:s9] =	stream.linear.scatter [tilespmem:s19], [sflag:$0x3], $0x800, $0x38;
	[tilespmem:$0xD180] =	vst v63  }
0xda: {  	_ =	swait.ge [sflag:s14], $0x800  }
0xdb: {  	[sflag:s14] =	ssyncset.done $0x0  }
0xdc: {  	[sflag:s14] =	ssyncadd.s32 $0xFFFFF800  }
0xdd: {  	[bflag:$0x0] =	sbarrier.arrive $0xFFFF  }
0xde: {  	[tilespmem:$0xC880] =	vst v1  }
0xdf: {  	[tilespmem:$0xC890] =	vst v1  }
0xe0: {  	[tilespmem:$0xC8A0] =	vst v1  }
0xe1: {  	[tilespmem:$0xC8B0] =	vst v1  }
0xe2: {  	[tilespmem:$0xC8C0] =	vst v1  }
0xe3: {  	[tilespmem:$0xC8D0] =	vst v1  }
0xe4: {  	[tilespmem:$0xC8E0] =	vst v1  }
0xe5: {  	s23 =	sadd.s32 $0x0, s10;
	[tilespmem:$0xC8F0] =	vst v1  }
0xe6: {  	[tilespmem:s20], [sflag:$0x3] =	stream.linear.gather [spmem:s23], $0x80, $0x38;
	[tilespmem:$0xD180] =	vst v63  }
0xe7: {  	_ =	swait.ge [sflag:s14], $0x80  }
0xe8: {  	[sflag:s14] =	ssyncset.done $0x0  }
0xe9: {  	[sflag:s14] =	ssyncadd.s32 $0xFFFFFF80  }
0xea: {  	v7 =	vld [tilespmem:$0xC870]  }
0xeb: {  	v6 =	vld [tilespmem:$0xC860]  }
0xec: {  	v4 =	vld [tilespmem:$0xC850]  }
0xed: {  	v9 =	vld [tilespmem:$0xC830]  }
0xee: {  	v8 =	vld [tilespmem:$0xC820]  }
0xef: {  	s23 =	simm.s32 $0x2000;
	v5 =	vld [tilespmem:$0xC840]  }
.LBB2_16:
0xf0: {  	p0 =	sne.s32 s23, $0x1E000;
	v10 =	vld [tilespmem:$0xC810];
	s24 =	smov.u32 s23;
	s23 =	sadd.s32 $0x2000, s23  }
0xf1: {  	v11 =	vld [tilespmem:$0xC800]  }
0xf2: {  	v12 =	vld [tilespmem:$0xC8B0]  }
0xf3: {  	v13 =	vld [tilespmem:$0xC8A0]  }
0xf4: {  	v14 =	vld [tilespmem:$0xC8F0]  }
0xf5: {  	v15 =	vld [tilespmem:$0xC890]  }
0xf6: {  	v16 =	vld [tilespmem:$0xC8E0]  }
0xf7: {  	v9 =	vadd.f32 v9, v12;
	v12 =	vld [tilespmem:$0xC8D0]  }
0xf8: {  	v17 =	vld [tilespmem:$0xC880];
	v8 =	vadd.f32 v8, v13  }
0xf9: {  	[tilespmem:$0xC8B0] =	vst v9;
	v9 =	vld [tilespmem:$0xC8C0];
	v7 =	vadd.f32 v7, v14  }
0xfa: {  	v10 =	vadd.f32 v10, v15;
	[tilespmem:$0xC8A0] =	vst v8  }
0xfb: {  	v6 =	vadd.f32 v6, v16;
	[tilespmem:$0xC8F0] =	vst v7  }
0xfc: {  	[tilespmem:$0xC890] =	vst v10;
	v4 =	vadd.f32 v4, v12  }
0xfd: {  	v7 =	vadd.f32 v11, v17;
	[tilespmem:$0xC8E0] =	vst v6  }
0xfe: {  	s24 =	sshra.s32 s24, $0x2;
	v5 =	vadd.f32 v5, v9;
	[tilespmem:$0xC8D0] =	vst v4  }
0xff: {  	s24 =	sadd.s32 s24, s10;
	[tilespmem:$0xC880] =	vst v7  }
0x100: {  	[tilespmem:$0xC8C0] =	vst v5  }
0x101: {  	[tilespmem:s20], [sflag:$0x3] =	stream.linear.gather [spmem:s24], $0x80, $0x38;
	[tilespmem:$0xD180] =	vst v63  }
0x102: {  	_ =	swait.ge [sflag:s14], $0x80  }
0x103: {  	[sflag:s14] =	ssyncset.done $0x0  }
0x104: {  	[sflag:s14] =	ssyncadd.s32 $0xFFFFFF80  }
0x105: {  	v7 =	vld [tilespmem:$0xC870]  }
.Ltmp8:
0x106: {  	v6 =	vld [tilespmem:$0xC860];
	(pc) =	sbr.rel @p0 .LBB2_16-.Ltmp8, $4  }
0x107: {  	v4 =	vld [tilespmem:$0xC850]  }
0x108: {  	v9 =	vld [tilespmem:$0xC830]  }
0x109: {  	v8 =	vld [tilespmem:$0xC820]  }
0x10a: {  	v5 =	vld [tilespmem:$0xC840]  }
0x10b: {  	v10 =	vld [tilespmem:$0xC810]  }
0x10c: {  	v11 =	vld [tilespmem:$0xC800]  }
0x10d: {  	v12 =	vld [tilespmem:$0xC8B0]  }
0x10e: {  	v13 =	vld [tilespmem:$0xC8A0]  }
0x10f: {  	v14 =	vld [tilespmem:$0xC8F0]  }
0x110: {  	v15 =	vld [tilespmem:$0xC890]  }
0x111: {  	v16 =	vld [tilespmem:$0xC8E0]  }
0x112: {  	v61 =	vld [tilespmem:$0xC8D0];
	v9 =	vadd.f32 v9, v12  }
0x113: {  	v17 =	vld [tilespmem:$0xC880];
	v8 =	vadd.f32 v8, v13  }
0x114: {  	v62 =	vld [tilespmem:$0xC8C0];
	v7 =	vadd.f32 v7, v14;
	[tilespmem:$0xC8B0] =	vst v9  }
0x115: {  	v10 =	vadd.f32 v10, v15;
	[tilespmem:$0xC8A0] =	vst v8  }
0x116: {  	v6 =	vadd.f32 v6, v16;
	[tilespmem:$0xC8F0] =	vst v7  }
0x117: {  	v4 =	vadd.f32 v4, v61;
	[tilespmem:$0xC890] =	vst v10  }
0x118: {  	v63 =	vadd.f32 v11, v17;
	[tilespmem:$0xC8E0] =	vst v6  }
0x119: {  	s22 =	sadd.s32 $0x1, s22;
	v5 =	vadd.f32 v5, v62;
	[tilespmem:$0xC8D0] =	vst v4  }
0x11a: {  	p0 =	sne.s32 s22, s12;
	[tilespmem:$0xC880] =	vst v63  }
.Ltmp9:
0x11b: {  	[tilespmem:$0xC8C0] =	vst v5;
	(pc) =	sbr.rel @p0 .LBB2_1-.Ltmp9, $4  }
0x11c: {  	[hbm4b:s11+s3] =	stream.linear.scatter [tilespmem:s21], [sflag:$0x3], $0x80, $0x38;
	[tilespmem:$0xD180] =	vst v63  }
0x11d: {  	_ =	swait.ge [sflag:s14], $0x80  }
0x11e: {  	[sflag:s14] =	ssyncset.done $0x0  }
0x11f: {  	[sflag:s14] =	ssyncadd.s32 $0xFFFFFF80  }
0x120: {  	_ =	sfence.sel $0x180000  }
0x121: {  	[bflag:$0x0] =	sbarrier.arrive $0xFFFF  }
0x122: {  	p0 =	sne.s32 s2, $0x0;
	_ =	strace $0x9000004A  }
0x123: {  	s0 =	sadd.s32 @!p0 $0x100000, s0;
	[bflag:$0x2] =	sbarrier.arrive $0xFFFF  }
0x124: {  	[sflag:s0] =	ssyncadd.tile.s32 @!p0 $0x1;
	_ =	shalt  }
.Lfunc_end2:
_tile_overlayer_lowered:
.L_overlay_start_2:
0x125: {  	(tag) =	ssettag $0x2  }
0x126: {  	s0 =	rddreg [dreg:$0x0];
	s2 =	stileid.u32  }
0x127: {  	s1 =	rddreg [dreg:$0x1];
	p0 =	sne.s32 s2, $0x0  }
0x128: {  	s3 =	rddreg [dreg:$0x2];
	[bflag:$0x3] =	sbarrier.arrive $0xFFFF;
	s2 =	simm.s32 @!p0 $0x1C03  }
0x129: {  	[timem:s3], [sflag:s2] =	dma.local @!p0 [hbm:s0], s1  }
0x12a: {  	s0 =	simm.s32 @!p0 $0x3  }
0x12b: {  	_ =	swait.ge @!p0 [sflag:s0], s1  }
0x12c: {  	s1 =	ssub.s32 @!p0 $0x0, s1;
	[sflag:s0] =	ssyncset.done @!p0 $0x0  }
0x12d: {  	[sflag:s0] =	ssyncadd.s32 @!p0 s1  }
0x12e: {  	[bflag:$0x3] =	sbarrier.arrive $0xFFFF  }
0x12f: {  	_ =	shalt  }

</sc_bundles>
